<compile_context>
chip_gen: v7x
topology: tpu7x:2x2x1
jax: 0.10.2.dev20260603
libtpu: 0.0.44.dev20260713+nightly
codegen_flags: <defaults>
</compile_context>

<pallas_src>
import functools

import jax
import jax.numpy as jnp
from jax import lax
from jax.experimental import pallas as pl
from jax.experimental.pallas import tpu as pltpu
from jax.experimental.pallas import tpu_sc as plsc

_B = 16384
_NW = 32
_RPW = (_B // 2) // _NW
_CHK = 256
_BLK = 4096


def _sc_body(fea_hbm, table_hbm, buf_hbm, fea1_v, fea2_v, idx1_v, idx2_v, table_v, rows_v, sem):
    wid = lax.axis_index("s") * 2 + lax.axis_index("c")
    zeros16 = jnp.zeros((16,), jnp.int32)
    iota16 = lax.broadcasted_iota(jnp.int32, (16,), 0)
    rb = wid * _RPW
    grp = rb // 2048
    i1 = 4096 * grp + (rb - 2048 * grp)
    ct = pltpu.async_copy(table_hbm, table_v, sem)
    c1 = pltpu.async_copy(fea_hbm.at[pl.ds(i1, _CHK)], fea1_v, sem)
    c2 = pltpu.async_copy(fea_hbm.at[pl.ds(i1 + 2048, _CHK)], fea2_v, sem)
    ct.wait()
    c1.wait()
    c2.wait()

    def _extract(j, carry):
        rows16 = iota16 + 16 * j
        plsc.store_scatter(idx1_v, [rows16], plsc.load_gather(fea1_v, [rows16, zeros16]))
        plsc.store_scatter(idx2_v, [rows16], plsc.load_gather(fea2_v, [rows16, zeros16]))
        return carry

    lax.fori_loop(0, _CHK // 16, _extract, 0, unroll=8)

    @plsc.parallel_loop(0, _CHK // 16, unroll=2)
    def _lookup(j):
        rows16 = iota16 + 16 * j
        p1 = plsc.load_gather(idx1_v, [rows16])
        p2 = plsc.load_gather(idx2_v, [rows16])
        for c in range(32):
            col16 = zeros16 + c
            va = plsc.load_gather(table_v, [p1, col16])
            plsc.store_scatter(rows_v, [rows16, col16], va)
            vb = plsc.load_gather(table_v, [p2, col16])
            plsc.store_scatter(rows_v, [rows16, col16 + 32], vb)

    pltpu.sync_copy(rows_v, buf_hbm.at[pl.ds(rb, _CHK)])


_sc_gather = functools.partial(
    pl.kernel,
    out_type=jax.ShapeDtypeStruct((_B // 2, 64), jnp.float32),
    mesh=plsc.VectorSubcoreMesh(core_axis_name="c", subcore_axis_name="s"),
    scratch_types=[
        pltpu.VMEM((_CHK, 26), jnp.int32),
        pltpu.VMEM((_CHK, 26), jnp.int32),
        pltpu.VMEM((_CHK,), jnp.int32),
        pltpu.VMEM((_CHK,), jnp.int32),
        pltpu.VMEM((6, 128), jnp.float32),
        pltpu.VMEM((_CHK, 64), jnp.float32),
        pltpu.SemaphoreType.DMA,
    ],
    compiler_params=pltpu.CompilerParams(
        use_tc_tiling_on_sc=True, needs_layout_passes=False
    ),
)(_sc_body)


def _tc_body(buf_ref, fea_ref, p_ref, out_ref):
    fea = fea_ref[...].astype(jnp.float32)
    u = jnp.dot(fea, p_ref[0:26, :], preferred_element_type=jnp.float32)
    s = jnp.dot(fea, p_ref[32:58, :], preferred_element_type=jnp.float32)
    lane = lax.broadcasted_iota(jnp.int32, u.shape, 1)
    buf = buf_ref[...]
    rate = jnp.concatenate([buf[:, 0:32], buf[:, 32:64]], axis=0)
    rate2 = jnp.concatenate([rate, rate], axis=1)
    out_ref[...] = jnp.where(lane < 32, rate2, u * (1.0 / s))


@jax.jit
def kernel(item_fea, rate_table, genre_W):
    fea = item_fea.astype(jnp.int32)
    table128 = jnp.zeros((6, 128), jnp.float32).at[:, :32].set(rate_table)
    packed = jnp.zeros((64, 64), jnp.float32)
    packed = packed.at[1:26, 32:].set(genre_W.T)
    packed = packed.at[33:58, :].set(1.0)

    buf = _sc_gather(fea, table128)

    return pl.pallas_call(
        _tc_body,
        grid=(_B // _BLK,),
        in_specs=[
            pl.BlockSpec((_BLK // 2, 64), lambda i: (i, 0)),
            pl.BlockSpec((_BLK, 26), lambda i: (i, 0)),
            pl.BlockSpec((64, 64), lambda i: (0, 0)),
        ],
        out_specs=pl.BlockSpec((_BLK, 64), lambda i: (i, 0)),
        out_shape=jax.ShapeDtypeStruct((_B, 64), jnp.float32),
    )(buf, fea, packed)

# --- scband reference (transcript-rebuilt; emitter-appended) ---
"""Pipeline reference for scband-item-embedding-ml-51702816309777 (READ-ONLY COPY).

The authoritative reference and input builder live on the scoring server;
editing this copy changes nothing except your own understanding.
"""

import jax, jax.numpy as jnp
import numpy as np

NUM_RATE = 6
NUM_GENRE = 25
EMBED_DIM = 32
BATCH = 16384


def setup_inputs(seed: int = 0) -> dict:
    key = jax.random.key(seed)
    k1, k2, k3 = jax.random.split(key, 3)
    # item_fea: col 0 = rate index (values in [0, 2) < NUM_RATE), cols 1:26 = genre multi-hot (0/1)
    item_fea = jax.random.randint(k1, (BATCH, 26), 0, 2, dtype=jnp.int64)
    # learned params
    rate_table = jax.random.normal(k2, (NUM_RATE, EMBED_DIM), dtype=jnp.float32)
    # torch.nn.Linear(in_features=NUM_GENRE, out_features=EMBED_DIM, bias=False) weight: [out, in]
    genre_W = jax.random.normal(k3, (EMBED_DIM, NUM_GENRE), dtype=jnp.float32) * (1.0 / np.sqrt(NUM_GENRE))
    return {"item_fea": item_fea, "rate_table": rate_table, "genre_W": genre_W}


def reference(item_fea, rate_table, genre_W):
    rate_idx = item_fea[:, 0]
    genre_idx = item_fea[:, 1:26].astype(jnp.float32)
    # embedding lookup (gather)
    rate_emb = jnp.take(rate_table, rate_idx, axis=0)
    # linear (no bias) followed by normalization by genre count
    genre_emb = (genre_idx @ genre_W.T) / jnp.sum(genre_idx, axis=1).reshape(-1, 1)
    return jnp.concatenate((rate_emb, genre_emb), axis=1)

if __name__ == "__main__":
    import jax
    _d = setup_inputs()
    print(jax.jit(kernel)(*tuple(_d.values())))

</pallas_src>

<mosaic_0001>
#map = affine_map<(d0, d1) -> (0, 0)>
module attributes {stable_mosaic.version = 14 : i64} {
  func.func @_sc_body(%arg0: i32, %arg1: i32, %arg2: memref<16384x26xi32, #tpu.memory_space<hbm>>, %arg3: memref<6x128xf32, #tpu.memory_space<hbm>>, %arg4: memref<8192x64xf32, #tpu.memory_space<hbm>>, %arg5: memref<256x26xi32, #tpu.memory_space<vmem>>, %arg6: memref<256x26xi32, #tpu.memory_space<vmem>>, %arg7: memref<256xi32, #tpu.memory_space<vmem>>, %arg8: memref<256xi32, #tpu.memory_space<vmem>>, %arg9: memref<6x128xf32, #tpu.memory_space<vmem>>, %arg10: memref<256x64xf32, #tpu.memory_space<vmem>>, %arg11: memref<!tpu.dma_semaphore, #tpu.memory_space<semaphore_mem>>) attributes {dimension_semantics = [#tpu.dimension_semantics<core_parallel>, #tpu.dimension_semantics<subcore_parallel>], iteration_bounds = array<i64: 2, 16>, scalar_prefetch = 0 : i64, scratch_operands = 7 : i64, tpu.core_type = #tpu.core_type<sc_vector_subcore>, window_params = [{transform_indices = #map}, {transform_indices = #map}, {transform_indices = #map}]} {
    %mul3A = arith.constant 2 : i32
    %mul3A_0 = arith.muli %arg1, %mul3A : i32
    %add3A = arith.addi %mul3A_0, %arg0 : i32
    %broadcast_in_dim3A = arith.constant 0 : i32
    %broadcast_in_dim3A_1 = vector.broadcast %broadcast_in_dim3A : i32 to vector<16xi32>
    %iota3A = tpu.iota {dimensions = array<i32: 0>} : vector<16xi32>
    %mul3A_2 = arith.constant 256 : i32
    %mul3A_3 = arith.muli %add3A, %mul3A_2 : i32
    %jit3A = arith.constant 2048 : i32
    %div3A = arith.divsi %mul3A_3, %jit3A : i32
    %sign3A = arith.constant 0 : i32
    %sign3A_4 = arith.cmpi sgt, %mul3A_3, %sign3A : i32
    %sign3A_5 = arith.extui %sign3A_4 : i1 to i32
    %sign3A_6 = arith.constant 0 : i32
    %sign3A_7 = arith.cmpi slt, %mul3A_3, %sign3A_6 : i32
    %sign3A_8 = arith.extui %sign3A_7 : i1 to i32
    %sign3A_9 = arith.subi %sign3A_5, %sign3A_8 : i32
    %sign3A_10 = arith.constant 0 : i32
    %sign3A_11 = arith.cmpi sgt, %jit3A, %sign3A_10 : i32
    %sign3A_12 = arith.extui %sign3A_11 : i1 to i32
    %sign3A_13 = arith.constant 0 : i32
    %sign3A_14 = arith.cmpi slt, %jit3A, %sign3A_13 : i32
    %sign3A_15 = arith.extui %sign3A_14 : i1 to i32
    %sign3A_16 = arith.subi %sign3A_12, %sign3A_15 : i32
    %ne3A = arith.cmpi ne, %sign3A_9, %sign3A_16 : i32
    %rem3A = arith.remsi %mul3A_3, %jit3A : i32
    %ne3A_17 = arith.constant 0 : i32
    %ne3A_18 = arith.cmpi ne, %rem3A, %ne3A_17 : i32
    %and3A = arith.andi %ne3A, %ne3A_18 : i1
    %sub3A = arith.constant 1 : i32
    %sub3A_19 = arith.subi %div3A, %sub3A : i32
    %select_n3A = arith.select %and3A, %sub3A_19, %div3A : i32
    %mul3A_20 = arith.constant 4096 : i32
    %mul3A_21 = arith.muli %mul3A_20, %select_n3A : i32
    %mul3A_22 = arith.constant 2048 : i32
    %mul3A_23 = arith.muli %mul3A_22, %select_n3A : i32
    %sub3A_24 = arith.subi %mul3A_3, %mul3A_23 : i32
    %add3A_25 = arith.addi %mul3A_21, %sub3A_24 : i32
    tpu.enqueue_dma source(%arg3 : memref<6x128xf32, #tpu.memory_space<hbm>>) target(%arg9 : memref<6x128xf32, #tpu.memory_space<vmem>>) target_semaphore(%arg11 : memref<!tpu.dma_semaphore, #tpu.memory_space<semaphore_mem>>)
    %dma_start3A = arith.constant 0 : i32
    %dma_start3A_26 = tpu.memref_slice %arg2[%add3A_25, %dma_start3A] : memref<16384x26xi32, #tpu.memory_space<hbm>> -> memref<256x26xi32, #tpu.memory_space<hbm>>
    %dma_start3A_27 = arith.constant 0 : i32
    %dma_start3A_28 = tpu.memref_slice %arg2[%add3A_25, %dma_start3A_27] : memref<16384x26xi32, #tpu.memory_space<hbm>> -> memref<256x26xi32, #tpu.memory_space<hbm>>
    tpu.enqueue_dma source(%dma_start3A_28 : memref<256x26xi32, #tpu.memory_space<hbm>>) target(%arg5 : memref<256x26xi32, #tpu.memory_space<vmem>>) target_semaphore(%arg11 : memref<!tpu.dma_semaphore, #tpu.memory_space<semaphore_mem>>)
    %add3A_29 = arith.constant 2048 : i32
    %add3A_30 = arith.addi %add3A_25, %add3A_29 : i32
    %dma_start3A_31 = arith.constant 0 : i32
    %dma_start3A_32 = tpu.memref_slice %arg2[%add3A_30, %dma_start3A_31] : memref<16384x26xi32, #tpu.memory_space<hbm>> -> memref<256x26xi32, #tpu.memory_space<hbm>>
    %dma_start3A_33 = arith.constant 0 : i32
    %dma_start3A_34 = tpu.memref_slice %arg2[%add3A_30, %dma_start3A_33] : memref<16384x26xi32, #tpu.memory_space<hbm>> -> memref<256x26xi32, #tpu.memory_space<hbm>>
    tpu.enqueue_dma source(%dma_start3A_34 : memref<256x26xi32, #tpu.memory_space<hbm>>) target(%arg6 : memref<256x26xi32, #tpu.memory_space<vmem>>) target_semaphore(%arg11 : memref<!tpu.dma_semaphore, #tpu.memory_space<semaphore_mem>>)
    tpu.wait_dma2 semaphore(%arg11 : memref<!tpu.dma_semaphore, #tpu.memory_space<semaphore_mem>>) src(%arg3 : memref<6x128xf32, #tpu.memory_space<hbm>>) dst(%arg9 : memref<6x128xf32, #tpu.memory_space<vmem>>)
    %dma_wait3A = arith.constant 0 : i32
    %dma_wait3A_35 = tpu.memref_slice %arg2[%add3A_25, %dma_wait3A] : memref<16384x26xi32, #tpu.memory_space<hbm>> -> memref<256x26xi32, #tpu.memory_space<hbm>>
    %dma_wait3A_36 = arith.constant 0 : i32
    %dma_wait3A_37 = tpu.memref_slice %arg2[%add3A_25, %dma_wait3A_36] : memref<16384x26xi32, #tpu.memory_space<hbm>> -> memref<256x26xi32, #tpu.memory_space<hbm>>
    tpu.wait_dma2 semaphore(%arg11 : memref<!tpu.dma_semaphore, #tpu.memory_space<semaphore_mem>>) src(%dma_wait3A_37 : memref<256x26xi32, #tpu.memory_space<hbm>>) dst(%arg5 : memref<256x26xi32, #tpu.memory_space<vmem>>)
    %dma_wait3A_38 = arith.constant 0 : i32
    %dma_wait3A_39 = tpu.memref_slice %arg2[%add3A_30, %dma_wait3A_38] : memref<16384x26xi32, #tpu.memory_space<hbm>> -> memref<256x26xi32, #tpu.memory_space<hbm>>
    %dma_wait3A_40 = arith.constant 0 : i32
    %dma_wait3A_41 = tpu.memref_slice %arg2[%add3A_30, %dma_wait3A_40] : memref<16384x26xi32, #tpu.memory_space<hbm>> -> memref<256x26xi32, #tpu.memory_space<hbm>>
    tpu.wait_dma2 semaphore(%arg11 : memref<!tpu.dma_semaphore, #tpu.memory_space<semaphore_mem>>) src(%dma_wait3A_41 : memref<256x26xi32, #tpu.memory_space<hbm>>) dst(%arg6 : memref<256x26xi32, #tpu.memory_space<vmem>>)
    %scan3A = arith.constant 0 : i32
    %scan3A_42 = arith.constant 0 : i32
    %scan3A_43 = arith.constant 16 : i32
    %scan3A_44 = arith.addi %scan3A_42, %scan3A_43 : i32
    %scan3A_45 = arith.constant 8 : i32
    scf.for %scan3A_49 = %scan3A_42 to %scan3A_44 step %scan3A_45  : i32 {
      %mul3A_50 = arith.constant 16 : i32
      %mul3A_51 = arith.muli %mul3A_50, %scan3A_49 : i32
      %add3A_52 = vector.broadcast %mul3A_51 : i32 to vector<16xi32>
      %add3A_53 = arith.addi %iota3A, %add3A_52 : vector<16xi32>
      %gather3A = tpu.vector_load_idx %arg5[%add3A_53, %broadcast_in_dim3A_1] : memref<256x26xi32, #tpu.memory_space<vmem>>[vector<16xi32>, vector<16xi32>], vector<16xi32>,
      tpu.vector_store_idx %arg7[%add3A_53], %gather3A : memref<256xi32, #tpu.memory_space<vmem>>[vector<16xi32>], vector<16xi32>,
      %gather3A_54 = tpu.vector_load_idx %arg6[%add3A_53, %broadcast_in_dim3A_1] : memref<256x26xi32, #tpu.memory_space<vmem>>[vector<16xi32>, vector<16xi32>], vector<16xi32>,
      tpu.vector_store_idx %arg8[%add3A_53], %gather3A_54 : memref<256xi32, #tpu.memory_space<vmem>>[vector<16xi32>], vector<16xi32>,
      %scan3A_55 = arith.constant 1 : i32
      %scan3A_56 = arith.addi %scan3A_49, %scan3A_55 : i32
      %mul3A_57 = arith.constant 16 : i32
      %mul3A_58 = arith.muli %mul3A_57, %scan3A_56 : i32
      %add3A_59 = vector.broadcast %mul3A_58 : i32 to vector<16xi32>
      %add3A_60 = arith.addi %iota3A, %add3A_59 : vector<16xi32>
      %gather3A_61 = tpu.vector_load_idx %arg5[%add3A_60, %broadcast_in_dim3A_1] : memref<256x26xi32, #tpu.memory_space<vmem>>[vector<16xi32>, vector<16xi32>], vector<16xi32>,
      tpu.vector_store_idx %arg7[%add3A_60], %gather3A_61 : memref<256xi32, #tpu.memory_space<vmem>>[vector<16xi32>], vector<16xi32>,
      %gather3A_62 = tpu.vector_load_idx %arg6[%add3A_60, %broadcast_in_dim3A_1] : memref<256x26xi32, #tpu.memory_space<vmem>>[vector<16xi32>, vector<16xi32>], vector<16xi32>,
      tpu.vector_store_idx %arg8[%add3A_60], %gather3A_62 : memref<256xi32, #tpu.memory_space<vmem>>[vector<16xi32>], vector<16xi32>,
      %scan3A_63 = arith.constant 2 : i32
      %scan3A_64 = arith.addi %scan3A_49, %scan3A_63 : i32
      %mul3A_65 = arith.constant 16 : i32
      %mul3A_66 = arith.muli %mul3A_65, %scan3A_64 : i32
      %add3A_67 = vector.broadcast %mul3A_66 : i32 to vector<16xi32>
      %add3A_68 = arith.addi %iota3A, %add3A_67 : vector<16xi32>
      %gather3A_69 = tpu.vector_load_idx %arg5[%add3A_68, %broadcast_in_dim3A_1] : memref<256x26xi32, #tpu.memory_space<vmem>>[vector<16xi32>, vector<16xi32>], vector<16xi32>,
      tpu.vector_store_idx %arg7[%add3A_68], %gather3A_69 : memref<256xi32, #tpu.memory_space<vmem>>[vector<16xi32>], vector<16xi32>,
      %gather3A_70 = tpu.vector_load_idx %arg6[%add3A_68, %broadcast_in_dim3A_1] : memref<256x26xi32, #tpu.memory_space<vmem>>[vector<16xi32>, vector<16xi32>], vector<16xi32>,
      tpu.vector_store_idx %arg8[%add3A_68], %gather3A_70 : memref<256xi32, #tpu.memory_space<vmem>>[vector<16xi32>], vector<16xi32>,
      %scan3A_71 = arith.constant 3 : i32
      %scan3A_72 = arith.addi %scan3A_49, %scan3A_71 : i32
      %mul3A_73 = arith.constant 16 : i32
      %mul3A_74 = arith.muli %mul3A_73, %scan3A_72 : i32
      %add3A_75 = vector.broadcast %mul3A_74 : i32 to vector<16xi32>
      %add3A_76 = arith.addi %iota3A, %add3A_75 : vector<16xi32>
      %gather3A_77 = tpu.vector_load_idx %arg5[%add3A_76, %broadcast_in_dim3A_1] : memref<256x26xi32, #tpu.memory_space<vmem>>[vector<16xi32>, vector<16xi32>], vector<16xi32>,
      tpu.vector_store_idx %arg7[%add3A_76], %gather3A_77 : memref<256xi32, #tpu.memory_space<vmem>>[vector<16xi32>], vector<16xi32>,
      %gather3A_78 = tpu.vector_load_idx %arg6[%add3A_76, %broadcast_in_dim3A_1] : memref<256x26xi32, #tpu.memory_space<vmem>>[vector<16xi32>, vector<16xi32>], vector<16xi32>,
      tpu.vector_store_idx %arg8[%add3A_76], %gather3A_78 : memref<256xi32, #tpu.memory_space<vmem>>[vector<16xi32>], vector<16xi32>,
      %scan3A_79 = arith.constant 4 : i32
      %scan3A_80 = arith.addi %scan3A_49, %scan3A_79 : i32
      %mul3A_81 = arith.constant 16 : i32
      %mul3A_82 = arith.muli %mul3A_81, %scan3A_80 : i32
      %add3A_83 = vector.broadcast %mul3A_82 : i32 to vector<16xi32>
      %add3A_84 = arith.addi %iota3A, %add3A_83 : vector<16xi32>
      %gather3A_85 = tpu.vector_load_idx %arg5[%add3A_84, %broadcast_in_dim3A_1] : memref<256x26xi32, #tpu.memory_space<vmem>>[vector<16xi32>, vector<16xi32>], vector<16xi32>,
      tpu.vector_store_idx %arg7[%add3A_84], %gather3A_85 : memref<256xi32, #tpu.memory_space<vmem>>[vector<16xi32>], vector<16xi32>,
      %gather3A_86 = tpu.vector_load_idx %arg6[%add3A_84, %broadcast_in_dim3A_1] : memref<256x26xi32, #tpu.memory_space<vmem>>[vector<16xi32>, vector<16xi32>], vector<16xi32>,
      tpu.vector_store_idx %arg8[%add3A_84], %gather3A_86 : memref<256xi32, #tpu.memory_space<vmem>>[vector<16xi32>], vector<16xi32>,
      %scan3A_87 = arith.constant 5 : i32
      %scan3A_88 = arith.addi %scan3A_49, %scan3A_87 : i32
      %mul3A_89 = arith.constant 16 : i32
      %mul3A_90 = arith.muli %mul3A_89, %scan3A_88 : i32
      %add3A_91 = vector.broadcast %mul3A_90 : i32 to vector<16xi32>
      %add3A_92 = arith.addi %iota3A, %add3A_91 : vector<16xi32>
      %gather3A_93 = tpu.vector_load_idx %arg5[%add3A_92, %broadcast_in_dim3A_1] : memref<256x26xi32, #tpu.memory_space<vmem>>[vector<16xi32>, vector<16xi32>], vector<16xi32>,
      tpu.vector_store_idx %arg7[%add3A_92], %gather3A_93 : memref<256xi32, #tpu.memory_space<vmem>>[vector<16xi32>], vector<16xi32>,
      %gather3A_94 = tpu.vector_load_idx %arg6[%add3A_92, %broadcast_in_dim3A_1] : memref<256x26xi32, #tpu.memory_space<vmem>>[vector<16xi32>, vector<16xi32>], vector<16xi32>,
      tpu.vector_store_idx %arg8[%add3A_92], %gather3A_94 : memref<256xi32, #tpu.memory_space<vmem>>[vector<16xi32>], vector<16xi32>,
      %scan3A_95 = arith.constant 6 : i32
      %scan3A_96 = arith.addi %scan3A_49, %scan3A_95 : i32
      %mul3A_97 = arith.constant 16 : i32
      %mul3A_98 = arith.muli %mul3A_97, %scan3A_96 : i32
      %add3A_99 = vector.broadcast %mul3A_98 : i32 to vector<16xi32>
      %add3A_100 = arith.addi %iota3A, %add3A_99 : vector<16xi32>
      %gather3A_101 = tpu.vector_load_idx %arg5[%add3A_100, %broadcast_in_dim3A_1] : memref<256x26xi32, #tpu.memory_space<vmem>>[vector<16xi32>, vector<16xi32>], vector<16xi32>,
      tpu.vector_store_idx %arg7[%add3A_100], %gather3A_101 : memref<256xi32, #tpu.memory_space<vmem>>[vector<16xi32>], vector<16xi32>,
      %gather3A_102 = tpu.vector_load_idx %arg6[%add3A_100, %broadcast_in_dim3A_1] : memref<256x26xi32, #tpu.memory_space<vmem>>[vector<16xi32>, vector<16xi32>], vector<16xi32>,
      tpu.vector_store_idx %arg8[%add3A_100], %gather3A_102 : memref<256xi32, #tpu.memory_space<vmem>>[vector<16xi32>], vector<16xi32>,
      %scan3A_103 = arith.constant 7 : i32
      %scan3A_104 = arith.addi %scan3A_49, %scan3A_103 : i32
      %mul3A_105 = arith.constant 16 : i32
      %mul3A_106 = arith.muli %mul3A_105, %scan3A_104 : i32
      %add3A_107 = vector.broadcast %mul3A_106 : i32 to vector<16xi32>
      %add3A_108 = arith.addi %iota3A, %add3A_107 : vector<16xi32>
      %gather3A_109 = tpu.vector_load_idx %arg5[%add3A_108, %broadcast_in_dim3A_1] : memref<256x26xi32, #tpu.memory_space<vmem>>[vector<16xi32>, vector<16xi32>], vector<16xi32>,
      tpu.vector_store_idx %arg7[%add3A_108], %gather3A_109 : memref<256xi32, #tpu.memory_space<vmem>>[vector<16xi32>], vector<16xi32>,
      %gather3A_110 = tpu.vector_load_idx %arg6[%add3A_108, %broadcast_in_dim3A_1] : memref<256x26xi32, #tpu.memory_space<vmem>>[vector<16xi32>, vector<16xi32>], vector<16xi32>,
      tpu.vector_store_idx %arg8[%add3A_108], %gather3A_110 : memref<256xi32, #tpu.memory_space<vmem>>[vector<16xi32>], vector<16xi32>,
    }
    %scan3A_46 = arith.constant 16 : i32
    %parallel_loop3A = arith.constant 0 : i32
    %parallel_loop3A_47 = arith.constant 16 : i32
    %parallel_loop3A_48 = arith.constant 1 : i32
    scf.for %parallel_loop3A_49 = %parallel_loop3A to %parallel_loop3A_47 step %parallel_loop3A_48  : i32 {
      %parallel_loop3A_50 = arith.constant 16 : i32
      %parallel_loop3A_51 = arith.muli %parallel_loop3A_50, %parallel_loop3A_49 : i32
      %parallel_loop3A_52 = vector.broadcast %parallel_loop3A_51 : i32 to vector<16xi32>
      %parallel_loop3A_53 = arith.addi %iota3A, %parallel_loop3A_52 : vector<16xi32>
      %parallel_loop3A_54 = tpu.vector_load_idx %arg7[%parallel_loop3A_53] : memref<256xi32, #tpu.memory_space<vmem>>[vector<16xi32>], vector<16xi32>,
      %parallel_loop3A_55 = tpu.vector_load_idx %arg8[%parallel_loop3A_53] : memref<256xi32, #tpu.memory_space<vmem>>[vector<16xi32>], vector<16xi32>,
      %parallel_loop3A_56 = arith.constant 0 : i32
      %parallel_loop3A_57 = vector.broadcast %parallel_loop3A_56 : i32 to vector<16xi32>
      %parallel_loop3A_58 = arith.addi %broadcast_in_dim3A_1, %parallel_loop3A_57 : vector<16xi32>
      %parallel_loop3A_59 = tpu.vector_load_idx %arg9[%parallel_loop3A_54, %parallel_loop3A_58] : memref<6x128xf32, #tpu.memory_space<vmem>>[vector<16xi32>, vector<16xi32>], vector<16xf32>,
      tpu.vector_store_idx %arg10[%parallel_loop3A_53, %parallel_loop3A_58], %parallel_loop3A_59 : memref<256x64xf32, #tpu.memory_space<vmem>>[vector<16xi32>, vector<16xi32>], vector<16xf32>,
      %parallel_loop3A_60 = tpu.vector_load_idx %arg9[%parallel_loop3A_55, %parallel_loop3A_58] : memref<6x128xf32, #tpu.memory_space<vmem>>[vector<16xi32>, vector<16xi32>], vector<16xf32>,
      %parallel_loop3A_61 = arith.constant 32 : i32
      %parallel_loop3A_62 = vector.broadcast %parallel_loop3A_61 : i32 to vector<16xi32>
      %parallel_loop3A_63 = arith.addi %parallel_loop3A_58, %parallel_loop3A_62 : vector<16xi32>
      tpu.vector_store_idx %arg10[%parallel_loop3A_53, %parallel_loop3A_63], %parallel_loop3A_60 : memref<256x64xf32, #tpu.memory_space<vmem>>[vector<16xi32>, vector<16xi32>], vector<16xf32>,
      %parallel_loop3A_64 = arith.constant 1 : i32
      %parallel_loop3A_65 = vector.broadcast %parallel_loop3A_64 : i32 to vector<16xi32>
      %parallel_loop3A_66 = arith.addi %broadcast_in_dim3A_1, %parallel_loop3A_65 : vector<16xi32>
      %parallel_loop3A_67 = tpu.vector_load_idx %arg9[%parallel_loop3A_54, %parallel_loop3A_66] : memref<6x128xf32, #tpu.memory_space<vmem>>[vector<16xi32>, vector<16xi32>], vector<16xf32>,
      tpu.vector_store_idx %arg10[%parallel_loop3A_53, %parallel_loop3A_66], %parallel_loop3A_67 : memref<256x64xf32, #tpu.memory_space<vmem>>[vector<16xi32>, vector<16xi32>], vector<16xf32>,
      %parallel_loop3A_68 = tpu.vector_load_idx %arg9[%parallel_loop3A_55, %parallel_loop3A_66] : memref<6x128xf32, #tpu.memory_space<vmem>>[vector<16xi32>, vector<16xi32>], vector<16xf32>,
      %parallel_loop3A_69 = arith.constant 32 : i32
      %parallel_loop3A_70 = vector.broadcast %parallel_loop3A_69 : i32 to vector<16xi32>
      %parallel_loop3A_71 = arith.addi %parallel_loop3A_66, %parallel_loop3A_70 : vector<16xi32>
      tpu.vector_store_idx %arg10[%parallel_loop3A_53, %parallel_loop3A_71], %parallel_loop3A_68 : memref<256x64xf32, #tpu.memory_space<vmem>>[vector<16xi32>, vector<16xi32>], vector<16xf32>,
      %parallel_loop3A_72 = arith.constant 2 : i32
      %parallel_loop3A_73 = vector.broadcast %parallel_loop3A_72 : i32 to vector<16xi32>
      %parallel_loop3A_74 = arith.addi %broadcast_in_dim3A_1, %parallel_loop3A_73 : vector<16xi32>
      %parallel_loop3A_75 = tpu.vector_load_idx %arg9[%parallel_loop3A_54, %parallel_loop3A_74] : memref<6x128xf32, #tpu.memory_space<vmem>>[vector<16xi32>, vector<16xi32>], vector<16xf32>,
      tpu.vector_store_idx %arg10[%parallel_loop3A_53, %parallel_loop3A_74], %parallel_loop3A_75 : memref<256x64xf32, #tpu.memory_space<vmem>>[vector<16xi32>, vector<16xi32>], vector<16xf32>,
      %parallel_loop3A_76 = tpu.vector_load_idx %arg9[%parallel_loop3A_55, %parallel_loop3A_74] : memref<6x128xf32, #tpu.memory_space<vmem>>[vector<16xi32>, vector<16xi32>], vector<16xf32>,
      %parallel_loop3A_77 = arith.constant 32 : i32
      %parallel_loop3A_78 = vector.broadcast %parallel_loop3A_77 : i32 to vector<16xi32>
      %parallel_loop3A_79 = arith.addi %parallel_loop3A_74, %parallel_loop3A_78 : vector<16xi32>
      tpu.vector_store_idx %arg10[%parallel_loop3A_53, %parallel_loop3A_79], %parallel_loop3A_76 : memref<256x64xf32, #tpu.memory_space<vmem>>[vector<16xi32>, vector<16xi32>], vector<16xf32>,
      %parallel_loop3A_80 = arith.constant 3 : i32
      %parallel_loop3A_81 = vector.broadcast %parallel_loop3A_80 : i32 to vector<16xi32>
      %parallel_loop3A_82 = arith.addi %broadcast_in_dim3A_1, %parallel_loop3A_81 : vector<16xi32>
      %parallel_loop3A_83 = tpu.vector_load_idx %arg9[%parallel_loop3A_54, %parallel_loop3A_82] : memref<6x128xf32, #tpu.memory_space<vmem>>[vector<16xi32>, vector<16xi32>], vector<16xf32>,
      tpu.vector_store_idx %arg10[%parallel_loop3A_53, %parallel_loop3A_82], %parallel_loop3A_83 : memref<256x64xf32, #tpu.memory_space<vmem>>[vector<16xi32>, vector<16xi32>], vector<16xf32>,
      %parallel_loop3A_84 = tpu.vector_load_idx %arg9[%parallel_loop3A_55, %parallel_loop3A_82] : memref<6x128xf32, #tpu.memory_space<vmem>>[vector<16xi32>, vector<16xi32>], vector<16xf32>,
      %parallel_loop3A_85 = arith.constant 32 : i32
      %parallel_loop3A_86 = vector.broadcast %parallel_loop3A_85 : i32 to vector<16xi32>
      %parallel_loop3A_87 = arith.addi %parallel_loop3A_82, %parallel_loop3A_86 : vector<16xi32>
      tpu.vector_store_idx %arg10[%parallel_loop3A_53, %parallel_loop3A_87], %parallel_loop3A_84 : memref<256x64xf32, #tpu.memory_space<vmem>>[vector<16xi32>, vector<16xi32>], vector<16xf32>,
      %parallel_loop3A_88 = arith.constant 4 : i32
      %parallel_loop3A_89 = vector.broadcast %parallel_loop3A_88 : i32 to vector<16xi32>
      %parallel_loop3A_90 = arith.addi %broadcast_in_dim3A_1, %parallel_loop3A_89 : vector<16xi32>
      %parallel_loop3A_91 = tpu.vector_load_idx %arg9[%parallel_loop3A_54, %parallel_loop3A_90] : memref<6x128xf32, #tpu.memory_space<vmem>>[vector<16xi32>, vector<16xi32>], vector<16xf32>,
      tpu.vector_store_idx %arg10[%parallel_loop3A_53, %parallel_loop3A_90], %parallel_loop3A_91 : memref<256x64xf32, #tpu.memory_space<vmem>>[vector<16xi32>, vector<16xi32>], vector<16xf32>,
      %parallel_loop3A_92 = tpu.vector_load_idx %arg9[%parallel_loop3A_55, %parallel_loop3A_90] : memref<6x128xf32, #tpu.memory_space<vmem>>[vector<16xi32>, vector<16xi32>], vector<16xf32>,
      %parallel_loop3A_93 = arith.constant 32 : i32
      %parallel_loop3A_94 = vector.broadcast %parallel_loop3A_93 : i32 to vector<16xi32>
      %parallel_loop3A_95 = arith.addi %parallel_loop3A_90, %parallel_loop3A_94 : vector<16xi32>
      tpu.vector_store_idx %arg10[%parallel_loop3A_53, %parallel_loop3A_95], %parallel_loop3A_92 : memref<256x64xf32, #tpu.memory_space<vmem>>[vector<16xi32>, vector<16xi32>], vector<16xf32>,
      %parallel_loop3A_96 = arith.constant 5 : i32
      %parallel_loop3A_97 = vector.broadcast %parallel_loop3A_96 : i32 to vector<16xi32>
      %parallel_loop3A_98 = arith.addi %broadcast_in_dim3A_1, %parallel_loop3A_97 : vector<16xi32>
      %parallel_loop3A_99 = tpu.vector_load_idx %arg9[%parallel_loop3A_54, %parallel_loop3A_98] : memref<6x128xf32, #tpu.memory_space<vmem>>[vector<16xi32>, vector<16xi32>], vector<16xf32>,
      tpu.vector_store_idx %arg10[%parallel_loop3A_53, %parallel_loop3A_98], %parallel_loop3A_99 : memref<256x64xf32, #tpu.memory_space<vmem>>[vector<16xi32>, vector<16xi32>], vector<16xf32>,
      %parallel_loop3A_100 = tpu.vector_load_idx %arg9[%parallel_loop3A_55, %parallel_loop3A_98] : memref<6x128xf32, #tpu.memory_space<vmem>>[vector<16xi32>, vector<16xi32>], vector<16xf32>,
      %parallel_loop3A_101 = arith.constant 32 : i32
      %parallel_loop3A_102 = vector.broadcast %parallel_loop3A_101 : i32 to vector<16xi32>
      %parallel_loop3A_103 = arith.addi %parallel_loop3A_98, %parallel_loop3A_102 : vector<16xi32>
      tpu.vector_store_idx %arg10[%parallel_loop3A_53, %parallel_loop3A_103], %parallel_loop3A_100 : memref<256x64xf32, #tpu.memory_space<vmem>>[vector<16xi32>, vector<16xi32>], vector<16xf32>,
      %parallel_loop3A_104 = arith.constant 6 : i32
      %parallel_loop3A_105 = vector.broadcast %parallel_loop3A_104 : i32 to vector<16xi32>
      %parallel_loop3A_106 = arith.addi %broadcast_in_dim3A_1, %parallel_loop3A_105 : vector<16xi32>
      %parallel_loop3A_107 = tpu.vector_load_idx %arg9[%parallel_loop3A_54, %parallel_loop3A_106] : memref<6x128xf32, #tpu.memory_space<vmem>>[vector<16xi32>, vector<16xi32>], vector<16xf32>,
      tpu.vector_store_idx %arg10[%parallel_loop3A_53, %parallel_loop3A_106], %parallel_loop3A_107 : memref<256x64xf32, #tpu.memory_space<vmem>>[vector<16xi32>, vector<16xi32>], vector<16xf32>,
      %parallel_loop3A_108 = tpu.vector_load_idx %arg9[%parallel_loop3A_55, %parallel_loop3A_106] : memref<6x128xf32, #tpu.memory_space<vmem>>[vector<16xi32>, vector<16xi32>], vector<16xf32>,
      %parallel_loop3A_109 = arith.constant 32 : i32
      %parallel_loop3A_110 = vector.broadcast %parallel_loop3A_109 : i32 to vector<16xi32>
      %parallel_loop3A_111 = arith.addi %parallel_loop3A_106, %parallel_loop3A_110 : vector<16xi32>
      tpu.vector_store_idx %arg10[%parallel_loop3A_53, %parallel_loop3A_111], %parallel_loop3A_108 : memref<256x64xf32, #tpu.memory_space<vmem>>[vector<16xi32>, vector<16xi32>], vector<16xf32>,
      %parallel_loop3A_112 = arith.constant 7 : i32
      %parallel_loop3A_113 = vector.broadcast %parallel_loop3A_112 : i32 to vector<16xi32>
      %parallel_loop3A_114 = arith.addi %broadcast_in_dim3A_1, %parallel_loop3A_113 : vector<16xi32>
      %parallel_loop3A_115 = tpu.vector_load_idx %arg9[%parallel_loop3A_54, %parallel_loop3A_114] : memref<6x128xf32, #tpu.memory_space<vmem>>[vector<16xi32>, vector<16xi32>], vector<16xf32>,
      tpu.vector_store_idx %arg10[%parallel_loop3A_53, %parallel_loop3A_114], %parallel_loop3A_115 : memref<256x64xf32, #tpu.memory_space<vmem>>[vector<16xi32>, vector<16xi32>], vector<16xf32>,
      %parallel_loop3A_116 = tpu.vector_load_idx %arg9[%parallel_loop3A_55, %parallel_loop3A_114] : memref<6x128xf32, #tpu.memory_space<vmem>>[vector<16xi32>, vector<16xi32>], vector<16xf32>,
      %parallel_loop3A_117 = arith.constant 32 : i32
      %parallel_loop3A_118 = vector.broadcast %parallel_loop3A_117 : i32 to vector<16xi32>
      %parallel_loop3A_119 = arith.addi %parallel_loop3A_114, %parallel_loop3A_118 : vector<16xi32>
      tpu.vector_store_idx %arg10[%parallel_loop3A_53, %parallel_loop3A_119], %parallel_loop3A_116 : memref<256x64xf32, #tpu.memory_space<vmem>>[vector<16xi32>, vector<16xi32>], vector<16xf32>,
      %parallel_loop3A_120 = arith.constant 8 : i32
      %parallel_loop3A_121 = vector.broadcast %parallel_loop3A_120 : i32 to vector<16xi32>
      %parallel_loop3A_122 = arith.addi %broadcast_in_dim3A_1, %parallel_loop3A_121 : vector<16xi32>
      %parallel_loop3A_123 = tpu.vector_load_idx %arg9[%parallel_loop3A_54, %parallel_loop3A_122] : memref<6x128xf32, #tpu.memory_space<vmem>>[vector<16xi32>, vector<16xi32>], vector<16xf32>,
      tpu.vector_store_idx %arg10[%parallel_loop3A_53, %parallel_loop3A_122], %parallel_loop3A_123 : memref<256x64xf32, #tpu.memory_space<vmem>>[vector<16xi32>, vector<16xi32>], vector<16xf32>,
      %parallel_loop3A_124 = tpu.vector_load_idx %arg9[%parallel_loop3A_55, %parallel_loop3A_122] : memref<6x128xf32, #tpu.memory_space<vmem>>[vector<16xi32>, vector<16xi32>], vector<16xf32>,
      %parallel_loop3A_125 = arith.constant 32 : i32
      %parallel_loop3A_126 = vector.broadcast %parallel_loop3A_125 : i32 to vector<16xi32>
      %parallel_loop3A_127 = arith.addi %parallel_loop3A_122, %parallel_loop3A_126 : vector<16xi32>
      tpu.vector_store_idx %arg10[%parallel_loop3A_53, %parallel_loop3A_127], %parallel_loop3A_124 : memref<256x64xf32, #tpu.memory_space<vmem>>[vector<16xi32>, vector<16xi32>], vector<16xf32>,
      %parallel_loop3A_128 = arith.constant 9 : i32
      %parallel_loop3A_129 = vector.broadcast %parallel_loop3A_128 : i32 to vector<16xi32>
      %parallel_loop3A_130 = arith.addi %broadcast_in_dim3A_1, %parallel_loop3A_129 : vector<16xi32>
      %parallel_loop3A_131 = tpu.vector_load_idx %arg9[%parallel_loop3A_54, %parallel_loop3A_130] : memref<6x128xf32, #tpu.memory_space<vmem>>[vector<16xi32>, vector<16xi32>], vector<16xf32>,
      tpu.vector_store_idx %arg10[%parallel_loop3A_53, %parallel_loop3A_130], %parallel_loop3A_131 : memref<256x64xf32, #tpu.memory_space<vmem>>[vector<16xi32>, vector<16xi32>], vector<16xf32>,
      %parallel_loop3A_132 = tpu.vector_load_idx %arg9[%parallel_loop3A_55, %parallel_loop3A_130] : memref<6x128xf32, #tpu.memory_space<vmem>>[vector<16xi32>, vector<16xi32>], vector<16xf32>,
      %parallel_loop3A_133 = arith.constant 32 : i32
      %parallel_loop3A_134 = vector.broadcast %parallel_loop3A_133 : i32 to vector<16xi32>
      %parallel_loop3A_135 = arith.addi %parallel_loop3A_130, %parallel_loop3A_134 : vector<16xi32>
      tpu.vector_store_idx %arg10[%parallel_loop3A_53, %parallel_loop3A_135], %parallel_loop3A_132 : memref<256x64xf32, #tpu.memory_space<vmem>>[vector<16xi32>, vector<16xi32>], vector<16xf32>,
      %parallel_loop3A_136 = arith.constant 10 : i32
      %parallel_loop3A_137 = vector.broadcast %parallel_loop3A_136 : i32 to vector<16xi32>
      %parallel_loop3A_138 = arith.addi %broadcast_in_dim3A_1, %parallel_loop3A_137 : vector<16xi32>
      %parallel_loop3A_139 = tpu.vector_load_idx %arg9[%parallel_loop3A_54, %parallel_loop3A_138] : memref<6x128xf32, #tpu.memory_space<vmem>>[vector<16xi32>, vector<16xi32>], vector<16xf32>,
      tpu.vector_store_idx %arg10[%parallel_loop3A_53, %parallel_loop3A_138], %parallel_loop3A_139 : memref<256x64xf32, #tpu.memory_space<vmem>>[vector<16xi32>, vector<16xi32>], vector<16xf32>,
      %parallel_loop3A_140 = tpu.vector_load_idx %arg9[%parallel_loop3A_55, %parallel_loop3A_138] : memref<6x128xf32, #tpu.memory_space<vmem>>[vector<16xi32>, vector<16xi32>], vector<16xf32>,
      %parallel_loop3A_141 = arith.constant 32 : i32
      %parallel_loop3A_142 = vector.broadcast %parallel_loop3A_141 : i32 to vector<16xi32>
      %parallel_loop3A_143 = arith.addi %parallel_loop3A_138, %parallel_loop3A_142 : vector<16xi32>
      tpu.vector_store_idx %arg10[%parallel_loop3A_53, %parallel_loop3A_143], %parallel_loop3A_140 : memref<256x64xf32, #tpu.memory_space<vmem>>[vector<16xi32>, vector<16xi32>], vector<16xf32>,
      %parallel_loop3A_144 = arith.constant 11 : i32
      %parallel_loop3A_145 = vector.broadcast %parallel_loop3A_144 : i32 to vector<16xi32>
      %parallel_loop3A_146 = arith.addi %broadcast_in_dim3A_1, %parallel_loop3A_145 : vector<16xi32>
      %parallel_loop3A_147 = tpu.vector_load_idx %arg9[%parallel_loop3A_54, %parallel_loop3A_146] : memref<6x128xf32, #tpu.memory_space<vmem>>[vector<16xi32>, vector<16xi32>], vector<16xf32>,
      tpu.vector_store_idx %arg10[%parallel_loop3A_53, %parallel_loop3A_146], %parallel_loop3A_147 : memref<256x64xf32, #tpu.memory_space<vmem>>[vector<16xi32>, vector<16xi32>], vector<16xf32>,
      %parallel_loop3A_148 = tpu.vector_load_idx %arg9[%parallel_loop3A_55, %parallel_loop3A_146] : memref<6x128xf32, #tpu.memory_space<vmem>>[vector<16xi32>, vector<16xi32>], vector<16xf32>,
      %parallel_loop3A_149 = arith.constant 32 : i32
      %parallel_loop3A_150 = vector.broadcast %parallel_loop3A_149 : i32 to vector<16xi32>
      %parallel_loop3A_151 = arith.addi %parallel_loop3A_146, %parallel_loop3A_150 : vector<16xi32>
      tpu.vector_store_idx %arg10[%parallel_loop3A_53, %parallel_loop3A_151], %parallel_loop3A_148 : memref<256x64xf32, #tpu.memory_space<vmem>>[vector<16xi32>, vector<16xi32>], vector<16xf32>,
      %parallel_loop3A_152 = arith.constant 12 : i32
      %parallel_loop3A_153 = vector.broadcast %parallel_loop3A_152 : i32 to vector<16xi32>
      %parallel_loop3A_154 = arith.addi %broadcast_in_dim3A_1, %parallel_loop3A_153 : vector<16xi32>
      %parallel_loop3A_155 = tpu.vector_load_idx %arg9[%parallel_loop3A_54, %parallel_loop3A_154] : memref<6x128xf32, #tpu.memory_space<vmem>>[vector<16xi32>, vector<16xi32>], vector<16xf32>,
      tpu.vector_store_idx %arg10[%parallel_loop3A_53, %parallel_loop3A_154], %parallel_loop3A_155 : memref<256x64xf32, #tpu.memory_space<vmem>>[vector<16xi32>, vector<16xi32>], vector<16xf32>,
      %parallel_loop3A_156 = tpu.vector_load_idx %arg9[%parallel_loop3A_55, %parallel_loop3A_154] : memref<6x128xf32, #tpu.memory_space<vmem>>[vector<16xi32>, vector<16xi32>], vector<16xf32>,
      %parallel_loop3A_157 = arith.constant 32 : i32
      %parallel_loop3A_158 = vector.broadcast %parallel_loop3A_157 : i32 to vector<16xi32>
      %parallel_loop3A_159 = arith.addi %parallel_loop3A_154, %parallel_loop3A_158 : vector<16xi32>
      tpu.vector_store_idx %arg10[%parallel_loop3A_53, %parallel_loop3A_159], %parallel_loop3A_156 : memref<256x64xf32, #tpu.memory_space<vmem>>[vector<16xi32>, vector<16xi32>], vector<16xf32>,
      %parallel_loop3A_160 = arith.constant 13 : i32
      %parallel_loop3A_161 = vector.broadcast %parallel_loop3A_160 : i32 to vector<16xi32>
      %parallel_loop3A_162 = arith.addi %broadcast_in_dim3A_1, %parallel_loop3A_161 : vector<16xi32>
      %parallel_loop3A_163 = tpu.vector_load_idx %arg9[%parallel_loop3A_54, %parallel_loop3A_162] : memref<6x128xf32, #tpu.memory_space<vmem>>[vector<16xi32>, vector<16xi32>], vector<16xf32>,
      tpu.vector_store_idx %arg10[%parallel_loop3A_53, %parallel_loop3A_162], %parallel_loop3A_163 : memref<256x64xf32, #tpu.memory_space<vmem>>[vector<16xi32>, vector<16xi32>], vector<16xf32>,
      %parallel_loop3A_164 = tpu.vector_load_idx %arg9[%parallel_loop3A_55, %parallel_loop3A_162] : memref<6x128xf32, #tpu.memory_space<vmem>>[vector<16xi32>, vector<16xi32>], vector<16xf32>,
      %parallel_loop3A_165 = arith.constant 32 : i32
      %parallel_loop3A_166 = vector.broadcast %parallel_loop3A_165 : i32 to vector<16xi32>
      %parallel_loop3A_167 = arith.addi %parallel_loop3A_162, %parallel_loop3A_166 : vector<16xi32>
      tpu.vector_store_idx %arg10[%parallel_loop3A_53, %parallel_loop3A_167], %parallel_loop3A_164 : memref<256x64xf32, #tpu.memory_space<vmem>>[vector<16xi32>, vector<16xi32>], vector<16xf32>,
      %parallel_loop3A_168 = arith.constant 14 : i32
      %parallel_loop3A_169 = vector.broadcast %parallel_loop3A_168 : i32 to vector<16xi32>
      %parallel_loop3A_170 = arith.addi %broadcast_in_dim3A_1, %parallel_loop3A_169 : vector<16xi32>
      %parallel_loop3A_171 = tpu.vector_load_idx %arg9[%parallel_loop3A_54, %parallel_loop3A_170] : memref<6x128xf32, #tpu.memory_space<vmem>>[vector<16xi32>, vector<16xi32>], vector<16xf32>,
      tpu.vector_store_idx %arg10[%parallel_loop3A_53, %parallel_loop3A_170], %parallel_loop3A_171 : memref<256x64xf32, #tpu.memory_space<vmem>>[vector<16xi32>, vector<16xi32>], vector<16xf32>,
      %parallel_loop3A_172 = tpu.vector_load_idx %arg9[%parallel_loop3A_55, %parallel_loop3A_170] : memref<6x128xf32, #tpu.memory_space<vmem>>[vector<16xi32>, vector<16xi32>], vector<16xf32>,
      %parallel_loop3A_173 = arith.constant 32 : i32
      %parallel_loop3A_174 = vector.broadcast %parallel_loop3A_173 : i32 to vector<16xi32>
      %parallel_loop3A_175 = arith.addi %parallel_loop3A_170, %parallel_loop3A_174 : vector<16xi32>
      tpu.vector_store_idx %arg10[%parallel_loop3A_53, %parallel_loop3A_175], %parallel_loop3A_172 : memref<256x64xf32, #tpu.memory_space<vmem>>[vector<16xi32>, vector<16xi32>], vector<16xf32>,
      %parallel_loop3A_176 = arith.constant 15 : i32
      %parallel_loop3A_177 = vector.broadcast %parallel_loop3A_176 : i32 to vector<16xi32>
      %parallel_loop3A_178 = arith.addi %broadcast_in_dim3A_1, %parallel_loop3A_177 : vector<16xi32>
      %parallel_loop3A_179 = tpu.vector_load_idx %arg9[%parallel_loop3A_54, %parallel_loop3A_178] : memref<6x128xf32, #tpu.memory_space<vmem>>[vector<16xi32>, vector<16xi32>], vector<16xf32>,
      tpu.vector_store_idx %arg10[%parallel_loop3A_53, %parallel_loop3A_178], %parallel_loop3A_179 : memref<256x64xf32, #tpu.memory_space<vmem>>[vector<16xi32>, vector<16xi32>], vector<16xf32>,
      %parallel_loop3A_180 = tpu.vector_load_idx %arg9[%parallel_loop3A_55, %parallel_loop3A_178] : memref<6x128xf32, #tpu.memory_space<vmem>>[vector<16xi32>, vector<16xi32>], vector<16xf32>,
      %parallel_loop3A_181 = arith.constant 32 : i32
      %parallel_loop3A_182 = vector.broadcast %parallel_loop3A_181 : i32 to vector<16xi32>
      %parallel_loop3A_183 = arith.addi %parallel_loop3A_178, %parallel_loop3A_182 : vector<16xi32>
      tpu.vector_store_idx %arg10[%parallel_loop3A_53, %parallel_loop3A_183], %parallel_loop3A_180 : memref<256x64xf32, #tpu.memory_space<vmem>>[vector<16xi32>, vector<16xi32>], vector<16xf32>,
      %parallel_loop3A_184 = arith.constant 16 : i32
      %parallel_loop3A_185 = vector.broadcast %parallel_loop3A_184 : i32 to vector<16xi32>
      %parallel_loop3A_186 = arith.addi %broadcast_in_dim3A_1, %parallel_loop3A_185 : vector<16xi32>
      %parallel_loop3A_187 = tpu.vector_load_idx %arg9[%parallel_loop3A_54, %parallel_loop3A_186] : memref<6x128xf32, #tpu.memory_space<vmem>>[vector<16xi32>, vector<16xi32>], vector<16xf32>,
      tpu.vector_store_idx %arg10[%parallel_loop3A_53, %parallel_loop3A_186], %parallel_loop3A_187 : memref<256x64xf32, #tpu.memory_space<vmem>>[vector<16xi32>, vector<16xi32>], vector<16xf32>,
      %parallel_loop3A_188 = tpu.vector_load_idx %arg9[%parallel_loop3A_55, %parallel_loop3A_186] : memref<6x128xf32, #tpu.memory_space<vmem>>[vector<16xi32>, vector<16xi32>], vector<16xf32>,
      %parallel_loop3A_189 = arith.constant 32 : i32
      %parallel_loop3A_190 = vector.broadcast %parallel_loop3A_189 : i32 to vector<16xi32>
      %parallel_loop3A_191 = arith.addi %parallel_loop3A_186, %parallel_loop3A_190 : vector<16xi32>
      tpu.vector_store_idx %arg10[%parallel_loop3A_53, %parallel_loop3A_191], %parallel_loop3A_188 : memref<256x64xf32, #tpu.memory_space<vmem>>[vector<16xi32>, vector<16xi32>], vector<16xf32>,
      %parallel_loop3A_192 = arith.constant 17 : i32
      %parallel_loop3A_193 = vector.broadcast %parallel_loop3A_192 : i32 to vector<16xi32>
      %parallel_loop3A_194 = arith.addi %broadcast_in_dim3A_1, %parallel_loop3A_193 : vector<16xi32>
      %parallel_loop3A_195 = tpu.vector_load_idx %arg9[%parallel_loop3A_54, %parallel_loop3A_194] : memref<6x128xf32, #tpu.memory_space<vmem>>[vector<16xi32>, vector<16xi32>], vector<16xf32>,
      tpu.vector_store_idx %arg10[%parallel_loop3A_53, %parallel_loop3A_194], %parallel_loop3A_195 : memref<256x64xf32, #tpu.memory_space<vmem>>[vector<16xi32>, vector<16xi32>], vector<16xf32>,
      %parallel_loop3A_196 = tpu.vector_load_idx %arg9[%parallel_loop3A_55, %parallel_loop3A_194] : memref<6x128xf32, #tpu.memory_space<vmem>>[vector<16xi32>, vector<16xi32>], vector<16xf32>,
      %parallel_loop3A_197 = arith.constant 32 : i32
      %parallel_loop3A_198 = vector.broadcast %parallel_loop3A_197 : i32 to vector<16xi32>
      %parallel_loop3A_199 = arith.addi %parallel_loop3A_194, %parallel_loop3A_198 : vector<16xi32>
      tpu.vector_store_idx %arg10[%parallel_loop3A_53, %parallel_loop3A_199], %parallel_loop3A_196 : memref<256x64xf32, #tpu.memory_space<vmem>>[vector<16xi32>, vector<16xi32>], vector<16xf32>,
      %parallel_loop3A_200 = arith.constant 18 : i32
      %parallel_loop3A_201 = vector.broadcast %parallel_loop3A_200 : i32 to vector<16xi32>
      %parallel_loop3A_202 = arith.addi %broadcast_in_dim3A_1, %parallel_loop3A_201 : vector<16xi32>
      %parallel_loop3A_203 = tpu.vector_load_idx %arg9[%parallel_loop3A_54, %parallel_loop3A_202] : memref<6x128xf32, #tpu.memory_space<vmem>>[vector<16xi32>, vector<16xi32>], vector<16xf32>,
      tpu.vector_store_idx %arg10[%parallel_loop3A_53, %parallel_loop3A_202], %parallel_loop3A_203 : memref<256x64xf32, #tpu.memory_space<vmem>>[vector<16xi32>, vector<16xi32>], vector<16xf32>,
      %parallel_loop3A_204 = tpu.vector_load_idx %arg9[%parallel_loop3A_55, %parallel_loop3A_202] : memref<6x128xf32, #tpu.memory_space<vmem>>[vector<16xi32>, vector<16xi32>], vector<16xf32>,
      %parallel_loop3A_205 = arith.constant 32 : i32
      %parallel_loop3A_206 = vector.broadcast %parallel_loop3A_205 : i32 to vector<16xi32>
      %parallel_loop3A_207 = arith.addi %parallel_loop3A_202, %parallel_loop3A_206 : vector<16xi32>
      tpu.vector_store_idx %arg10[%parallel_loop3A_53, %parallel_loop3A_207], %parallel_loop3A_204 : memref<256x64xf32, #tpu.memory_space<vmem>>[vector<16xi32>, vector<16xi32>], vector<16xf32>,
      %parallel_loop3A_208 = arith.constant 19 : i32
      %parallel_loop3A_209 = vector.broadcast %parallel_loop3A_208 : i32 to vector<16xi32>
      %parallel_loop3A_210 = arith.addi %broadcast_in_dim3A_1, %parallel_loop3A_209 : vector<16xi32>
      %parallel_loop3A_211 = tpu.vector_load_idx %arg9[%parallel_loop3A_54, %parallel_loop3A_210] : memref<6x128xf32, #tpu.memory_space<vmem>>[vector<16xi32>, vector<16xi32>], vector<16xf32>,
      tpu.vector_store_idx %arg10[%parallel_loop3A_53, %parallel_loop3A_210], %parallel_loop3A_211 : memref<256x64xf32, #tpu.memory_space<vmem>>[vector<16xi32>, vector<16xi32>], vector<16xf32>,
      %parallel_loop3A_212 = tpu.vector_load_idx %arg9[%parallel_loop3A_55, %parallel_loop3A_210] : memref<6x128xf32, #tpu.memory_space<vmem>>[vector<16xi32>, vector<16xi32>], vector<16xf32>,
      %parallel_loop3A_213 = arith.constant 32 : i32
      %parallel_loop3A_214 = vector.broadcast %parallel_loop3A_213 : i32 to vector<16xi32>
      %parallel_loop3A_215 = arith.addi %parallel_loop3A_210, %parallel_loop3A_214 : vector<16xi32>
      tpu.vector_store_idx %arg10[%parallel_loop3A_53, %parallel_loop3A_215], %parallel_loop3A_212 : memref<256x64xf32, #tpu.memory_space<vmem>>[vector<16xi32>, vector<16xi32>], vector<16xf32>,
      %parallel_loop3A_216 = arith.constant 20 : i32
      %parallel_loop3A_217 = vector.broadcast %parallel_loop3A_216 : i32 to vector<16xi32>
      %parallel_loop3A_218 = arith.addi %broadcast_in_dim3A_1, %parallel_loop3A_217 : vector<16xi32>
      %parallel_loop3A_219 = tpu.vector_load_idx %arg9[%parallel_loop3A_54, %parallel_loop3A_218] : memref<6x128xf32, #tpu.memory_space<vmem>>[vector<16xi32>, vector<16xi32>], vector<16xf32>,
      tpu.vector_store_idx %arg10[%parallel_loop3A_53, %parallel_loop3A_218], %parallel_loop3A_219 : memref<256x64xf32, #tpu.memory_space<vmem>>[vector<16xi32>, vector<16xi32>], vector<16xf32>,
      %parallel_loop3A_220 = tpu.vector_load_idx %arg9[%parallel_loop3A_55, %parallel_loop3A_218] : memref<6x128xf32, #tpu.memory_space<vmem>>[vector<16xi32>, vector<16xi32>], vector<16xf32>,
      %parallel_loop3A_221 = arith.constant 32 : i32
      %parallel_loop3A_222 = vector.broadcast %parallel_loop3A_221 : i32 to vector<16xi32>
      %parallel_loop3A_223 = arith.addi %parallel_loop3A_218, %parallel_loop3A_222 : vector<16xi32>
      tpu.vector_store_idx %arg10[%parallel_loop3A_53, %parallel_loop3A_223], %parallel_loop3A_220 : memref<256x64xf32, #tpu.memory_space<vmem>>[vector<16xi32>, vector<16xi32>], vector<16xf32>,
      %parallel_loop3A_224 = arith.constant 21 : i32
      %parallel_loop3A_225 = vector.broadcast %parallel_loop3A_224 : i32 to vector<16xi32>
      %parallel_loop3A_226 = arith.addi %broadcast_in_dim3A_1, %parallel_loop3A_225 : vector<16xi32>
      %parallel_loop3A_227 = tpu.vector_load_idx %arg9[%parallel_loop3A_54, %parallel_loop3A_226] : memref<6x128xf32, #tpu.memory_space<vmem>>[vector<16xi32>, vector<16xi32>], vector<16xf32>,
      tpu.vector_store_idx %arg10[%parallel_loop3A_53, %parallel_loop3A_226], %parallel_loop3A_227 : memref<256x64xf32, #tpu.memory_space<vmem>>[vector<16xi32>, vector<16xi32>], vector<16xf32>,
      %parallel_loop3A_228 = tpu.vector_load_idx %arg9[%parallel_loop3A_55, %parallel_loop3A_226] : memref<6x128xf32, #tpu.memory_space<vmem>>[vector<16xi32>, vector<16xi32>], vector<16xf32>,
      %parallel_loop3A_229 = arith.constant 32 : i32
      %parallel_loop3A_230 = vector.broadcast %parallel_loop3A_229 : i32 to vector<16xi32>
      %parallel_loop3A_231 = arith.addi %parallel_loop3A_226, %parallel_loop3A_230 : vector<16xi32>
      tpu.vector_store_idx %arg10[%parallel_loop3A_53, %parallel_loop3A_231], %parallel_loop3A_228 : memref<256x64xf32, #tpu.memory_space<vmem>>[vector<16xi32>, vector<16xi32>], vector<16xf32>,
      %parallel_loop3A_232 = arith.constant 22 : i32
      %parallel_loop3A_233 = vector.broadcast %parallel_loop3A_232 : i32 to vector<16xi32>
      %parallel_loop3A_234 = arith.addi %broadcast_in_dim3A_1, %parallel_loop3A_233 : vector<16xi32>
      %parallel_loop3A_235 = tpu.vector_load_idx %arg9[%parallel_loop3A_54, %parallel_loop3A_234] : memref<6x128xf32, #tpu.memory_space<vmem>>[vector<16xi32>, vector<16xi32>], vector<16xf32>,
      tpu.vector_store_idx %arg10[%parallel_loop3A_53, %parallel_loop3A_234], %parallel_loop3A_235 : memref<256x64xf32, #tpu.memory_space<vmem>>[vector<16xi32>, vector<16xi32>], vector<16xf32>,
      %parallel_loop3A_236 = tpu.vector_load_idx %arg9[%parallel_loop3A_55, %parallel_loop3A_234] : memref<6x128xf32, #tpu.memory_space<vmem>>[vector<16xi32>, vector<16xi32>], vector<16xf32>,
      %parallel_loop3A_237 = arith.constant 32 : i32
      %parallel_loop3A_238 = vector.broadcast %parallel_loop3A_237 : i32 to vector<16xi32>
      %parallel_loop3A_239 = arith.addi %parallel_loop3A_234, %parallel_loop3A_238 : vector<16xi32>
      tpu.vector_store_idx %arg10[%parallel_loop3A_53, %parallel_loop3A_239], %parallel_loop3A_236 : memref<256x64xf32, #tpu.memory_space<vmem>>[vector<16xi32>, vector<16xi32>], vector<16xf32>,
      %parallel_loop3A_240 = arith.constant 23 : i32
      %parallel_loop3A_241 = vector.broadcast %parallel_loop3A_240 : i32 to vector<16xi32>
      %parallel_loop3A_242 = arith.addi %broadcast_in_dim3A_1, %parallel_loop3A_241 : vector<16xi32>
      %parallel_loop3A_243 = tpu.vector_load_idx %arg9[%parallel_loop3A_54, %parallel_loop3A_242] : memref<6x128xf32, #tpu.memory_space<vmem>>[vector<16xi32>, vector<16xi32>], vector<16xf32>,
      tpu.vector_store_idx %arg10[%parallel_loop3A_53, %parallel_loop3A_242], %parallel_loop3A_243 : memref<256x64xf32, #tpu.memory_space<vmem>>[vector<16xi32>, vector<16xi32>], vector<16xf32>,
      %parallel_loop3A_244 = tpu.vector_load_idx %arg9[%parallel_loop3A_55, %parallel_loop3A_242] : memref<6x128xf32, #tpu.memory_space<vmem>>[vector<16xi32>, vector<16xi32>], vector<16xf32>,
      %parallel_loop3A_245 = arith.constant 32 : i32
      %parallel_loop3A_246 = vector.broadcast %parallel_loop3A_245 : i32 to vector<16xi32>
      %parallel_loop3A_247 = arith.addi %parallel_loop3A_242, %parallel_loop3A_246 : vector<16xi32>
      tpu.vector_store_idx %arg10[%parallel_loop3A_53, %parallel_loop3A_247], %parallel_loop3A_244 : memref<256x64xf32, #tpu.memory_space<vmem>>[vector<16xi32>, vector<16xi32>], vector<16xf32>,
      %parallel_loop3A_248 = arith.constant 24 : i32
      %parallel_loop3A_249 = vector.broadcast %parallel_loop3A_248 : i32 to vector<16xi32>
      %parallel_loop3A_250 = arith.addi %broadcast_in_dim3A_1, %parallel_loop3A_249 : vector<16xi32>
      %parallel_loop3A_251 = tpu.vector_load_idx %arg9[%parallel_loop3A_54, %parallel_loop3A_250] : memref<6x128xf32, #tpu.memory_space<vmem>>[vector<16xi32>, vector<16xi32>], vector<16xf32>,
      tpu.vector_store_idx %arg10[%parallel_loop3A_53, %parallel_loop3A_250], %parallel_loop3A_251 : memref<256x64xf32, #tpu.memory_space<vmem>>[vector<16xi32>, vector<16xi32>], vector<16xf32>,
      %parallel_loop3A_252 = tpu.vector_load_idx %arg9[%parallel_loop3A_55, %parallel_loop3A_250] : memref<6x128xf32, #tpu.memory_space<vmem>>[vector<16xi32>, vector<16xi32>], vector<16xf32>,
      %parallel_loop3A_253 = arith.constant 32 : i32
      %parallel_loop3A_254 = vector.broadcast %parallel_loop3A_253 : i32 to vector<16xi32>
      %parallel_loop3A_255 = arith.addi %parallel_loop3A_250, %parallel_loop3A_254 : vector<16xi32>
      tpu.vector_store_idx %arg10[%parallel_loop3A_53, %parallel_loop3A_255], %parallel_loop3A_252 : memref<256x64xf32, #tpu.memory_space<vmem>>[vector<16xi32>, vector<16xi32>], vector<16xf32>,
      %parallel_loop3A_256 = arith.constant 25 : i32
      %parallel_loop3A_257 = vector.broadcast %parallel_loop3A_256 : i32 to vector<16xi32>
      %parallel_loop3A_258 = arith.addi %broadcast_in_dim3A_1, %parallel_loop3A_257 : vector<16xi32>
      %parallel_loop3A_259 = tpu.vector_load_idx %arg9[%parallel_loop3A_54, %parallel_loop3A_258] : memref<6x128xf32, #tpu.memory_space<vmem>>[vector<16xi32>, vector<16xi32>], vector<16xf32>,
      tpu.vector_store_idx %arg10[%parallel_loop3A_53, %parallel_loop3A_258], %parallel_loop3A_259 : memref<256x64xf32, #tpu.memory_space<vmem>>[vector<16xi32>, vector<16xi32>], vector<16xf32>,
      %parallel_loop3A_260 = tpu.vector_load_idx %arg9[%parallel_loop3A_55, %parallel_loop3A_258] : memref<6x128xf32, #tpu.memory_space<vmem>>[vector<16xi32>, vector<16xi32>], vector<16xf32>,
      %parallel_loop3A_261 = arith.constant 32 : i32
      %parallel_loop3A_262 = vector.broadcast %parallel_loop3A_261 : i32 to vector<16xi32>
      %parallel_loop3A_263 = arith.addi %parallel_loop3A_258, %parallel_loop3A_262 : vector<16xi32>
      tpu.vector_store_idx %arg10[%parallel_loop3A_53, %parallel_loop3A_263], %parallel_loop3A_260 : memref<256x64xf32, #tpu.memory_space<vmem>>[vector<16xi32>, vector<16xi32>], vector<16xf32>,
      %parallel_loop3A_264 = arith.constant 26 : i32
      %parallel_loop3A_265 = vector.broadcast %parallel_loop3A_264 : i32 to vector<16xi32>
      %parallel_loop3A_266 = arith.addi %broadcast_in_dim3A_1, %parallel_loop3A_265 : vector<16xi32>
      %parallel_loop3A_267 = tpu.vector_load_idx %arg9[%parallel_loop3A_54, %parallel_loop3A_266] : memref<6x128xf32, #tpu.memory_space<vmem>>[vector<16xi32>, vector<16xi32>], vector<16xf32>,
      tpu.vector_store_idx %arg10[%parallel_loop3A_53, %parallel_loop3A_266], %parallel_loop3A_267 : memref<256x64xf32, #tpu.memory_space<vmem>>[vector<16xi32>, vector<16xi32>], vector<16xf32>,
      %parallel_loop3A_268 = tpu.vector_load_idx %arg9[%parallel_loop3A_55, %parallel_loop3A_266] : memref<6x128xf32, #tpu.memory_space<vmem>>[vector<16xi32>, vector<16xi32>], vector<16xf32>,
      %parallel_loop3A_269 = arith.constant 32 : i32
      %parallel_loop3A_270 = vector.broadcast %parallel_loop3A_269 : i32 to vector<16xi32>
      %parallel_loop3A_271 = arith.addi %parallel_loop3A_266, %parallel_loop3A_270 : vector<16xi32>
      tpu.vector_store_idx %arg10[%parallel_loop3A_53, %parallel_loop3A_271], %parallel_loop3A_268 : memref<256x64xf32, #tpu.memory_space<vmem>>[vector<16xi32>, vector<16xi32>], vector<16xf32>,
      %parallel_loop3A_272 = arith.constant 27 : i32
      %parallel_loop3A_273 = vector.broadcast %parallel_loop3A_272 : i32 to vector<16xi32>
      %parallel_loop3A_274 = arith.addi %broadcast_in_dim3A_1, %parallel_loop3A_273 : vector<16xi32>
      %parallel_loop3A_275 = tpu.vector_load_idx %arg9[%parallel_loop3A_54, %parallel_loop3A_274] : memref<6x128xf32, #tpu.memory_space<vmem>>[vector<16xi32>, vector<16xi32>], vector<16xf32>,
      tpu.vector_store_idx %arg10[%parallel_loop3A_53, %parallel_loop3A_274], %parallel_loop3A_275 : memref<256x64xf32, #tpu.memory_space<vmem>>[vector<16xi32>, vector<16xi32>], vector<16xf32>,
      %parallel_loop3A_276 = tpu.vector_load_idx %arg9[%parallel_loop3A_55, %parallel_loop3A_274] : memref<6x128xf32, #tpu.memory_space<vmem>>[vector<16xi32>, vector<16xi32>], vector<16xf32>,
      %parallel_loop3A_277 = arith.constant 32 : i32
      %parallel_loop3A_278 = vector.broadcast %parallel_loop3A_277 : i32 to vector<16xi32>
      %parallel_loop3A_279 = arith.addi %parallel_loop3A_274, %parallel_loop3A_278 : vector<16xi32>
      tpu.vector_store_idx %arg10[%parallel_loop3A_53, %parallel_loop3A_279], %parallel_loop3A_276 : memref<256x64xf32, #tpu.memory_space<vmem>>[vector<16xi32>, vector<16xi32>], vector<16xf32>,
      %parallel_loop3A_280 = arith.constant 28 : i32
      %parallel_loop3A_281 = vector.broadcast %parallel_loop3A_280 : i32 to vector<16xi32>
      %parallel_loop3A_282 = arith.addi %broadcast_in_dim3A_1, %parallel_loop3A_281 : vector<16xi32>
      %parallel_loop3A_283 = tpu.vector_load_idx %arg9[%parallel_loop3A_54, %parallel_loop3A_282] : memref<6x128xf32, #tpu.memory_space<vmem>>[vector<16xi32>, vector<16xi32>], vector<16xf32>,
      tpu.vector_store_idx %arg10[%parallel_loop3A_53, %parallel_loop3A_282], %parallel_loop3A_283 : memref<256x64xf32, #tpu.memory_space<vmem>>[vector<16xi32>, vector<16xi32>], vector<16xf32>,
      %parallel_loop3A_284 = tpu.vector_load_idx %arg9[%parallel_loop3A_55, %parallel_loop3A_282] : memref<6x128xf32, #tpu.memory_space<vmem>>[vector<16xi32>, vector<16xi32>], vector<16xf32>,
      %parallel_loop3A_285 = arith.constant 32 : i32
      %parallel_loop3A_286 = vector.broadcast %parallel_loop3A_285 : i32 to vector<16xi32>
      %parallel_loop3A_287 = arith.addi %parallel_loop3A_282, %parallel_loop3A_286 : vector<16xi32>
      tpu.vector_store_idx %arg10[%parallel_loop3A_53, %parallel_loop3A_287], %parallel_loop3A_284 : memref<256x64xf32, #tpu.memory_space<vmem>>[vector<16xi32>, vector<16xi32>], vector<16xf32>,
      %parallel_loop3A_288 = arith.constant 29 : i32
      %parallel_loop3A_289 = vector.broadcast %parallel_loop3A_288 : i32 to vector<16xi32>
      %parallel_loop3A_290 = arith.addi %broadcast_in_dim3A_1, %parallel_loop3A_289 : vector<16xi32>
      %parallel_loop3A_291 = tpu.vector_load_idx %arg9[%parallel_loop3A_54, %parallel_loop3A_290] : memref<6x128xf32, #tpu.memory_space<vmem>>[vector<16xi32>, vector<16xi32>], vector<16xf32>,
      tpu.vector_store_idx %arg10[%parallel_loop3A_53, %parallel_loop3A_290], %parallel_loop3A_291 : memref<256x64xf32, #tpu.memory_space<vmem>>[vector<16xi32>, vector<16xi32>], vector<16xf32>,
      %parallel_loop3A_292 = tpu.vector_load_idx %arg9[%parallel_loop3A_55, %parallel_loop3A_290] : memref<6x128xf32, #tpu.memory_space<vmem>>[vector<16xi32>, vector<16xi32>], vector<16xf32>,
      %parallel_loop3A_293 = arith.constant 32 : i32
      %parallel_loop3A_294 = vector.broadcast %parallel_loop3A_293 : i32 to vector<16xi32>
      %parallel_loop3A_295 = arith.addi %parallel_loop3A_290, %parallel_loop3A_294 : vector<16xi32>
      tpu.vector_store_idx %arg10[%parallel_loop3A_53, %parallel_loop3A_295], %parallel_loop3A_292 : memref<256x64xf32, #tpu.memory_space<vmem>>[vector<16xi32>, vector<16xi32>], vector<16xf32>,
      %parallel_loop3A_296 = arith.constant 30 : i32
      %parallel_loop3A_297 = vector.broadcast %parallel_loop3A_296 : i32 to vector<16xi32>
      %parallel_loop3A_298 = arith.addi %broadcast_in_dim3A_1, %parallel_loop3A_297 : vector<16xi32>
      %parallel_loop3A_299 = tpu.vector_load_idx %arg9[%parallel_loop3A_54, %parallel_loop3A_298] : memref<6x128xf32, #tpu.memory_space<vmem>>[vector<16xi32>, vector<16xi32>], vector<16xf32>,
      tpu.vector_store_idx %arg10[%parallel_loop3A_53, %parallel_loop3A_298], %parallel_loop3A_299 : memref<256x64xf32, #tpu.memory_space<vmem>>[vector<16xi32>, vector<16xi32>], vector<16xf32>,
      %parallel_loop3A_300 = tpu.vector_load_idx %arg9[%parallel_loop3A_55, %parallel_loop3A_298] : memref<6x128xf32, #tpu.memory_space<vmem>>[vector<16xi32>, vector<16xi32>], vector<16xf32>,
      %parallel_loop3A_301 = arith.constant 32 : i32
      %parallel_loop3A_302 = vector.broadcast %parallel_loop3A_301 : i32 to vector<16xi32>
      %parallel_loop3A_303 = arith.addi %parallel_loop3A_298, %parallel_loop3A_302 : vector<16xi32>
      tpu.vector_store_idx %arg10[%parallel_loop3A_53, %parallel_loop3A_303], %parallel_loop3A_300 : memref<256x64xf32, #tpu.memory_space<vmem>>[vector<16xi32>, vector<16xi32>], vector<16xf32>,
      %parallel_loop3A_304 = arith.constant 31 : i32
      %parallel_loop3A_305 = vector.broadcast %parallel_loop3A_304 : i32 to vector<16xi32>
      %parallel_loop3A_306 = arith.addi %broadcast_in_dim3A_1, %parallel_loop3A_305 : vector<16xi32>
      %parallel_loop3A_307 = tpu.vector_load_idx %arg9[%parallel_loop3A_54, %parallel_loop3A_306] : memref<6x128xf32, #tpu.memory_space<vmem>>[vector<16xi32>, vector<16xi32>], vector<16xf32>,
      tpu.vector_store_idx %arg10[%parallel_loop3A_53, %parallel_loop3A_306], %parallel_loop3A_307 : memref<256x64xf32, #tpu.memory_space<vmem>>[vector<16xi32>, vector<16xi32>], vector<16xf32>,
      %parallel_loop3A_308 = tpu.vector_load_idx %arg9[%parallel_loop3A_55, %parallel_loop3A_306] : memref<6x128xf32, #tpu.memory_space<vmem>>[vector<16xi32>, vector<16xi32>], vector<16xf32>,
      %parallel_loop3A_309 = arith.constant 32 : i32
      %parallel_loop3A_310 = vector.broadcast %parallel_loop3A_309 : i32 to vector<16xi32>
      %parallel_loop3A_311 = arith.addi %parallel_loop3A_306, %parallel_loop3A_310 : vector<16xi32>
      tpu.vector_store_idx %arg10[%parallel_loop3A_53, %parallel_loop3A_311], %parallel_loop3A_308 : memref<256x64xf32, #tpu.memory_space<vmem>>[vector<16xi32>, vector<16xi32>], vector<16xf32>,
    } {sc.loop_unroll_factor = 2 : i64, sc.parallel_access}
    "tpu.region"() ({
      %run_scoped3A = tpu.sem_alloc : memref<!tpu.dma_semaphore, #tpu.memory_space<semaphore_mem>>
      %dma_start3A_49 = arith.constant 0 : i32
      %dma_start3A_50 = tpu.memref_slice %arg4[%mul3A_3, %dma_start3A_49] : memref<8192x64xf32, #tpu.memory_space<hbm>> -> memref<256x64xf32, #tpu.memory_space<hbm>>
      %dma_start3A_51 = arith.constant 0 : i32
      %dma_start3A_52 = tpu.memref_slice %arg4[%mul3A_3, %dma_start3A_51] : memref<8192x64xf32, #tpu.memory_space<hbm>> -> memref<256x64xf32, #tpu.memory_space<hbm>>
      tpu.enqueue_dma source(%arg10 : memref<256x64xf32, #tpu.memory_space<vmem>>) target(%dma_start3A_52 : memref<256x64xf32, #tpu.memory_space<hbm>>) target_semaphore(%run_scoped3A : memref<!tpu.dma_semaphore, #tpu.memory_space<semaphore_mem>>)
      %dma_wait3A_53 = arith.constant 0 : i32
      %dma_wait3A_54 = tpu.memref_slice %arg4[%mul3A_3, %dma_wait3A_53] : memref<8192x64xf32, #tpu.memory_space<hbm>> -> memref<256x64xf32, #tpu.memory_space<hbm>>
      %dma_wait3A_55 = arith.constant 0 : i32
      %dma_wait3A_56 = tpu.memref_slice %arg4[%mul3A_3, %dma_wait3A_55] : memref<8192x64xf32, #tpu.memory_space<hbm>> -> memref<256x64xf32, #tpu.memory_space<hbm>>
      tpu.wait_dma2 semaphore(%run_scoped3A : memref<!tpu.dma_semaphore, #tpu.memory_space<semaphore_mem>>) src(%arg10 : memref<256x64xf32, #tpu.memory_space<vmem>>) dst(%dma_wait3A_56 : memref<256x64xf32, #tpu.memory_space<hbm>>)
      tpu.yield
    }) : () -> ()
    return
  }
}

module attributes {stable_mosaic.version = 14 : i64} {
  func.func @_tc_body(%arg0: i32, %arg1: memref<2048x64xf32, #tpu.memory_space<vmem>>, %arg2: memref<4096x26xi32, #tpu.memory_space<vmem>>, %arg3: memref<64x64xf32, #tpu.memory_space<vmem>>, %arg4: memref<4096x64xf32, #tpu.memory_space<vmem>>) attributes {dimension_semantics = [#tpu.dimension_semantics<arbitrary>], iteration_bounds = array<i64: 4>, scalar_prefetch = 0 : i64, scratch_operands = 0 : i64, tpu.core_type = #tpu.core_type<tc>, window_params = [{transform_indices = @transform_0, window_bounds = array<i64: 2048, 64>}, {transform_indices = @transform_1, window_bounds = array<i64: 4096, 26>}, {pipeline_mode = #tpu.pipeline_mode<synchronous>, transform_indices = @transform_2, window_bounds = array<i64: 64, 64>}, {transform_indices = @transform_3, window_bounds = array<i64: 4096, 64>}]} {
    %get3A = arith.constant 0 : index
    %get3A_0 = arith.constant 0 : index
    %get3A_1 = vector.load %arg2[%get3A, %get3A_0] : memref<4096x26xi32, #tpu.memory_space<vmem>>, vector<4096x26xi32>
    %convert_element_type3A = arith.sitofp %get3A_1 : vector<4096x26xi32> to vector<4096x26xf32>
    %get3A_2 = arith.constant 0 : index
    %get3A_3 = arith.constant 0 : index
    %get3A_4 = vector.load %arg3[%get3A_2, %get3A_3] : memref<64x64xf32, #tpu.memory_space<vmem>>, vector<26x64xf32>
    %dot_general3A = arith.constant dense<0.000000e+00> : vector<4096x64xf32>
    %dot_general3A_5 = tpu.matmul %convert_element_type3A, %get3A_4, %dot_general3A {dimension_numbers = #tpu.dot_dimension_numbers<[1], [0], [0], [1], [0, 0, 1, 1], [], []>, transpose_lhs_hint = false} : vector<4096x26xf32>, vector<26x64xf32>, vector<4096x64xf32> -> vector<4096x64xf32>
    %get3A_6 = arith.constant 32 : index
    %get3A_7 = arith.constant 0 : index
    %get3A_8 = vector.load %arg3[%get3A_6, %get3A_7] : memref<64x64xf32, #tpu.memory_space<vmem>>, vector<26x64xf32>
    %dot_general3A_9 = arith.constant dense<0.000000e+00> : vector<4096x64xf32>
    %dot_general3A_10 = tpu.matmul %convert_element_type3A, %get3A_8, %dot_general3A_9 {dimension_numbers = #tpu.dot_dimension_numbers<[1], [0], [0], [1], [0, 0, 1, 1], [], []>, transpose_lhs_hint = false} : vector<4096x26xf32>, vector<26x64xf32>, vector<4096x64xf32> -> vector<4096x64xf32>
    %iota3A = tpu.iota {dimensions = array<i32: 1>} : vector<4096x64xi32>
    %get3A_11 = arith.constant 0 : index
    %get3A_12 = arith.constant 0 : index
    %get3A_13 = vector.load %arg1[%get3A_11, %get3A_12] : memref<2048x64xf32, #tpu.memory_space<vmem>>, vector<2048x64xf32>
    %slice3A = vector.extract_strided_slice %get3A_13 {offsets = [0, 0], sizes = [2048, 32], strides = [1, 1]} : vector<2048x64xf32> to vector<2048x32xf32>
    %slice3A_14 = vector.extract_strided_slice %get3A_13 {offsets = [0, 32], sizes = [2048, 32], strides = [1, 1]} : vector<2048x64xf32> to vector<2048x32xf32>
    %concatenate3A = tpu.concatenate %slice3A, %slice3A_14 in 0 : vector<2048x32xf32>, vector<2048x32xf32> -> vector<4096x32xf32>
    %concatenate3A_15 = tpu.concatenate %concatenate3A, %concatenate3A in 1 : vector<4096x32xf32>, vector<4096x32xf32> -> vector<4096x64xf32>
    %lt3A = arith.constant 32 : i32
    %lt3A_16 = vector.broadcast %lt3A : i32 to vector<4096x64xi32>
    %lt3A_17 = arith.cmpi slt, %iota3A, %lt3A_16 : vector<4096x64xi32>
    %div3A = arith.constant 1.000000e+00 : f32
    %div3A_18 = vector.broadcast %div3A : f32 to vector<4096x64xf32>
    %div3A_19 = arith.divf %div3A_18, %dot_general3A_10 : vector<4096x64xf32>
    %mul3A = arith.mulf %dot_general3A_5, %div3A_19 : vector<4096x64xf32>
    %select_n3A = arith.select %lt3A_17, %concatenate3A_15, %mul3A : vector<4096x64xi1>, vector<4096x64xf32>
    %swap3A = arith.constant 0 : index
    %swap3A_20 = arith.constant 0 : index
    %swap3A_21 = vector.load %arg4[%swap3A, %swap3A_20] : memref<4096x64xf32, #tpu.memory_space<vmem>>, vector<4096x64xf32>
    tpu.vector_store %arg4[%swap3A, %swap3A_20], %select_n3A {strides = array<i32>} : memref<4096x64xf32, #tpu.memory_space<vmem>>, vector<4096x64xf32>,
    return
  }
  func.func @transform_0(%arg0: i32) -> (i32, i32) {
    %c0_i32 = arith.constant 0 : i32
    %c0_i32_0 = arith.constant 0 : i32
    return %arg0, %c0_i32 : i32, i32
  }
  func.func @transform_1(%arg0: i32) -> (i32, i32) {
    %c0_i32 = arith.constant 0 : i32
    %c0_i32_0 = arith.constant 0 : i32
    return %arg0, %c0_i32 : i32, i32
  }
  func.func @transform_2(%arg0: i32) -> (i32, i32) {
    %c0_i32 = arith.constant 0 : i32
    %c0_i32_0 = arith.constant 0 : i32
    %c0_i32_1 = arith.constant 0 : i32
    return %c0_i32, %c0_i32_0 : i32, i32
  }
  func.func @transform_3(%arg0: i32) -> (i32, i32) {
    %c0_i32 = arith.constant 0 : i32
    %c0_i32_0 = arith.constant 0 : i32
    return %arg0, %c0_i32 : i32, i32
  }
}

</mosaic_0001>

<sc_bundles>
// kernel: kernel.4.cloned.1.call-start
scs
__scs_entry_jumppad:
0x0: {  	(pc) =	sbr.rel $0x88, $3  }
0x1: {  	(tag) =	ssettag $0x0;
	lr =	simm.s32 $0x1  }
0x2: {  	[smem:$0x3F9E] =	sst lr;
	_ =	strace $0xD0000000  }
0x3: {  	_ = 	snop  }
0x4: {  	_ = 	snop  }
0x5: {  	_ = 	snop  }
0x6: {  	_ = 	snop  }
0x7: {  	_ = 	snop  }
__scs_overlays_trampoline_lowered:
0x8: {  	[smem:$0x3FAD] =	sst s0  }
0x9: {  	[smem:$0x3FAE] =	sst s1  }
0xa: {  	[smem:$0x3FAF] =	sst s2  }
0xb: {  	[smem:$0x3FB0] =	sst s3  }
0xc: {  	[smem:$0x3FB1] =	sst s4  }
0xd: {  	[smem:$0x3FB2] =	sst s5  }
0xe: {  	[smem:$0x3FB3] =	sst s6  }
0xf: {  	[smem:$0x3FB4] =	sst s7  }
0x10: {  	[smem:$0x3FB5] =	sst s8  }
0x11: {  	[smem:$0x3FB6] =	sst s9;
	s0 =	simm.s32 @!p0 $0x0  }
0x12: {  	s1 =	sld [smem:$0x3F9C];
	s0 =	simm.s32 @p0 $0x1  }
0x13: {  	[smem:$0x3FB7] =	sst s0;
	s0 =	simm.s32 @!p1 $0x0  }
0x14: {  	s2 =	sld [smem:$0x3F9B];
	s0 =	simm.s32 @p1 $0x1  }
0x15: {  	[smem:$0x3FB8] =	sst s0;
	s0 =	simm.s32 @!p2 $0x0  }
0x16: {  	s3 =	sld [smem:$0x3FDB];
	s0 =	simm.s32 @p2 $0x1  }
0x17: {  	s4 =	simm.s32 $0x1BF5;
	[smem:$0x3FBA] =	sst s0  }
0x18: {  	s0 =	sld [smem:$0x3F9D];
	_ =	swait.ge [sflag:s4], $0x0  }
0x19: {  	s7 =	sld [smem:$0x3F9E]  }
0x1a: {  	s8 =	sadd.s32 $0xFFFFE003, lr  }
0x1b: {  	s9 =	sadd.s32 $0xFFFFFEF7, lr;
	s5 =	simm.s32 $0xFFFFFFFF;
	p2 =	slt.u32 s8, $0xFFFFF086  }
0x1c: {  	p1 =	slt.u32 s9, $0xF7A;
	s5 =	simm.s32 @!p2 $0x0  }
0x1d: {  	s5 =	simm.s32 @p1 $0x1;
	p0 =	seq.s32 s7, s2  }
0x1e: {  	s7 =	smul.u32 @!p0 $0xF7A, s2;
	p2 =	seq.s32 @!p0 s5, $0x0  }
0x1f: {  	s9 =	smul.u32 $0xF7A, s1;
	s8 =	simm.s32 @!p0 $0x1BF5;
	p2 =	por !p2, p0  }
0x20: {  	[sflag:s8] =	ssyncset.s32 @!p0 $0xFFFFF086;
	s6 =	sadd.s32 @!p0 s3, s7;
	s7 =	simm.s32 @!p0 $0x108  }
0x21: {  	s3 =	sadd.s32 s3, s9;
	s6 =	sadd.s32 @!p0 $0x88, s6;
	s7 =	simm.s32 @p2 $0x1082  }
0x22: {  	[simem:s7], [sflag:s8] =	dma.local @!p0 [hbm:s6], $0xF7A  }
0x23: {  	s9 =	sor.u32 $0xD0000000, s2;
	s6 =	simm.s32 $0x108;
	_ =	swait.ge @!p0 [sflag:s8], $0x0  }
0x24: {  	s3 =	sadd.s32 $0x88, s3;
	s6 =	simm.s32 @!p1 $0x1082;
	[sflag:s4] =	ssyncset.s32 $0xFFFFF086  }
0x25: {  	[simem:s6], [sflag:s4] =	dma.local [hbm:s3], $0xF7A  }
0x26: {  	[smem:$0x3F9E] =	sst s1;
	(tag) =	ssettag s2;
	_ =	strace s9  }
0x27: {  	s1 =	sld [smem:$0x3FAE]  }
0x28: {  	s2 =	sld [smem:$0x3FAF]  }
0x29: {  	s4 =	sld [smem:$0x3FB1]  }
0x2a: {  	p0 =	seq.s32 s5, $0x0;
	s5 =	sld [smem:$0x3FB2]  }
0x2b: {  	s6 =	sld [smem:$0x3FB3]  }
0x2c: {  	s7 =	sld [smem:$0x3FB4]  }
0x2d: {  	s3 =	simm.s32 $0x108;
	s8 =	sld [smem:$0x3FB5]  }
0x2e: {  	s3 =	simm.s32 @!p0 $0x1082;
	s9 =	sld [smem:$0x3FB6]  }
0x2f: {  	lr =	sadd.s32 s0, s3;
	s0 =	sld [smem:$0x3FAD]  }
0x30: {  	s3 =	sld [smem:$0x3FB0]  }
0x31: {  	[smem:$0x3FB9] =	sst s10  }
0x32: {  	s10 =	sld [smem:$0x3FB7];
	_ =	sdelay $0x3  }
0x33: {  	p0 =	seq.s32 s10, $0x1;
	s10 =	sld [smem:$0x3FB9];
	_ =	sdelay $0x3  }
0x34: {  	[smem:$0x3FB9] =	sst s10  }
0x35: {  	s10 =	sld [smem:$0x3FB8];
	_ =	sdelay $0x3  }
0x36: {  	p1 =	seq.s32 s10, $0x1;
	s10 =	sld [smem:$0x3FB9];
	_ =	sdelay $0x3  }
0x37: {  	[smem:$0x3FB9] =	sst s10  }
0x38: {  	s10 =	sld [smem:$0x3FBA]  }
0x39: {  	_ = 	snop;
	(pc) =	sbr.ind lr, $3  }
0x3a: {  	_ = 	snop  }
0x3b: {  	_ = 	snop  }
0x3c: {  	p2 =	seq.s32 s10, $0x1;
	s10 =	sld [smem:$0x3FB9]  }
0x3d: {  	_ =	shalt  }
0x3e: {  	_ =	shalt  }
0x3f: {  	_ =	shalt  }
0x40: {  	_ =	shalt  }
0x41: {  	_ =	shalt  }
0x42: {  	_ =	shalt  }
0x43: {  	_ =	shalt  }
0x44: {  	_ =	shalt  }
0x45: {  	_ =	shalt  }
0x46: {  	_ =	shalt  }
0x47: {  	_ =	shalt  }
0x48: {  	_ =	shalt  }
0x49: {  	_ =	shalt  }
0x4a: {  	_ =	shalt  }
0x4b: {  	_ =	shalt  }
0x4c: {  	_ =	shalt  }
0x4d: {  	_ =	shalt  }
0x4e: {  	_ =	shalt  }
0x4f: {  	_ =	shalt  }
0x50: {  	_ =	shalt  }
0x51: {  	_ =	shalt  }
0x52: {  	_ =	shalt  }
0x53: {  	_ =	shalt  }
0x54: {  	_ =	shalt  }
0x55: {  	_ =	shalt  }
0x56: {  	_ =	shalt  }
0x57: {  	_ =	shalt  }
0x58: {  	_ =	shalt  }
0x59: {  	_ =	shalt  }
0x5a: {  	_ =	shalt  }
0x5b: {  	_ =	shalt  }
0x5c: {  	_ =	shalt  }
0x5d: {  	_ =	shalt  }
0x5e: {  	_ =	shalt  }
0x5f: {  	_ =	shalt  }
0x60: {  	_ =	shalt  }
0x61: {  	_ =	shalt  }
0x62: {  	_ =	shalt  }
0x63: {  	_ =	shalt  }
0x64: {  	_ =	shalt  }
0x65: {  	_ =	shalt  }
0x66: {  	_ =	shalt  }
0x67: {  	_ =	shalt  }
0x68: {  	_ =	shalt  }
0x69: {  	_ =	shalt  }
0x6a: {  	_ =	shalt  }
0x6b: {  	_ =	shalt  }
0x6c: {  	_ =	shalt  }
0x6d: {  	_ =	shalt  }
0x6e: {  	_ =	shalt  }
0x6f: {  	_ =	shalt  }
0x70: {  	_ =	shalt  }
0x71: {  	_ =	shalt  }
0x72: {  	_ =	shalt  }
0x73: {  	_ =	shalt  }
0x74: {  	_ =	shalt  }
0x75: {  	_ =	shalt  }
0x76: {  	_ =	shalt  }
0x77: {  	_ =	shalt  }
0x78: {  	_ =	shalt  }
0x79: {  	_ =	shalt  }
0x7a: {  	_ =	shalt  }
0x7b: {  	_ =	shalt  }
0x7c: {  	_ =	shalt  }
0x7d: {  	_ =	shalt  }
0x7e: {  	_ =	shalt  }
0x7f: {  	_ =	shalt  }
0x80: {  	_ =	shalt  }
0x81: {  	_ =	shalt  }
0x82: {  	_ =	shalt  }
0x83: {  	_ =	shalt  }
0x84: {  	_ =	shalt  }
0x85: {  	_ =	shalt  }
0x86: {  	_ =	shalt  }
0x87: {  	_ =	shalt  }
.Lfunc_end0:
.L_simem_size_0:
called_computation_lowered:
.L_overlay_start_0:
0x88: {  	s2 =	sld [smem:$0x3FD9]  }
0x89: {  	s3 =	sld [smem:$0x3FFE];
	_ =	sdelay $0x1  }
0x8a: {  	s1 =	srdreg.scid  }
0x8b: {  	s0 =	sand.u32 $0x1, s1  }
0x8c: {  	s17 =	sshll.u32 s0, $0xA;
	s2 =	sadd.s32 s3, s2  }
0x8d: {  	s2 =	sadd.s32 s2, s17  }
0x8e: {  	[smem:$0x3FC5] =	sst s2  }
0x8f: {  	_ = 	snop  }
0x90: {  	s2 =	sld [smem:$0x3FD0];
	(tm) =	ssettm $0x1  }
0x91: {  	s18 =	sld [smem:$0x3FFB];
	_ =	sdelay $0x3  }
0x92: {  	_ =	strace s18  }
0x93: {  	s3 =	sld [smem:$0x3FFC];
	_ =	sdelay $0x3  }
0x94: {  	_ =	strace s3  }
0x95: {  	s3 =	sld [smem:$0x3FFD];
	_ =	sdelay $0x3  }
0x96: {  	_ =	strace s3  }
0x97: {  	_ =	strace $0x8FFFFFFF  }
0x98: {  	s19 =	sld [smem:$0x3FDB];
	_ =	sdelay $0x1  }
0x99: {  	s4 =	simm.s32 $_scs_section_size  }
0x9a: {  	s5 =	simm.s32 $_size__tile_overlayer_lowered;
	s6 =	simm.s32 $_tile_overlayer_lowered  }
0x9b: {  	s22 =	simm.s32 $0x1BFF;
	s21 =	sshll.u32 s6, $0x1;
	s3 =	sadd.s32 s4, s19  }
0x9c: {  	s7 =	simm.s32 $0x0;
	s20 =	sshll.u32 s5, $0x1;
	s5 =	sadd.s32 s21, s3  }
0x9d: {  	[timem:s7], [sflag:s22] =	dma.local [hbm:s5], s20  }
0x9e: {  	_ =	swait.ge [sflag:s22], s20  }
0x9f: {  	s4 =	ssub.s32 $0x0, s20;
	[sflag:s22] =	ssyncset.done $0x0  }
0xa0: {  	[sflag:s22] =	ssyncadd.s32 s4;
	_ =	sdelay $0x1  }
0xa1: {  	s23 =	simm.s32 $0x1B8B  }
0xa2: {  	_ =	swait.ge [sflag:s23], $0x1  }
0xa3: {  	[sflag:s23] =	ssyncset.done $0x0  }
0xa4: {  	s25 =	simm.s32 $0x1B8E;
	s24 =	sld [smem:$0x3FFE];
	[sflag:s23] =	ssyncadd.s32 $0xFFFFFFFF  }
0xa5: {  	s26 =	simm.s32 $execute0_lowered;
	[smem:$0x3FD2] =	sst s25  }
0xa6: {  	s5 =	sshll.u32 s26, $0x1;
	_ =	strace $0x80000046;
	[dreg:$0x1] =	wrdreg $0xFFFFFFFF  }
0xa7: {  	s28 =	simm.s32 $_size_execute0_lowered;
	s3 =	sadd.s32 s3, s5;
	[dreg:$0x0] =	wrdreg $0x0  }
0xa8: {  	s5 =	sshll.u32 s28, $0x1;
	[dreg:$0x2] =	wrdreg s3  }
0xa9: {  	[dreg:$0x3] =	wrdreg s5  }
0xaa: {  	[dreg:$0x4] =	wrdreg $0xC0  }
0xab: {  	_ =	task [dreg:s7], $0x5FFFF  }
0xac: {  	[dreg:$0x1] =	wrdreg $0xFFFFFFFF  }
0xad: {  	[dreg:$0x0] =	wrdreg $0x60  }
0xae: {  	[dreg:$0x2] =	wrdreg s24  }
0xaf: {  	[dreg:$0x3] =	wrdreg s2  }
0xb0: {  	[dreg:$0x4] =	wrdreg $0x9  }
0xb1: {  	_ =	task.clear_ibuf [dreg:s7], $0x5FFFF;
	_ =	strace $0x90000046  }
0xb2: {  	s29 =	simm.s32 $0x9;
	_ =	strace $0x80000048  }
0xb3: {  	_ =	swait.ge [sflag:s29], $0x1  }
0xb4: {  	[sflag:s29] =	ssyncadd.s32 $0xFFFFFFFF  }
0xb5: {  	_ =	strace $0x90000048  }
0xb6: {  	_ =	sfence  }
0xb7: {  	s30 =	sld [smem:$0x0];
	_ =	sdelay $0x2  }
0xb8: {  	s31 =	sshll.u32 s1, $0xD;
	s1 =	sshrl.u32 s1, $0x2  }
0xb9: {  	s3 =	sand.u32 $0x4000, s31;
	s1 =	sadd.s32 s1, s30  }
0xba: {  	s0 =	sor.u32 s3, s0;
	s1 =	sshll.u32 s1, $0x11  }
0xbb: {  	s0 =	sor.u32 s1, s0  }
0xbc: {  	s0 =	sadd.s32 $0x8F2B, s0  }
0xbd: {  	[sflag:s0] =	ssyncadd.remote.s32 $0x1  }
0xbe: {  	_ =	sfence.sel $0xFFFF  }
0xbf: {  	[dreg:$0x0] =	wrdreg $0xFFFFFFFF;
	(pc) =	sbr.abs _section_cstart, $3  }
0xc0: {  	[dreg:$0x1] =	wrdreg $0xFFFFFFFF  }
0xc1: {  	_ =	task.clear_ibuf [dreg:s7], $0x2FFFF;
	_ =	strace $0x9FFFFFFF  }
0xc2: {  	(tm) =	ssettm $0x7FFFFFFF  }
0xc3: {  	_ =	shalt  }
tec
execute0_lowered:
.L_overlay_start_1:
0x0: {  	(tag) =	ssettag $0x1  }
0x1: {  	s1 =	srdreg.scid;
	s4 =	rddreg [dreg:$0x0]  }
0x2: {  	s0 =	stileid.u32;
	s6 =	rddreg [dreg:$0x1];
	s10 =	simm.s32 $0x1  }
0x3: {  	s11 =	simm.s32 $0x10000;
	s12 =	simm.s32 $0x10100;
	s13 =	simm.s32 $0x10600  }
0x4: {  	s14 =	simm.s32 $0x2;
	s15 =	simm.s32 $0x0;
	s3 =	sand.u32 $0x1, s1  }
0x5: {  	s28 =	sshll.u32 s0, $0x9;
	s29 =	sshll.u32 s0, $0xA;
	s2 =	sshll.u32 s3, $0x8  }
0x6: {  	s1 =	rddreg [dreg:$0x2];
	s7 =	sand.u32 $0x3000, s29;
	s5 =	sor.u32 s2, s28  }
0x7: {  	s30 =	ssub.s32 $0x2, s3;
	s3 =	sadd.s32 $0x40E00, s4;
	s8 =	sand.u32 $0x700, s5  }
0x8: {  	s2 =	simm.s32 $0x0;
	s9 =	sshrl.u32 s30, $0x1;
	s7 =	sor.u32 s7, s8  }
0x9: {  	[smem:$0x7FF] =	sst s2;
	s31 =	sshll.u32 s5, $0x4;
	s7 =	sshll.u32 s7, $0x4  }
0xa: {  	_ =	strace $0x80000047;
	s8 =	ssub.s32 s30, s9;
	s7 =	sadd.s32 s7, s4  }
0xb: {  	s6 =	sadd.s32 s6, s31;
	s9 =	simm.s32 $0x8000;
	s4 =	sadd.s32 $0xE00, s7  }
0xc: {  	v45 =	vlaneseq.u32;
	s5 =	sadd.s32 $0x8E00, s7;
	s7 =	smax.u32 s8, $0x1;
	s8 =	simm.s32 $0x10200  }
.LBB2_1:
0xd: {  	[tilespmem:s8], [sflag:$0x1] =	stream.linear.gather [hbm4b:s3+s2], $0x300, $0x38;
	[tilespmem:$0x18600] =	vst v63  }
0xe: {  	_ = 	snop  }
0xf: {  	[tilespmem:s2], [sflag:$0x1] =	stream.linear.gather [hbm4b:s4+s2], $0x8000, $0x38;
	[tilespmem:$0x18600] =	vst v63  }
0x10: {  	_ = 	snop  }
0x11: {  	[tilespmem:s9], [sflag:$0x1] =	stream.linear.gather [hbm4b:s5+s2], $0x8000, $0x38;
	[tilespmem:$0x18600] =	vst v63  }
0x12: {  	_ =	swait.ge [sflag:s10], $0x300  }
0x13: {  	[sflag:s10] =	ssyncset.done $0x0  }
0x14: {  	[sflag:s10] =	ssyncadd.s32 $0xFFFFFD00  }
0x15: {  	_ =	swait.ge [sflag:s10], $0x8000  }
0x16: {  	[sflag:s10] =	ssyncset.done $0x0  }
0x17: {  	[sflag:s10] =	ssyncadd.s32 $0xFFFF8000  }
0x18: {  	_ =	swait.ge [sflag:s10], $0x8000  }
0x19: {  	[sflag:s10] =	ssyncset.done $0x0  }
0x1a: {  	p0 =	por $0x1, $0x1;
	s16 =	simm.s32 $0x0;
	[sflag:s10] =	ssyncadd.s32 $0xFFFF8000  }
.LBB2_2:
0x1b: {  	v0 =	vor.u32 s16, v45  }
0x1c: {  	v1 =	vshll.u32 v0, $0x7;
	_ =	sdelay $0x4  }
0x1d: {  	v2 =	vld.idx.msk [tilespmem:v1+s2+$0x0], $0xffff;
	_ =	sdelay $0x4  }
0x1e: {  	s17 =	sor.u32 $0x10, s16;
	[tilespmem:v0+s11+$0x0] =	vst.idx.msk $0xffff, v2  }
0x1f: {  	v51 =	vor.u32 s17, v45;
	v1 =	vld.idx.msk [tilespmem:v1+s9+$0x0], $0xffff  }
0x20: {  	v3 =	vshll.u32 v51, $0x7;
	_ =	sdelay $0x3  }
0x21: {  	[tilespmem:v0+s12+$0x0] =	vst.idx.msk $0xffff, v1  }
0x22: {  	v0 =	vld.idx.msk [tilespmem:v3+s2+$0x0], $0xffff;
	_ =	sdelay $0x4  }
0x23: {  	s25 =	sor.u32 $0x20, s16;
	[tilespmem:v51+s11+$0x0] =	vst.idx.msk $0xffff, v0  }
0x24: {  	v52 =	vor.u32 s25, v45;
	v0 =	vld.idx.msk [tilespmem:v3+s9+$0x0], $0xffff  }
0x25: {  	v53 =	vshll.u32 v52, $0x7;
	_ =	sdelay $0x3  }
0x26: {  	[tilespmem:v51+s12+$0x0] =	vst.idx.msk $0xffff, v0  }
0x27: {  	v0 =	vld.idx.msk [tilespmem:v53+s2+$0x0], $0xffff;
	_ =	sdelay $0x4  }
0x28: {  	s26 =	sor.u32 $0x30, s16;
	[tilespmem:v52+s11+$0x0] =	vst.idx.msk $0xffff, v0  }
0x29: {  	v54 =	vor.u32 s26, v45;
	v0 =	vld.idx.msk [tilespmem:v53+s9+$0x0], $0xffff  }
0x2a: {  	v55 =	vshll.u32 v54, $0x7;
	_ =	sdelay $0x3  }
0x2b: {  	[tilespmem:v52+s12+$0x0] =	vst.idx.msk $0xffff, v0  }
0x2c: {  	v0 =	vld.idx.msk [tilespmem:v55+s2+$0x0], $0xffff;
	_ =	sdelay $0x4  }
0x2d: {  	s28 =	sor.u32 $0x40, s16;
	[tilespmem:v54+s11+$0x0] =	vst.idx.msk $0xffff, v0  }
0x2e: {  	v56 =	vor.u32 s28, v45;
	v0 =	vld.idx.msk [tilespmem:v55+s9+$0x0], $0xffff  }
0x2f: {  	v57 =	vshll.u32 v56, $0x7;
	_ =	sdelay $0x3  }
0x30: {  	[tilespmem:v54+s12+$0x0] =	vst.idx.msk $0xffff, v0  }
0x31: {  	v0 =	vld.idx.msk [tilespmem:v57+s2+$0x0], $0xffff;
	_ =	sdelay $0x4  }
0x32: {  	s29 =	sor.u32 $0x50, s16;
	[tilespmem:v56+s11+$0x0] =	vst.idx.msk $0xffff, v0  }
0x33: {  	v58 =	vor.u32 s29, v45;
	v0 =	vld.idx.msk [tilespmem:v57+s9+$0x0], $0xffff  }
0x34: {  	v59 =	vshll.u32 v58, $0x7;
	_ =	sdelay $0x3  }
0x35: {  	[tilespmem:v56+s12+$0x0] =	vst.idx.msk $0xffff, v0  }
0x36: {  	v0 =	vld.idx.msk [tilespmem:v59+s2+$0x0], $0xffff;
	_ =	sdelay $0x4  }
0x37: {  	s30 =	sor.u32 $0x60, s16;
	[tilespmem:v58+s11+$0x0] =	vst.idx.msk $0xffff, v0  }
0x38: {  	v60 =	vor.u32 s30, v45;
	v0 =	vld.idx.msk [tilespmem:v59+s9+$0x0], $0xffff  }
0x39: {  	v61 =	vshll.u32 v60, $0x7;
	_ =	sdelay $0x3  }
0x3a: {  	[tilespmem:v58+s12+$0x0] =	vst.idx.msk $0xffff, v0  }
0x3b: {  	v0 =	vld.idx.msk [tilespmem:v61+s2+$0x0], $0xffff;
	_ =	sdelay $0x4  }
0x3c: {  	s31 =	sor.u32 $0x70, s16;
	[tilespmem:v60+s11+$0x0] =	vst.idx.msk $0xffff, v0  }
0x3d: {  	v62 =	vor.u32 s31, v45;
	v0 =	vld.idx.msk [tilespmem:v61+s9+$0x0], $0xffff  }
0x3e: {  	v63 =	vshll.u32 v62, $0x7;
	_ =	sdelay $0x3  }
0x3f: {  	[tilespmem:v60+s12+$0x0] =	vst.idx.msk $0xffff, v0  }
0x40: {  	v0 =	vld.idx.msk [tilespmem:v63+s2+$0x0], $0xffff;
	_ =	sdelay $0x4  }
0x41: {  	[tilespmem:v62+s11+$0x0] =	vst.idx.msk $0xffff, v0  }
0x42: {  	p1 =	por p0, p0;
	v0 =	vld.idx.msk [tilespmem:v63+s9+$0x0], $0xffff  }
.Ltmp0:
0x43: {  	_ = 	snop;
	(pc) =	sbr.rel @p1 .LBB2_2-.Ltmp0, $2  }
0x44: {  	_ =	sdelay $0x2  }
0x45: {  	s16 =	simm.s32 $0x80;
	p0 =	por $0x0, $0x0;
	s17 =	simm.s32 $0x10;
	[tilespmem:v62+s12+$0x0] =	vst.idx.msk $0xffff, v0  }
0x46: {  	v0 =	vor.u32 s17, v45;
	s16 =	simm.s32 $0x0  }
0x47: {  	v1 =	vor.u32 s16, v45;
	_ =	sdelay $0x3  }
0x48: {  	v2 =	vld.idx.msk [tilespmem:v0+s11+$0x0], $0xffff  }
0x49: {  	v3 =	vld.idx.msk [tilespmem:v1+s11+$0x0], $0xffff;
	_ =	sdelay $0x3  }
0x4a: {  	v12 =	vshll.u32 v2, $0x7  }
0x4b: {  	v2 =	vld.idx.msk [tilespmem:v0+s12+$0x0], $0xffff;
	v34 =	vshll.u32 v3, $0x7  }
0x4c: {  	v3 =	vld.idx.msk [tilespmem:v1+s12+$0x0], $0xffff;
	_ =	sdelay $0x2  }
0x4d: {  	v9 =	vshll.u32 v0, $0x7;
	v4 =	vld.idx.msk [tilespmem:v12+s8+$0x0], $0xffff  }
0x4e: {  	v0 =	vshll.u32 v1, $0x7;
	v11 =	vshll.u32 v2, $0x7;
	v2 =	vld.idx.msk [tilespmem:v34+s8+$0x0], $0xffff  }
0x4f: {  	v44 =	vshll.u32 v3, $0x7;
	_ =	sdelay $0x2  }
0x50: {  	[tilespmem:v9+s13+$0x0] =	vst.idx.msk $0xffff, v4  }
0x51: {  	v1 =	vor.u32 $0x20, v9;
	v3 =	vld.idx.msk [tilespmem:v11+s8+$0x0], $0xffff;
	[tilespmem:v0+s13+$0x0] =	vst.idx.msk $0xffff, v2  }
0x52: {  	v5 =	vor.u32 $0x20, v0;
	v4 =	vor.u32 $0x1, v12;
	v2 =	vld.idx.msk [tilespmem:v44+s8+$0x0], $0xffff  }
0x53: {  	v6 =	vor.u32 $0x1, v34;
	_ =	sdelay $0x2  }
0x54: {  	[tilespmem:v1+s13+$0x0] =	vst.idx.msk $0xffff, v3  }
0x55: {  	v1 =	vor.u32 $0x1, v9;
	v3 =	vld.idx.msk [tilespmem:v4+s8+$0x0], $0xffff;
	[tilespmem:v5+s13+$0x0] =	vst.idx.msk $0xffff, v2  }
0x56: {  	v4 =	vor.u32 $0x1, v11;
	v5 =	vor.u32 $0x1, v0;
	v2 =	vld.idx.msk [tilespmem:v6+s8+$0x0], $0xffff  }
0x57: {  	v6 =	vor.u32 $0x1, v44;
	_ =	sdelay $0x2  }
0x58: {  	[tilespmem:v1+s13+$0x0] =	vst.idx.msk $0xffff, v3  }
0x59: {  	v1 =	vor.u32 $0x21, v9;
	v3 =	vld.idx.msk [tilespmem:v4+s8+$0x0], $0xffff;
	[tilespmem:v5+s13+$0x0] =	vst.idx.msk $0xffff, v2  }
0x5a: {  	v4 =	vor.u32 $0x2, v12;
	v5 =	vor.u32 $0x21, v0;
	v2 =	vld.idx.msk [tilespmem:v6+s8+$0x0], $0xffff  }
0x5b: {  	v6 =	vor.u32 $0x2, v34;
	_ =	sdelay $0x2  }
0x5c: {  	[tilespmem:v1+s13+$0x0] =	vst.idx.msk $0xffff, v3  }
0x5d: {  	v1 =	vor.u32 $0x2, v9;
	v3 =	vld.idx.msk [tilespmem:v4+s8+$0x0], $0xffff;
	[tilespmem:v5+s13+$0x0] =	vst.idx.msk $0xffff, v2  }
0x5e: {  	v4 =	vor.u32 $0x2, v11;
	v5 =	vor.u32 $0x2, v0;
	v2 =	vld.idx.msk [tilespmem:v6+s8+$0x0], $0xffff  }
0x5f: {  	v6 =	vor.u32 $0x2, v44;
	_ =	sdelay $0x2  }
0x60: {  	[tilespmem:v1+s13+$0x0] =	vst.idx.msk $0xffff, v3  }
0x61: {  	v1 =	vor.u32 $0x22, v9;
	v3 =	vld.idx.msk [tilespmem:v4+s8+$0x0], $0xffff;
	[tilespmem:v5+s13+$0x0] =	vst.idx.msk $0xffff, v2  }
0x62: {  	v4 =	vor.u32 $0x3, v12;
	v5 =	vor.u32 $0x22, v0;
	v2 =	vld.idx.msk [tilespmem:v6+s8+$0x0], $0xffff  }
0x63: {  	v6 =	vor.u32 $0x3, v34;
	_ =	sdelay $0x2  }
0x64: {  	[tilespmem:v1+s13+$0x0] =	vst.idx.msk $0xffff, v3  }
0x65: {  	v1 =	vor.u32 $0x3, v9;
	v3 =	vld.idx.msk [tilespmem:v4+s8+$0x0], $0xffff;
	[tilespmem:v5+s13+$0x0] =	vst.idx.msk $0xffff, v2  }
0x66: {  	v4 =	vor.u32 $0x3, v11;
	v5 =	vor.u32 $0x3, v0;
	v2 =	vld.idx.msk [tilespmem:v6+s8+$0x0], $0xffff  }
0x67: {  	v6 =	vor.u32 $0x3, v44;
	_ =	sdelay $0x2  }
0x68: {  	[tilespmem:v1+s13+$0x0] =	vst.idx.msk $0xffff, v3  }
0x69: {  	v1 =	vor.u32 $0x23, v9;
	v3 =	vld.idx.msk [tilespmem:v4+s8+$0x0], $0xffff;
	[tilespmem:v5+s13+$0x0] =	vst.idx.msk $0xffff, v2  }
0x6a: {  	v4 =	vor.u32 $0x4, v12;
	v5 =	vor.u32 $0x23, v0;
	v2 =	vld.idx.msk [tilespmem:v6+s8+$0x0], $0xffff  }
0x6b: {  	v6 =	vor.u32 $0x4, v34;
	_ =	sdelay $0x2  }
0x6c: {  	[tilespmem:v1+s13+$0x0] =	vst.idx.msk $0xffff, v3  }
0x6d: {  	v1 =	vor.u32 $0x4, v9;
	v3 =	vld.idx.msk [tilespmem:v4+s8+$0x0], $0xffff;
	[tilespmem:v5+s13+$0x0] =	vst.idx.msk $0xffff, v2  }
0x6e: {  	v4 =	vor.u32 $0x4, v11;
	v5 =	vor.u32 $0x4, v0;
	v2 =	vld.idx.msk [tilespmem:v6+s8+$0x0], $0xffff  }
0x6f: {  	v6 =	vor.u32 $0x4, v44;
	_ =	sdelay $0x2  }
0x70: {  	[tilespmem:v1+s13+$0x0] =	vst.idx.msk $0xffff, v3  }
0x71: {  	v1 =	vor.u32 $0x24, v9;
	v3 =	vld.idx.msk [tilespmem:v4+s8+$0x0], $0xffff;
	[tilespmem:v5+s13+$0x0] =	vst.idx.msk $0xffff, v2  }
0x72: {  	v4 =	vor.u32 $0x5, v12;
	v5 =	vor.u32 $0x24, v0;
	v2 =	vld.idx.msk [tilespmem:v6+s8+$0x0], $0xffff  }
0x73: {  	v6 =	vor.u32 $0x5, v34;
	_ =	sdelay $0x2  }
0x74: {  	[tilespmem:v1+s13+$0x0] =	vst.idx.msk $0xffff, v3  }
0x75: {  	v1 =	vor.u32 $0x5, v9;
	v3 =	vld.idx.msk [tilespmem:v4+s8+$0x0], $0xffff;
	[tilespmem:v5+s13+$0x0] =	vst.idx.msk $0xffff, v2  }
0x76: {  	v4 =	vor.u32 $0x5, v11;
	v5 =	vor.u32 $0x5, v0;
	v2 =	vld.idx.msk [tilespmem:v6+s8+$0x0], $0xffff  }
0x77: {  	v6 =	vor.u32 $0x5, v44;
	_ =	sdelay $0x2  }
0x78: {  	[tilespmem:v1+s13+$0x0] =	vst.idx.msk $0xffff, v3  }
0x79: {  	v1 =	vor.u32 $0x25, v9;
	v3 =	vld.idx.msk [tilespmem:v4+s8+$0x0], $0xffff;
	[tilespmem:v5+s13+$0x0] =	vst.idx.msk $0xffff, v2  }
0x7a: {  	v4 =	vor.u32 $0x6, v12;
	v5 =	vor.u32 $0x25, v0;
	v2 =	vld.idx.msk [tilespmem:v6+s8+$0x0], $0xffff  }
0x7b: {  	v6 =	vor.u32 $0x6, v34;
	_ =	sdelay $0x2  }
0x7c: {  	[tilespmem:v1+s13+$0x0] =	vst.idx.msk $0xffff, v3  }
0x7d: {  	v1 =	vor.u32 $0x6, v9;
	v3 =	vld.idx.msk [tilespmem:v4+s8+$0x0], $0xffff;
	[tilespmem:v5+s13+$0x0] =	vst.idx.msk $0xffff, v2  }
0x7e: {  	v4 =	vor.u32 $0x6, v11;
	v5 =	vor.u32 $0x6, v0;
	v2 =	vld.idx.msk [tilespmem:v6+s8+$0x0], $0xffff  }
0x7f: {  	v6 =	vor.u32 $0x6, v44;
	_ =	sdelay $0x2  }
0x80: {  	[tilespmem:v1+s13+$0x0] =	vst.idx.msk $0xffff, v3  }
0x81: {  	v1 =	vor.u32 $0x26, v9;
	v3 =	vld.idx.msk [tilespmem:v4+s8+$0x0], $0xffff;
	[tilespmem:v5+s13+$0x0] =	vst.idx.msk $0xffff, v2  }
0x82: {  	v4 =	vor.u32 $0x7, v12;
	v5 =	vor.u32 $0x26, v0;
	v2 =	vld.idx.msk [tilespmem:v6+s8+$0x0], $0xffff  }
0x83: {  	v6 =	vor.u32 $0x7, v34;
	_ =	sdelay $0x2  }
0x84: {  	[tilespmem:v1+s13+$0x0] =	vst.idx.msk $0xffff, v3  }
0x85: {  	v1 =	vor.u32 $0x7, v9;
	v3 =	vld.idx.msk [tilespmem:v4+s8+$0x0], $0xffff;
	[tilespmem:v5+s13+$0x0] =	vst.idx.msk $0xffff, v2  }
0x86: {  	v4 =	vor.u32 $0x7, v11;
	v5 =	vor.u32 $0x7, v0;
	v2 =	vld.idx.msk [tilespmem:v6+s8+$0x0], $0xffff  }
0x87: {  	v6 =	vor.u32 $0x7, v44;
	_ =	sdelay $0x2  }
0x88: {  	[tilespmem:v1+s13+$0x0] =	vst.idx.msk $0xffff, v3  }
0x89: {  	v1 =	vor.u32 $0x27, v9;
	v3 =	vld.idx.msk [tilespmem:v4+s8+$0x0], $0xffff;
	[tilespmem:v5+s13+$0x0] =	vst.idx.msk $0xffff, v2  }
0x8a: {  	v4 =	vor.u32 $0x8, v12;
	v5 =	vor.u32 $0x27, v0;
	v2 =	vld.idx.msk [tilespmem:v6+s8+$0x0], $0xffff;
	_ =	sdelay $0x1  }
0x8b: {  	v6 =	vor.u32 $0x8, v34;
	_ =	sdelay $0x1  }
0x8c: {  	s25 =	simm.s32 $0x30;
	[tilespmem:v1+s13+$0x0] =	vst.idx.msk $0xffff, v3  }
0x8d: {  	v1 =	vor.u32 $0x8, v9;
	v3 =	vld.idx.msk [tilespmem:v4+s8+$0x0], $0xffff;
	[tilespmem:v5+s13+$0x0] =	vst.idx.msk $0xffff, v2;
	v2 =	vor.u32 s25, v45  }
0x8e: {  	v4 =	vor.u32 $0x8, v11  }
0x8f: {  	v5 =	vld.idx.msk [tilespmem:v6+s8+$0x0], $0xffff;
	v6 =	vor.u32 $0x8, v0  }
0x90: {  	s26 =	simm.s32 $0x20;
	v10 =	vor.u32 $0x8, v44  }
0x91: {  	v14 =	vor.u32 s26, v45  }
0x92: {  	[tilespmem:v1+s13+$0x0] =	vst.idx.msk $0xffff, v3;
	v13 =	vld.idx.msk [tilespmem:v2+s11+$0x0], $0xffff  }
0x93: {  	v1 =	vor.u32 $0x28, v9;
	v3 =	vld.idx.msk [tilespmem:v4+s8+$0x0], $0xffff  }
0x94: {  	v4 =	vor.u32 $0x9, v12;
	[tilespmem:v6+s13+$0x0] =	vst.idx.msk $0xffff, v5  }
0x95: {  	v6 =	vor.u32 $0x28, v0;
	v5 =	vld.idx.msk [tilespmem:v10+s8+$0x0], $0xffff  }
0x96: {  	v16 =	vor.u32 $0x9, v34;
	v10 =	vld.idx.msk [tilespmem:v14+s11+$0x0], $0xffff;
	_ =	sdelay $0x1  }
0x97: {  	v15 =	vshll.u32 v13, $0x7;
	v13 =	vld.idx.msk [tilespmem:v2+s12+$0x0], $0xffff;
	[tilespmem:v1+s13+$0x0] =	vst.idx.msk $0xffff, v3  }
0x98: {  	v1 =	vor.u32 $0x9, v9;
	v4 =	vld.idx.msk [tilespmem:v4+s8+$0x0], $0xffff  }
0x99: {  	v17 =	vor.u32 $0x9, v11;
	[tilespmem:v6+s13+$0x0] =	vst.idx.msk $0xffff, v5  }
0x9a: {  	v49 =	vshll.u32 v10, $0x7;
	v6 =	vor.u32 $0x9, v0;
	v5 =	vld.idx.msk [tilespmem:v16+s8+$0x0], $0xffff  }
0x9b: {  	v18 =	vor.u32 $0x9, v44;
	v16 =	vld.idx.msk [tilespmem:v14+s12+$0x0], $0xffff  }
0x9c: {  	v10 =	vshll.u32 v2, $0x7;
	v2 =	vld.idx.msk [tilespmem:v15+s8+$0x0], $0xffff  }
0x9d: {  	v13 =	vshll.u32 v13, $0x7;
	[tilespmem:v1+s13+$0x0] =	vst.idx.msk $0xffff, v4  }
0x9e: {  	v4 =	vor.u32 $0x29, v9;
	v17 =	vld.idx.msk [tilespmem:v17+s8+$0x0], $0xffff  }
0x9f: {  	v19 =	vor.u32 $0xA, v12;
	v20 =	vld.idx.msk [tilespmem:v49+s8+$0x0], $0xffff;
	v1 =	vshll.u32 v14, $0x7;
	[tilespmem:v6+s13+$0x0] =	vst.idx.msk $0xffff, v5  }
0xa0: {  	v40 =	vshll.u32 v16, $0x7;
	v6 =	vor.u32 $0x29, v0;
	v5 =	vld.idx.msk [tilespmem:v18+s8+$0x0], $0xffff  }
0xa1: {  	[tilespmem:v10+s13+$0x0] =	vst.idx.msk $0xffff, v2;
	v2 =	vor.u32 $0xA, v34  }
0xa2: {  	v14 =	vor.u32 $0x20, v10;
	v16 =	vld.idx.msk [tilespmem:v13+s8+$0x0], $0xffff  }
0xa3: {  	[tilespmem:v4+s13+$0x0] =	vst.idx.msk $0xffff, v17;
	v17 =	vor.u32 $0x1, v15  }
0xa4: {  	[tilespmem:v1+s13+$0x0] =	vst.idx.msk $0xffff, v20;
	v4 =	vor.u32 $0xA, v9;
	v18 =	vld.idx.msk [tilespmem:v19+s8+$0x0], $0xffff  }
0xa5: {  	v20 =	vld.idx.msk [tilespmem:v40+s8+$0x0], $0xffff;
	v19 =	vor.u32 $0xA, v11;
	[tilespmem:v6+s13+$0x0] =	vst.idx.msk $0xffff, v5;
	v5 =	vor.u32 $0x20, v1  }
0xa6: {  	v21 =	vor.u32 $0xA, v0;
	v6 =	vor.u32 $0x1, v49;
	v2 =	vld.idx.msk [tilespmem:v2+s8+$0x0], $0xffff  }
0xa7: {  	[tilespmem:v14+s13+$0x0] =	vst.idx.msk $0xffff, v16;
	v14 =	vor.u32 $0xA, v44  }
0xa8: {  	v16 =	vor.u32 $0x1, v10;
	v17 =	vld.idx.msk [tilespmem:v17+s8+$0x0], $0xffff  }
0xa9: {  	[tilespmem:v4+s13+$0x0] =	vst.idx.msk $0xffff, v18;
	v18 =	vor.u32 $0x1, v13  }
0xaa: {  	v4 =	vor.u32 $0x2A, v9;
	[tilespmem:v5+s13+$0x0] =	vst.idx.msk $0xffff, v20;
	v19 =	vld.idx.msk [tilespmem:v19+s8+$0x0], $0xffff  }
0xab: {  	v22 =	vor.u32 $0xB, v12;
	v5 =	vld.idx.msk [tilespmem:v6+s8+$0x0], $0xffff;
	[tilespmem:v21+s13+$0x0] =	vst.idx.msk $0xffff, v2;
	v2 =	vor.u32 $0x1, v1  }
0xac: {  	v20 =	vor.u32 $0x2A, v0;
	v6 =	vld.idx.msk [tilespmem:v14+s8+$0x0], $0xffff;
	v14 =	vor.u32 $0x1, v40  }
0xad: {  	[tilespmem:v16+s13+$0x0] =	vst.idx.msk $0xffff, v17;
	v16 =	vor.u32 $0xB, v34  }
0xae: {  	v17 =	vor.u32 $0x21, v10;
	v18 =	vld.idx.msk [tilespmem:v18+s8+$0x0], $0xffff  }
0xaf: {  	[tilespmem:v4+s13+$0x0] =	vst.idx.msk $0xffff, v19;
	v19 =	vor.u32 $0x2, v15  }
0xb0: {  	v4 =	vor.u32 $0xB, v9;
	[tilespmem:v2+s13+$0x0] =	vst.idx.msk $0xffff, v5;
	v21 =	vld.idx.msk [tilespmem:v22+s8+$0x0], $0xffff  }
0xb1: {  	v5 =	vor.u32 $0x21, v1;
	v22 =	vor.u32 $0xB, v11;
	v2 =	vld.idx.msk [tilespmem:v14+s8+$0x0], $0xffff;
	[tilespmem:v20+s13+$0x0] =	vst.idx.msk $0xffff, v6  }
0xb2: {  	v14 =	vor.u32 $0x2, v49;
	v6 =	vld.idx.msk [tilespmem:v16+s8+$0x0], $0xffff;
	v16 =	vor.u32 $0xB, v0  }
0xb3: {  	[tilespmem:v17+s13+$0x0] =	vst.idx.msk $0xffff, v18;
	v17 =	vor.u32 $0xB, v44  }
0xb4: {  	v18 =	vor.u32 $0x2, v10;
	v19 =	vld.idx.msk [tilespmem:v19+s8+$0x0], $0xffff  }
0xb5: {  	v20 =	vor.u32 $0x2, v13;
	[tilespmem:v4+s13+$0x0] =	vst.idx.msk $0xffff, v21  }
0xb6: {  	v4 =	vor.u32 $0x2B, v9;
	[tilespmem:v5+s13+$0x0] =	vst.idx.msk $0xffff, v2;
	v21 =	vld.idx.msk [tilespmem:v22+s8+$0x0], $0xffff  }
0xb7: {  	v5 =	vor.u32 $0x2, v1;
	v22 =	vor.u32 $0xC, v12;
	v2 =	vld.idx.msk [tilespmem:v14+s8+$0x0], $0xffff;
	[tilespmem:v16+s13+$0x0] =	vst.idx.msk $0xffff, v6  }
0xb8: {  	v14 =	vor.u32 $0x2, v40;
	v16 =	vor.u32 $0x2B, v0;
	v6 =	vld.idx.msk [tilespmem:v17+s8+$0x0], $0xffff  }
0xb9: {  	v17 =	vor.u32 $0xC, v34;
	[tilespmem:v18+s13+$0x0] =	vst.idx.msk $0xffff, v19  }
0xba: {  	v18 =	vor.u32 $0x22, v10;
	v19 =	vld.idx.msk [tilespmem:v20+s8+$0x0], $0xffff  }
0xbb: {  	v20 =	vor.u32 $0x3, v15;
	[tilespmem:v4+s13+$0x0] =	vst.idx.msk $0xffff, v21  }
0xbc: {  	v4 =	vor.u32 $0xC, v9;
	[tilespmem:v5+s13+$0x0] =	vst.idx.msk $0xffff, v2;
	v21 =	vld.idx.msk [tilespmem:v22+s8+$0x0], $0xffff  }
0xbd: {  	v5 =	vor.u32 $0x22, v1;
	v22 =	vor.u32 $0xC, v11;
	v2 =	vld.idx.msk [tilespmem:v14+s8+$0x0], $0xffff;
	[tilespmem:v16+s13+$0x0] =	vst.idx.msk $0xffff, v6  }
0xbe: {  	v14 =	vor.u32 $0x3, v49;
	v16 =	vor.u32 $0xC, v0;
	v6 =	vld.idx.msk [tilespmem:v17+s8+$0x0], $0xffff  }
0xbf: {  	v17 =	vor.u32 $0xC, v44;
	[tilespmem:v18+s13+$0x0] =	vst.idx.msk $0xffff, v19  }
0xc0: {  	v18 =	vor.u32 $0x3, v10;
	v19 =	vld.idx.msk [tilespmem:v20+s8+$0x0], $0xffff  }
0xc1: {  	v20 =	vor.u32 $0x3, v13;
	[tilespmem:v4+s13+$0x0] =	vst.idx.msk $0xffff, v21  }
0xc2: {  	v4 =	vor.u32 $0x2C, v9;
	[tilespmem:v5+s13+$0x0] =	vst.idx.msk $0xffff, v2;
	v21 =	vld.idx.msk [tilespmem:v22+s8+$0x0], $0xffff  }
0xc3: {  	v5 =	vor.u32 $0x3, v1;
	v22 =	vor.u32 $0xD, v12;
	v2 =	vld.idx.msk [tilespmem:v14+s8+$0x0], $0xffff;
	[tilespmem:v16+s13+$0x0] =	vst.idx.msk $0xffff, v6  }
0xc4: {  	v14 =	vor.u32 $0x3, v40;
	v16 =	vor.u32 $0x2C, v0;
	v6 =	vld.idx.msk [tilespmem:v17+s8+$0x0], $0xffff  }
0xc5: {  	v17 =	vor.u32 $0xD, v34;
	[tilespmem:v18+s13+$0x0] =	vst.idx.msk $0xffff, v19  }
0xc6: {  	v18 =	vor.u32 $0x23, v10;
	v19 =	vld.idx.msk [tilespmem:v20+s8+$0x0], $0xffff  }
0xc7: {  	v20 =	vor.u32 $0x4, v15;
	[tilespmem:v4+s13+$0x0] =	vst.idx.msk $0xffff, v21  }
0xc8: {  	v4 =	vor.u32 $0xD, v9;
	[tilespmem:v5+s13+$0x0] =	vst.idx.msk $0xffff, v2;
	v21 =	vld.idx.msk [tilespmem:v22+s8+$0x0], $0xffff  }
0xc9: {  	v5 =	vor.u32 $0x23, v1;
	v22 =	vor.u32 $0xD, v11;
	v2 =	vld.idx.msk [tilespmem:v14+s8+$0x0], $0xffff;
	[tilespmem:v16+s13+$0x0] =	vst.idx.msk $0xffff, v6  }
0xca: {  	v14 =	vor.u32 $0x4, v49;
	v16 =	vor.u32 $0xD, v0;
	v6 =	vld.idx.msk [tilespmem:v17+s8+$0x0], $0xffff  }
0xcb: {  	v17 =	vor.u32 $0xD, v44;
	[tilespmem:v18+s13+$0x0] =	vst.idx.msk $0xffff, v19  }
0xcc: {  	v18 =	vor.u32 $0x4, v10;
	v19 =	vld.idx.msk [tilespmem:v20+s8+$0x0], $0xffff  }
0xcd: {  	v20 =	vor.u32 $0x4, v13;
	[tilespmem:v4+s13+$0x0] =	vst.idx.msk $0xffff, v21  }
0xce: {  	v4 =	vor.u32 $0x2D, v9;
	[tilespmem:v5+s13+$0x0] =	vst.idx.msk $0xffff, v2;
	v21 =	vld.idx.msk [tilespmem:v22+s8+$0x0], $0xffff  }
0xcf: {  	v5 =	vor.u32 $0x4, v1;
	v22 =	vor.u32 $0xE, v12;
	v2 =	vld.idx.msk [tilespmem:v14+s8+$0x0], $0xffff;
	[tilespmem:v16+s13+$0x0] =	vst.idx.msk $0xffff, v6  }
0xd0: {  	v14 =	vor.u32 $0x4, v40;
	v16 =	vor.u32 $0x2D, v0;
	v6 =	vld.idx.msk [tilespmem:v17+s8+$0x0], $0xffff  }
0xd1: {  	v17 =	vor.u32 $0xE, v34;
	[tilespmem:v18+s13+$0x0] =	vst.idx.msk $0xffff, v19  }
0xd2: {  	v18 =	vor.u32 $0x24, v10;
	v19 =	vld.idx.msk [tilespmem:v20+s8+$0x0], $0xffff  }
0xd3: {  	v20 =	vor.u32 $0x5, v15;
	[tilespmem:v4+s13+$0x0] =	vst.idx.msk $0xffff, v21  }
0xd4: {  	v4 =	vor.u32 $0xE, v9;
	[tilespmem:v5+s13+$0x0] =	vst.idx.msk $0xffff, v2;
	v21 =	vld.idx.msk [tilespmem:v22+s8+$0x0], $0xffff  }
0xd5: {  	v5 =	vor.u32 $0x24, v1;
	v22 =	vor.u32 $0xE, v11;
	v2 =	vld.idx.msk [tilespmem:v14+s8+$0x0], $0xffff;
	[tilespmem:v16+s13+$0x0] =	vst.idx.msk $0xffff, v6  }
0xd6: {  	v14 =	vor.u32 $0x5, v49;
	v16 =	vor.u32 $0xE, v0;
	v6 =	vld.idx.msk [tilespmem:v17+s8+$0x0], $0xffff  }
0xd7: {  	v17 =	vor.u32 $0xE, v44;
	[tilespmem:v18+s13+$0x0] =	vst.idx.msk $0xffff, v19  }
0xd8: {  	v18 =	vor.u32 $0x5, v10;
	v19 =	vld.idx.msk [tilespmem:v20+s8+$0x0], $0xffff  }
0xd9: {  	v20 =	vor.u32 $0x5, v13;
	[tilespmem:v4+s13+$0x0] =	vst.idx.msk $0xffff, v21  }
0xda: {  	v4 =	vor.u32 $0x2E, v9;
	[tilespmem:v5+s13+$0x0] =	vst.idx.msk $0xffff, v2;
	v21 =	vld.idx.msk [tilespmem:v22+s8+$0x0], $0xffff  }
0xdb: {  	v5 =	vor.u32 $0x5, v1;
	v22 =	vor.u32 $0xF, v12;
	v2 =	vld.idx.msk [tilespmem:v14+s8+$0x0], $0xffff;
	[tilespmem:v16+s13+$0x0] =	vst.idx.msk $0xffff, v6  }
0xdc: {  	v14 =	vor.u32 $0x5, v40;
	v16 =	vor.u32 $0x2E, v0;
	v6 =	vld.idx.msk [tilespmem:v17+s8+$0x0], $0xffff  }
0xdd: {  	v17 =	vor.u32 $0xF, v34;
	[tilespmem:v18+s13+$0x0] =	vst.idx.msk $0xffff, v19  }
0xde: {  	v18 =	vor.u32 $0x25, v10;
	v19 =	vld.idx.msk [tilespmem:v20+s8+$0x0], $0xffff  }
0xdf: {  	v20 =	vor.u32 $0x6, v15;
	[tilespmem:v4+s13+$0x0] =	vst.idx.msk $0xffff, v21  }
0xe0: {  	v4 =	vor.u32 $0xF, v9;
	[tilespmem:v5+s13+$0x0] =	vst.idx.msk $0xffff, v2;
	v21 =	vld.idx.msk [tilespmem:v22+s8+$0x0], $0xffff  }
0xe1: {  	v5 =	vor.u32 $0x25, v1;
	v22 =	vor.u32 $0xF, v11;
	v2 =	vld.idx.msk [tilespmem:v14+s8+$0x0], $0xffff;
	[tilespmem:v16+s13+$0x0] =	vst.idx.msk $0xffff, v6  }
0xe2: {  	v14 =	vor.u32 $0x6, v49;
	v16 =	vor.u32 $0xF, v0;
	v6 =	vld.idx.msk [tilespmem:v17+s8+$0x0], $0xffff  }
0xe3: {  	v17 =	vor.u32 $0xF, v44;
	[tilespmem:v18+s13+$0x0] =	vst.idx.msk $0xffff, v19  }
0xe4: {  	v18 =	vor.u32 $0x6, v10;
	v19 =	vld.idx.msk [tilespmem:v20+s8+$0x0], $0xffff  }
0xe5: {  	v20 =	vor.u32 $0x6, v13;
	[tilespmem:v4+s13+$0x0] =	vst.idx.msk $0xffff, v21  }
0xe6: {  	v4 =	vor.u32 $0x2F, v9;
	[tilespmem:v5+s13+$0x0] =	vst.idx.msk $0xffff, v2;
	v21 =	vld.idx.msk [tilespmem:v22+s8+$0x0], $0xffff  }
0xe7: {  	v5 =	vor.u32 $0x6, v1;
	v2 =	vld.idx.msk [tilespmem:v14+s8+$0x0], $0xffff;
	[tilespmem:v16+s13+$0x0] =	vst.idx.msk $0xffff, v6  }
0xe8: {  	v14 =	vor.u32 $0x6, v40;
	v16 =	vor.u32 $0x2F, v0;
	v6 =	vld.idx.msk [tilespmem:v17+s8+$0x0], $0xffff  }
0xe9: {  	v17 =	vor.u32 $0x10, v34;
	[tilespmem:v18+s13+$0x0] =	vst.idx.msk $0xffff, v19  }
0xea: {  	v18 =	vor.u32 $0x26, v10;
	v19 =	vld.idx.msk [tilespmem:v20+s8+$0x0], $0xffff  }
0xeb: {  	[tilespmem:v4+s13+$0x0] =	vst.idx.msk $0xffff, v21;
	v4 =	vor.u32 $0x7, v15  }
0xec: {  	[tilespmem:v5+s13+$0x0] =	vst.idx.msk $0xffff, v2  }
0xed: {  	v5 =	vor.u32 $0x26, v1;
	v2 =	vld.idx.msk [tilespmem:v14+s8+$0x0], $0xffff;
	[tilespmem:v16+s13+$0x0] =	vst.idx.msk $0xffff, v6  }
0xee: {  	v14 =	vor.u32 $0x7, v49;
	v16 =	vor.u32 $0x10, v0;
	v6 =	vld.idx.msk [tilespmem:v17+s8+$0x0], $0xffff  }
0xef: {  	v17 =	vor.u32 $0x10, v44;
	[tilespmem:v18+s13+$0x0] =	vst.idx.msk $0xffff, v19  }
0xf0: {  	v22 =	vor.u32 $0x10, v12;
	v18 =	vor.u32 $0x7, v10;
	v4 =	vld.idx.msk [tilespmem:v4+s8+$0x0], $0xffff  }
0xf1: {  	v19 =	vor.u32 $0x7, v13  }
0xf2: {  	[tilespmem:v5+s13+$0x0] =	vst.idx.msk $0xffff, v2  }
0xf3: {  	v5 =	vor.u32 $0x7, v1;
	v2 =	vld.idx.msk [tilespmem:v14+s8+$0x0], $0xffff;
	[tilespmem:v16+s13+$0x0] =	vst.idx.msk $0xffff, v6  }
0xf4: {  	v14 =	vor.u32 $0x7, v40;
	v16 =	vor.u32 $0x30, v0;
	v6 =	vld.idx.msk [tilespmem:v17+s8+$0x0], $0xffff  }
0xf5: {  	v20 =	vld.idx.msk [tilespmem:v22+s8+$0x0], $0xffff;
	v17 =	vor.u32 $0x10, v9;
	[tilespmem:v18+s13+$0x0] =	vst.idx.msk $0xffff, v4;
	v4 =	vor.u32 $0x11, v34  }
0xf6: {  	v21 =	vor.u32 $0x27, v10;
	v18 =	vor.u32 $0x10, v11;
	v19 =	vld.idx.msk [tilespmem:v19+s8+$0x0], $0xffff  }
0xf7: {  	v22 =	vor.u32 $0x8, v15  }
0xf8: {  	[tilespmem:v5+s13+$0x0] =	vst.idx.msk $0xffff, v2  }
0xf9: {  	v5 =	vor.u32 $0x27, v1;
	v2 =	vld.idx.msk [tilespmem:v14+s8+$0x0], $0xffff;
	[tilespmem:v16+s13+$0x0] =	vst.idx.msk $0xffff, v6  }
0xfa: {  	v14 =	vor.u32 $0x11, v0;
	[tilespmem:v17+s13+$0x0] =	vst.idx.msk $0xffff, v20;
	v6 =	vor.u32 $0x8, v49;
	v4 =	vld.idx.msk [tilespmem:v4+s8+$0x0], $0xffff  }
0xfb: {  	v16 =	vor.u32 $0x30, v9;
	v17 =	vld.idx.msk [tilespmem:v18+s8+$0x0], $0xffff;
	v18 =	vor.u32 $0x11, v44;
	[tilespmem:v21+s13+$0x0] =	vst.idx.msk $0xffff, v19  }
0xfc: {  	v20 =	vor.u32 $0x8, v10;
	v19 =	vor.u32 $0x11, v12;
	v21 =	vld.idx.msk [tilespmem:v22+s8+$0x0], $0xffff  }
0xfd: {  	s28 =	simm.s32 $0x50;
	v22 =	vor.u32 $0x8, v13  }
0xfe: {  	s29 =	simm.s32 $0x40;
	[tilespmem:v5+s13+$0x0] =	vst.idx.msk $0xffff, v2;
	v2 =	vor.u32 s28, v45  }
0xff: {  	v5 =	vld.idx.msk [tilespmem:v6+s8+$0x0], $0xffff;
	v6 =	vor.u32 $0x8, v1;
	[tilespmem:v14+s13+$0x0] =	vst.idx.msk $0xffff, v4;
	v4 =	vor.u32 s29, v45  }
0x100: {  	[tilespmem:v16+s13+$0x0] =	vst.idx.msk $0xffff, v17;
	v16 =	vor.u32 $0x8, v40;
	v17 =	vor.u32 $0x31, v0;
	v14 =	vld.idx.msk [tilespmem:v18+s8+$0x0], $0xffff  }
0x101: {  	v18 =	vor.u32 $0x11, v9;
	v19 =	vld.idx.msk [tilespmem:v19+s8+$0x0], $0xffff;
	[tilespmem:v20+s13+$0x0] =	vst.idx.msk $0xffff, v21;
	v20 =	vor.u32 $0x12, v34  }
0x102: {  	v21 =	vor.u32 $0x11, v11;
	v22 =	vld.idx.msk [tilespmem:v22+s8+$0x0], $0xffff  }
0x103: {  	v23 =	vor.u32 $0x28, v10;
	v24 =	vld.idx.msk [tilespmem:v2+s11+$0x0], $0xffff  }
0x104: {  	v25 =	vor.u32 $0x9, v15;
	[tilespmem:v6+s13+$0x0] =	vst.idx.msk $0xffff, v5;
	v26 =	vld.idx.msk [tilespmem:v4+s11+$0x0], $0xffff  }
0x105: {  	v6 =	vld.idx.msk [tilespmem:v16+s8+$0x0], $0xffff;
	[tilespmem:v17+s13+$0x0] =	vst.idx.msk $0xffff, v14;
	v14 =	vor.u32 $0x28, v1  }
0x106: {  	[tilespmem:v18+s13+$0x0] =	vst.idx.msk $0xffff, v19;
	v18 =	vor.u32 $0x9, v49;
	v19 =	vor.u32 $0x12, v0;
	v16 =	vld.idx.msk [tilespmem:v20+s8+$0x0], $0xffff  }
0x107: {  	v20 =	vld.idx.msk [tilespmem:v21+s8+$0x0], $0xffff;
	v21 =	vor.u32 $0x12, v44  }
0x108: {  	v27 =	vld.idx.msk [tilespmem:v2+s12+$0x0], $0xffff;
	[tilespmem:v23+s13+$0x0] =	vst.idx.msk $0xffff, v22;
	v17 =	vshll.u32 v24, $0x7  }
0x109: {  	v22 =	vor.u32 $0x31, v9;
	v23 =	vld.idx.msk [tilespmem:v25+s8+$0x0], $0xffff;
	v56 =	vshll.u32 v26, $0x7  }
0x10a: {  	v24 =	vor.u32 $0x12, v12;
	v25 =	vor.u32 $0x9, v10;
	v26 =	vld.idx.msk [tilespmem:v4+s12+$0x0], $0xffff;
	[tilespmem:v14+s13+$0x0] =	vst.idx.msk $0xffff, v6  }
0x10b: {  	v28 =	vor.u32 $0x9, v13;
	v18 =	vld.idx.msk [tilespmem:v18+s8+$0x0], $0xffff;
	[tilespmem:v19+s13+$0x0] =	vst.idx.msk $0xffff, v16;
	v19 =	vor.u32 $0x9, v1  }
0x10c: {  	v30 =	vor.u32 $0x32, v0;
	v29 =	vor.u32 $0x9, v40;
	v21 =	vld.idx.msk [tilespmem:v21+s8+$0x0], $0xffff  }
0x10d: {  	v31 =	vor.u32 $0x13, v34;
	v14 =	vshll.u32 v2, $0x7;
	v2 =	vld.idx.msk [tilespmem:v17+s8+$0x0], $0xffff  }
0x10e: {  	v4 =	vshll.u32 v4, $0x7;
	v16 =	vshll.u32 v27, $0x7;
	[tilespmem:v22+s13+$0x0] =	vst.idx.msk $0xffff, v20;
	v20 =	vld.idx.msk [tilespmem:v56+s8+$0x0], $0xffff  }
0x10f: {  	v22 =	vor.u32 $0x12, v9;
	v24 =	vld.idx.msk [tilespmem:v24+s8+$0x0], $0xffff;
	[tilespmem:v25+s13+$0x0] =	vst.idx.msk $0xffff, v23;
	v60 =	vshll.u32 v26, $0x7  }
0x110: {  	v23 =	vor.u32 $0x12, v11;
	v25 =	vor.u32 $0x29, v10;
	v26 =	vld.idx.msk [tilespmem:v28+s8+$0x0], $0xffff;
	[tilespmem:v19+s13+$0x0] =	vst.idx.msk $0xffff, v18  }
0x111: {  	v18 =	vor.u32 $0xA, v15;
	v19 =	vld.idx.msk [tilespmem:v29+s8+$0x0], $0xffff;
	[tilespmem:v30+s13+$0x0] =	vst.idx.msk $0xffff, v21;
	v21 =	vor.u32 $0x29, v1  }
0x112: {  	v28 =	vor.u32 $0x13, v0;
	[tilespmem:v14+s13+$0x0] =	vst.idx.msk $0xffff, v2;
	v2 =	vor.u32 $0xA, v49;
	v27 =	vld.idx.msk [tilespmem:v31+s8+$0x0], $0xffff  }
0x113: {  	v29 =	vor.u32 $0x20, v14;
	v30 =	vld.idx.msk [tilespmem:v16+s8+$0x0], $0xffff;
	v31 =	vor.u32 $0x13, v44;
	[tilespmem:v4+s13+$0x0] =	vst.idx.msk $0xffff, v20  }
0x114: {  	[tilespmem:v22+s13+$0x0] =	vst.idx.msk $0xffff, v24;
	v24 =	vor.u32 $0x20, v4;
	v20 =	vor.u32 $0x1, v17;
	v22 =	vld.idx.msk [tilespmem:v60+s8+$0x0], $0xffff  }
0x115: {  	v32 =	vor.u32 $0x32, v9;
	v23 =	vld.idx.msk [tilespmem:v23+s8+$0x0], $0xffff;
	[tilespmem:v25+s13+$0x0] =	vst.idx.msk $0xffff, v26;
	v25 =	vor.u32 $0x1, v56  }
0x116: {  	v33 =	vor.u32 $0xA, v10;
	v26 =	vor.u32 $0x13, v12;
	v18 =	vld.idx.msk [tilespmem:v18+s8+$0x0], $0xffff;
	[tilespmem:v21+s13+$0x0] =	vst.idx.msk $0xffff, v19  }
0x117: {  	v19 =	vor.u32 $0xA, v13;
	v21 =	vor.u32 $0xA, v1;
	v2 =	vld.idx.msk [tilespmem:v2+s8+$0x0], $0xffff;
	[tilespmem:v28+s13+$0x0] =	vst.idx.msk $0xffff, v27  }
0x118: {  	[tilespmem:v29+s13+$0x0] =	vst.idx.msk $0xffff, v30;
	v28 =	vor.u32 $0xA, v40;
	v29 =	vor.u32 $0x33, v0;
	v27 =	vld.idx.msk [tilespmem:v31+s8+$0x0], $0xffff  }
0x119: {  	v30 =	vor.u32 $0x1, v14;
	v20 =	vld.idx.msk [tilespmem:v20+s8+$0x0], $0xffff;
	v31 =	vor.u32 $0x14, v34;
	[tilespmem:v24+s13+$0x0] =	vst.idx.msk $0xffff, v22  }
0x11a: {  	[tilespmem:v32+s13+$0x0] =	vst.idx.msk $0xffff, v23;
	v22 =	vor.u32 $0x1, v16;
	v24 =	vor.u32 $0x1, v4;
	v23 =	vld.idx.msk [tilespmem:v25+s8+$0x0], $0xffff  }
0x11b: {  	v26 =	vld.idx.msk [tilespmem:v26+s8+$0x0], $0xffff;
	v25 =	vor.u32 $0x13, v9;
	[tilespmem:v33+s13+$0x0] =	vst.idx.msk $0xffff, v18;
	v18 =	vor.u32 $0x1, v60  }
0x11c: {  	v59 =	vor.u32 $0x13, v11;
	v61 =	vor.u32 $0x2A, v10;
	v19 =	vld.idx.msk [tilespmem:v19+s8+$0x0], $0xffff;
	[tilespmem:v21+s13+$0x0] =	vst.idx.msk $0xffff, v2  }
0x11d: {  	v2 =	vor.u32 $0xB, v15;
	v21 =	vld.idx.msk [tilespmem:v28+s8+$0x0], $0xffff;
	[tilespmem:v29+s13+$0x0] =	vst.idx.msk $0xffff, v27;
	v27 =	vor.u32 $0x2A, v1  }
0x11e: {  	[tilespmem:v30+s13+$0x0] =	vst.idx.msk $0xffff, v20;
	v20 =	vor.u32 $0xB, v49;
	v29 =	vor.u32 $0x14, v0;
	v28 =	vld.idx.msk [tilespmem:v31+s8+$0x0], $0xffff  }
0x11f: {  	v30 =	vor.u32 $0x21, v14;
	v22 =	vld.idx.msk [tilespmem:v22+s8+$0x0], $0xffff;
	v31 =	vor.u32 $0x14, v44;
	[tilespmem:v24+s13+$0x0] =	vst.idx.msk $0xffff, v23  }
0x120: {  	v23 =	vor.u32 $0x2, v17;
	[tilespmem:v25+s13+$0x0] =	vst.idx.msk $0xffff, v26;
	v24 =	vor.u32 $0x21, v4;
	v18 =	vld.idx.msk [tilespmem:v18+s8+$0x0], $0xffff  }
0x121: {  	v25 =	vor.u32 $0x33, v9;
	v26 =	vld.idx.msk [tilespmem:v59+s8+$0x0], $0xffff;
	[tilespmem:v61+s13+$0x0] =	vst.idx.msk $0xffff, v19;
	v19 =	vor.u32 $0x2, v56  }
0x122: {  	v62 =	vor.u32 $0x14, v12;
	v63 =	vor.u32 $0xB, v10;
	v2 =	vld.idx.msk [tilespmem:v2+s8+$0x0], $0xffff;
	[tilespmem:v27+s13+$0x0] =	vst.idx.msk $0xffff, v21  }
0x123: {  	v21 =	vor.u32 $0xB, v13;
	v27 =	vor.u32 $0xB, v1;
	v20 =	vld.idx.msk [tilespmem:v20+s8+$0x0], $0xffff;
	[tilespmem:v29+s13+$0x0] =	vst.idx.msk $0xffff, v28  }
0x124: {  	[tilespmem:v30+s13+$0x0] =	vst.idx.msk $0xffff, v22;
	v22 =	vor.u32 $0xB, v40;
	v29 =	vor.u32 $0x34, v0;
	v28 =	vld.idx.msk [tilespmem:v31+s8+$0x0], $0xffff  }
0x125: {  	v30 =	vor.u32 $0x2, v14;
	v23 =	vld.idx.msk [tilespmem:v23+s8+$0x0], $0xffff;
	v31 =	vor.u32 $0x15, v34;
	[tilespmem:v24+s13+$0x0] =	vst.idx.msk $0xffff, v18  }
0x126: {  	v18 =	vor.u32 $0x2, v16;
	[tilespmem:v25+s13+$0x0] =	vst.idx.msk $0xffff, v26;
	v24 =	vor.u32 $0x2, v4;
	v19 =	vld.idx.msk [tilespmem:v19+s8+$0x0], $0xffff  }
0x127: {  	v25 =	vor.u32 $0x14, v9;
	v26 =	vld.idx.msk [tilespmem:v62+s8+$0x0], $0xffff;
	[tilespmem:v63+s13+$0x0] =	vst.idx.msk $0xffff, v2;
	v2 =	vor.u32 $0x2, v60  }
0x128: {  	v36 =	vor.u32 $0x14, v11;
	v37 =	vor.u32 $0x2B, v10;
	v21 =	vld.idx.msk [tilespmem:v21+s8+$0x0], $0xffff;
	[tilespmem:v27+s13+$0x0] =	vst.idx.msk $0xffff, v20  }
0x129: {  	v20 =	vor.u32 $0xC, v15;
	v27 =	vor.u32 $0x2B, v1;
	v22 =	vld.idx.msk [tilespmem:v22+s8+$0x0], $0xffff;
	[tilespmem:v29+s13+$0x0] =	vst.idx.msk $0xffff, v28  }
0x12a: {  	[tilespmem:v30+s13+$0x0] =	vst.idx.msk $0xffff, v23;
	v23 =	vor.u32 $0xC, v49;
	v29 =	vor.u32 $0x15, v0;
	v28 =	vld.idx.msk [tilespmem:v31+s8+$0x0], $0xffff  }
0x12b: {  	v30 =	vor.u32 $0x22, v14;
	v18 =	vld.idx.msk [tilespmem:v18+s8+$0x0], $0xffff;
	v31 =	vor.u32 $0x15, v44;
	[tilespmem:v24+s13+$0x0] =	vst.idx.msk $0xffff, v19  }
0x12c: {  	v19 =	vor.u32 $0x3, v17;
	[tilespmem:v25+s13+$0x0] =	vst.idx.msk $0xffff, v26;
	v24 =	vor.u32 $0x22, v4;
	v2 =	vld.idx.msk [tilespmem:v2+s8+$0x0], $0xffff  }
0x12d: {  	v25 =	vor.u32 $0x34, v9;
	v26 =	vld.idx.msk [tilespmem:v36+s8+$0x0], $0xffff;
	[tilespmem:v37+s13+$0x0] =	vst.idx.msk $0xffff, v21;
	v21 =	vor.u32 $0x3, v56  }
0x12e: {  	v38 =	vor.u32 $0x15, v12;
	v39 =	vor.u32 $0xC, v10;
	v20 =	vld.idx.msk [tilespmem:v20+s8+$0x0], $0xffff;
	[tilespmem:v27+s13+$0x0] =	vst.idx.msk $0xffff, v22  }
0x12f: {  	v22 =	vor.u32 $0xC, v13;
	v27 =	vor.u32 $0xC, v1;
	v23 =	vld.idx.msk [tilespmem:v23+s8+$0x0], $0xffff;
	[tilespmem:v29+s13+$0x0] =	vst.idx.msk $0xffff, v28  }
0x130: {  	[tilespmem:v30+s13+$0x0] =	vst.idx.msk $0xffff, v18;
	v18 =	vor.u32 $0xC, v40;
	v29 =	vor.u32 $0x35, v0;
	v28 =	vld.idx.msk [tilespmem:v31+s8+$0x0], $0xffff  }
0x131: {  	v30 =	vor.u32 $0x3, v14;
	v19 =	vld.idx.msk [tilespmem:v19+s8+$0x0], $0xffff;
	v31 =	vor.u32 $0x16, v34;
	[tilespmem:v24+s13+$0x0] =	vst.idx.msk $0xffff, v2  }
0x132: {  	v2 =	vor.u32 $0x3, v16;
	[tilespmem:v25+s13+$0x0] =	vst.idx.msk $0xffff, v26;
	v24 =	vor.u32 $0x3, v4;
	v21 =	vld.idx.msk [tilespmem:v21+s8+$0x0], $0xffff  }
0x133: {  	v25 =	vor.u32 $0x15, v9;
	v26 =	vld.idx.msk [tilespmem:v38+s8+$0x0], $0xffff;
	[tilespmem:v39+s13+$0x0] =	vst.idx.msk $0xffff, v20;
	v20 =	vor.u32 $0x3, v60  }
0x134: {  	v41 =	vor.u32 $0x15, v11;
	v42 =	vor.u32 $0x2C, v10;
	v22 =	vld.idx.msk [tilespmem:v22+s8+$0x0], $0xffff;
	[tilespmem:v27+s13+$0x0] =	vst.idx.msk $0xffff, v23  }
0x135: {  	v23 =	vor.u32 $0xD, v15;
	v27 =	vor.u32 $0x2C, v1;
	v18 =	vld.idx.msk [tilespmem:v18+s8+$0x0], $0xffff;
	[tilespmem:v29+s13+$0x0] =	vst.idx.msk $0xffff, v28  }
0x136: {  	[tilespmem:v30+s13+$0x0] =	vst.idx.msk $0xffff, v19;
	v19 =	vor.u32 $0xD, v49;
	v29 =	vor.u32 $0x16, v0;
	v28 =	vld.idx.msk [tilespmem:v31+s8+$0x0], $0xffff  }
0x137: {  	v30 =	vor.u32 $0x23, v14;
	v2 =	vld.idx.msk [tilespmem:v2+s8+$0x0], $0xffff;
	v31 =	vor.u32 $0x16, v44;
	[tilespmem:v24+s13+$0x0] =	vst.idx.msk $0xffff, v21  }
0x138: {  	v21 =	vor.u32 $0x4, v17;
	[tilespmem:v25+s13+$0x0] =	vst.idx.msk $0xffff, v26;
	v24 =	vor.u32 $0x23, v4;
	v20 =	vld.idx.msk [tilespmem:v20+s8+$0x0], $0xffff  }
0x139: {  	v25 =	vor.u32 $0x35, v9;
	v26 =	vld.idx.msk [tilespmem:v41+s8+$0x0], $0xffff;
	[tilespmem:v42+s13+$0x0] =	vst.idx.msk $0xffff, v22;
	v22 =	vor.u32 $0x4, v56  }
0x13a: {  	v43 =	vor.u32 $0x16, v12;
	v46 =	vor.u32 $0xD, v10;
	v23 =	vld.idx.msk [tilespmem:v23+s8+$0x0], $0xffff;
	[tilespmem:v27+s13+$0x0] =	vst.idx.msk $0xffff, v18  }
0x13b: {  	v18 =	vor.u32 $0xD, v13;
	v27 =	vor.u32 $0xD, v1;
	v19 =	vld.idx.msk [tilespmem:v19+s8+$0x0], $0xffff;
	[tilespmem:v29+s13+$0x0] =	vst.idx.msk $0xffff, v28  }
0x13c: {  	[tilespmem:v30+s13+$0x0] =	vst.idx.msk $0xffff, v2;
	v2 =	vor.u32 $0xD, v40;
	v29 =	vor.u32 $0x36, v0;
	v28 =	vld.idx.msk [tilespmem:v31+s8+$0x0], $0xffff  }
0x13d: {  	v30 =	vor.u32 $0x4, v14;
	v21 =	vld.idx.msk [tilespmem:v21+s8+$0x0], $0xffff;
	v31 =	vor.u32 $0x17, v34;
	[tilespmem:v24+s13+$0x0] =	vst.idx.msk $0xffff, v20  }
0x13e: {  	v20 =	vor.u32 $0x4, v16;
	[tilespmem:v25+s13+$0x0] =	vst.idx.msk $0xffff, v26;
	v24 =	vor.u32 $0x4, v4;
	v22 =	vld.idx.msk [tilespmem:v22+s8+$0x0], $0xffff  }
0x13f: {  	v25 =	vor.u32 $0x16, v9;
	v26 =	vld.idx.msk [tilespmem:v43+s8+$0x0], $0xffff;
	[tilespmem:v46+s13+$0x0] =	vst.idx.msk $0xffff, v23;
	v23 =	vor.u32 $0x4, v60  }
0x140: {  	v47 =	vor.u32 $0x16, v11;
	v48 =	vor.u32 $0x2D, v10;
	v18 =	vld.idx.msk [tilespmem:v18+s8+$0x0], $0xffff;
	[tilespmem:v27+s13+$0x0] =	vst.idx.msk $0xffff, v19  }
0x141: {  	v19 =	vor.u32 $0xE, v15;
	v27 =	vor.u32 $0x2D, v1;
	v2 =	vld.idx.msk [tilespmem:v2+s8+$0x0], $0xffff;
	[tilespmem:v29+s13+$0x0] =	vst.idx.msk $0xffff, v28  }
0x142: {  	[tilespmem:v30+s13+$0x0] =	vst.idx.msk $0xffff, v21;
	v21 =	vor.u32 $0xE, v49;
	v29 =	vor.u32 $0x17, v0;
	v28 =	vld.idx.msk [tilespmem:v31+s8+$0x0], $0xffff  }
0x143: {  	v30 =	vor.u32 $0x24, v14;
	v20 =	vld.idx.msk [tilespmem:v20+s8+$0x0], $0xffff;
	v31 =	vor.u32 $0x17, v44;
	[tilespmem:v24+s13+$0x0] =	vst.idx.msk $0xffff, v22  }
0x144: {  	v22 =	vor.u32 $0x5, v17;
	[tilespmem:v25+s13+$0x0] =	vst.idx.msk $0xffff, v26;
	v24 =	vor.u32 $0x24, v4;
	v23 =	vld.idx.msk [tilespmem:v23+s8+$0x0], $0xffff  }
0x145: {  	v25 =	vor.u32 $0x36, v9;
	v26 =	vld.idx.msk [tilespmem:v47+s8+$0x0], $0xffff;
	[tilespmem:v48+s13+$0x0] =	vst.idx.msk $0xffff, v18;
	v18 =	vor.u32 $0x5, v56  }
0x146: {  	v50 =	vor.u32 $0x17, v12;
	v51 =	vor.u32 $0xE, v10;
	v19 =	vld.idx.msk [tilespmem:v19+s8+$0x0], $0xffff;
	[tilespmem:v27+s13+$0x0] =	vst.idx.msk $0xffff, v2  }
0x147: {  	v2 =	vor.u32 $0xE, v13;
	v27 =	vor.u32 $0xE, v1;
	v21 =	vld.idx.msk [tilespmem:v21+s8+$0x0], $0xffff;
	[tilespmem:v29+s13+$0x0] =	vst.idx.msk $0xffff, v28  }
0x148: {  	[tilespmem:v30+s13+$0x0] =	vst.idx.msk $0xffff, v20;
	v20 =	vor.u32 $0xE, v40;
	v29 =	vor.u32 $0x37, v0;
	v28 =	vld.idx.msk [tilespmem:v31+s8+$0x0], $0xffff  }
0x149: {  	v30 =	vor.u32 $0x5, v14;
	v22 =	vld.idx.msk [tilespmem:v22+s8+$0x0], $0xffff;
	v31 =	vor.u32 $0x18, v34;
	[tilespmem:v24+s13+$0x0] =	vst.idx.msk $0xffff, v23  }
0x14a: {  	v23 =	vor.u32 $0x5, v16;
	[tilespmem:v25+s13+$0x0] =	vst.idx.msk $0xffff, v26;
	v24 =	vor.u32 $0x5, v4;
	v18 =	vld.idx.msk [tilespmem:v18+s8+$0x0], $0xffff  }
0x14b: {  	v25 =	vor.u32 $0x17, v9;
	v26 =	vld.idx.msk [tilespmem:v50+s8+$0x0], $0xffff;
	[tilespmem:v51+s13+$0x0] =	vst.idx.msk $0xffff, v19;
	v19 =	vor.u32 $0x5, v60  }
0x14c: {  	v52 =	vor.u32 $0x17, v11;
	v53 =	vor.u32 $0x2E, v10;
	v2 =	vld.idx.msk [tilespmem:v2+s8+$0x0], $0xffff;
	[tilespmem:v27+s13+$0x0] =	vst.idx.msk $0xffff, v21  }
0x14d: {  	v21 =	vor.u32 $0xF, v15;
	v27 =	vor.u32 $0x2E, v1;
	v20 =	vld.idx.msk [tilespmem:v20+s8+$0x0], $0xffff;
	[tilespmem:v29+s13+$0x0] =	vst.idx.msk $0xffff, v28  }
0x14e: {  	[tilespmem:v30+s13+$0x0] =	vst.idx.msk $0xffff, v22;
	v22 =	vor.u32 $0xF, v49;
	v29 =	vor.u32 $0x18, v0;
	v28 =	vld.idx.msk [tilespmem:v31+s8+$0x0], $0xffff  }
0x14f: {  	v30 =	vor.u32 $0x25, v14;
	v23 =	vld.idx.msk [tilespmem:v23+s8+$0x0], $0xffff;
	v31 =	vor.u32 $0x18, v44;
	[tilespmem:v24+s13+$0x0] =	vst.idx.msk $0xffff, v18  }
0x150: {  	v24 =	vor.u32 $0x6, v17;
	[tilespmem:v25+s13+$0x0] =	vst.idx.msk $0xffff, v26;
	v25 =	vor.u32 $0x25, v4;
	v19 =	vld.idx.msk [tilespmem:v19+s8+$0x0], $0xffff  }
0x151: {  	v18 =	vor.u32 $0x37, v9;
	v32 =	vld.idx.msk [tilespmem:v52+s8+$0x0], $0xffff;
	[tilespmem:v53+s13+$0x0] =	vst.idx.msk $0xffff, v2  }
0x152: {  	v36 =	vor.u32 $0xF, v10;
	v2 =	vor.u32 $0x6, v56;
	v21 =	vld.idx.msk [tilespmem:v21+s8+$0x0], $0xffff;
	[tilespmem:v27+s13+$0x0] =	vst.idx.msk $0xffff, v20  }
0x153: {  	v26 =	vor.u32 $0x18, v12;
	v27 =	vld.idx.msk [tilespmem:v22+s8+$0x0], $0xffff;
	[tilespmem:v29+s13+$0x0] =	vst.idx.msk $0xffff, v28;
	v28 =	vor.u32 $0xF, v1  }
0x154: {  	v20 =	vor.u32 $0xF, v13;
	[tilespmem:v30+s13+$0x0] =	vst.idx.msk $0xffff, v23;
	v29 =	vld.idx.msk [tilespmem:v31+s8+$0x0], $0xffff  }
0x155: {  	v3 =	vor.u32 $0x38, v0;
	v24 =	vld.idx.msk [tilespmem:v24+s8+$0x0], $0xffff;
	[tilespmem:v25+s13+$0x0] =	vst.idx.msk $0xffff, v19  }
0x156: {  	v30 =	vor.u32 $0xF, v40;
	[tilespmem:v18+s13+$0x0] =	vst.idx.msk $0xffff, v32  }
0x157: {  	v42 =	vor.u32 $0x6, v14;
	v2 =	vld.idx.msk [tilespmem:v2+s8+$0x0], $0xffff;
	[tilespmem:v36+s13+$0x0] =	vst.idx.msk $0xffff, v21  }
0x158: {  	v5 =	vor.u32 $0x1B, v12;
	v43 =	vor.u32 $0x19, v34;
	v32 =	vld.idx.msk [tilespmem:v26+s8+$0x0], $0xffff;
	[tilespmem:v28+s13+$0x0] =	vst.idx.msk $0xffff, v27  }
0x159: {  	v18 =	vor.u32 $0x6, v4;
	v20 =	vld.idx.msk [tilespmem:v20+s8+$0x0], $0xffff;
	[tilespmem:$0x1F9A0] =	vst v5  }
0x15a: {  	v25 =	vor.u32 $0x6, v16;
	[tilespmem:v3+s13+$0x0] =	vst.idx.msk $0xffff, v29;
	v3 =	vor.u32 $0x1B, v9  }
0x15b: {  	v7 =	vor.u32 $0x18, v9;
	v5 =	vld.idx.msk [tilespmem:v30+s8+$0x0], $0xffff;
	[tilespmem:$0x1FA50] =	vst v3  }
0x15c: {  	v6 =	vor.u32 $0x1B, v11;
	v21 =	vor.u32 $0x6, v60;
	[tilespmem:v42+s13+$0x0] =	vst.idx.msk $0xffff, v24  }
0x15d: {  	v3 =	vld.idx.msk [tilespmem:v43+s8+$0x0], $0xffff;
	[tilespmem:$0x1FA60] =	vst v6  }
0x15e: {  	v55 =	vor.u32 $0x2F, v10;
	[tilespmem:v18+s13+$0x0] =	vst.idx.msk $0xffff, v2;
	v2 =	vor.u32 $0x3B, v9  }
0x15f: {  	v54 =	vor.u32 $0x18, v11;
	v25 =	vld.idx.msk [tilespmem:v25+s8+$0x0], $0xffff;
	[tilespmem:$0x1FA90] =	vst v2  }
0x160: {  	v6 =	vor.u32 $0x1C, v12;
	[tilespmem:v7+s13+$0x0] =	vst.idx.msk $0xffff, v32  }
0x161: {  	v29 =	vor.u32 $0x2F, v1;
	v18 =	vld.idx.msk [tilespmem:v21+s8+$0x0], $0xffff;
	[tilespmem:$0x1FAB0] =	vst v6;
	v6 =	vor.u32 $0x1C, v9  }
0x162: {  	v27 =	vor.u32 $0x10, v15;
	[tilespmem:$0x1FB80] =	vst v6  }
0x163: {  	v58 =	vor.u32 $0x19, v0;
	v6 =	vor.u32 $0x1C, v11;
	[tilespmem:v55+s13+$0x0] =	vst.idx.msk $0xffff, v20  }
0x164: {  	v57 =	vor.u32 $0x10, v49;
	v33 =	vld.idx.msk [tilespmem:v54+s8+$0x0], $0xffff;
	[tilespmem:$0x1FB90] =	vst v6;
	v6 =	vor.u32 $0x3C, v9  }
0x165: {  	v47 =	vor.u32 $0x26, v14;
	[tilespmem:$0x1FC00] =	vst v6  }
0x166: {  	v48 =	vor.u32 $0x19, v44;
	[tilespmem:v29+s13+$0x0] =	vst.idx.msk $0xffff, v5;
	v5 =	vor.u32 $0x1D, v12  }
0x167: {  	v50 =	vor.u32 $0x26, v4;
	v52 =	vld.idx.msk [tilespmem:v27+s8+$0x0], $0xffff;
	[tilespmem:$0x1FC20] =	vst v5  }
0x168: {  	v2 =	vor.u32 $0x7, v17;
	[tilespmem:v58+s13+$0x0] =	vst.idx.msk $0xffff, v3;
	v3 =	vor.u32 $0x1D, v9  }
0x169: {  	v35 =	vor.u32 $0x38, v9;
	v42 =	vld.idx.msk [tilespmem:v57+s8+$0x0], $0xffff;
	[tilespmem:$0x1FD00] =	vst v3  }
0x16a: {  	v59 =	vor.u32 $0x7, v56;
	v3 =	vor.u32 $0x1D, v11;
	[tilespmem:v47+s13+$0x0] =	vst.idx.msk $0xffff, v25  }
0x16b: {  	v48 =	vld.idx.msk [tilespmem:v48+s8+$0x0], $0xffff;
	[tilespmem:$0x1FD20] =	vst v3  }
0x16c: {  	v51 =	vor.u32 $0x10, v10;
	v3 =	vor.u32 $0x3D, v9;
	[tilespmem:v50+s13+$0x0] =	vst.idx.msk $0xffff, v18  }
0x16d: {  	v37 =	vor.u32 $0x19, v12;
	v2 =	vld.idx.msk [tilespmem:v2+s8+$0x0], $0xffff;
	[tilespmem:$0x1FDC0] =	vst v3  }
0x16e: {  	v3 =	vor.u32 $0x1E, v12;
	[tilespmem:v35+s13+$0x0] =	vst.idx.msk $0xffff, v33  }
0x16f: {  	v43 =	vor.u32 $0x10, v1;
	v5 =	vor.u32 $0x10, v13;
	v33 =	vld.idx.msk [tilespmem:v59+s8+$0x0], $0xffff;
	[tilespmem:$0x1FDE0] =	vst v3;
	v3 =	vor.u32 $0x1E, v9  }
0x170: {  	[tilespmem:$0x1FED0] =	vst v3  }
0x171: {  	v61 =	vor.u32 $0x39, v0;
	v3 =	vor.u32 $0x1E, v11;
	[tilespmem:v51+s13+$0x0] =	vst.idx.msk $0xffff, v52  }
0x172: {  	v25 =	vor.u32 $0x10, v40;
	v57 =	vld.idx.msk [tilespmem:v37+s8+$0x0], $0xffff;
	[tilespmem:$0x1FEF0] =	vst v3;
	v3 =	vor.u32 $0x3E, v9  }
0x173: {  	v53 =	vor.u32 $0x7, v14;
	[tilespmem:$0x1FFB0] =	vst v3  }
0x174: {  	v54 =	vor.u32 $0x1A, v34;
	v3 =	vld.idx.msk [tilespmem:v5+s8+$0x0], $0xffff;
	[tilespmem:v43+s13+$0x0] =	vst.idx.msk $0xffff, v42;
	v5 =	vor.u32 $0x1F, v12  }
0x175: {  	v63 =	vor.u32 $0x7, v4;
	[tilespmem:$0x1FFD0] =	vst v5  }
0x176: {  	v62 =	vor.u32 $0x7, v16;
	v5 =	vor.u32 $0x1F, v9;
	[tilespmem:v61+s13+$0x0] =	vst.idx.msk $0xffff, v48  }
0x177: {  	v38 =	vor.u32 $0x19, v9;
	v58 =	vor.u32 $0x7, v60;
	v25 =	vld.idx.msk [tilespmem:v25+s8+$0x0], $0xffff;
	[tilespmem:$0x1F5D0] =	vst v5  }
0x178: {  	v41 =	vor.u32 $0x19, v11;
	v59 =	vor.u32 $0x30, v10;
	v5 =	vor.u32 $0x1F, v11;
	[tilespmem:v53+s13+$0x0] =	vst.idx.msk $0xffff, v2  }
0x179: {  	v46 =	vor.u32 $0x1A, v12;
	v12 =	vor.u32 $0x11, v15;
	v42 =	vor.u32 $0x30, v1;
	v43 =	vld.idx.msk [tilespmem:v54+s8+$0x0], $0xffff;
	[tilespmem:$0x1F5E0] =	vst v5  }
0x17a: {  	v47 =	vor.u32 $0x1A, v0;
	v2 =	vor.u32 $0x11, v49;
	v5 =	vor.u32 $0x3F, v9;
	[tilespmem:v63+s13+$0x0] =	vst.idx.msk $0xffff, v33  }
0x17b: {  	v22 =	vor.u32 $0x1A, v11;
	v11 =	vor.u32 $0x27, v14;
	v61 =	vld.idx.msk [tilespmem:v62+s8+$0x0], $0xffff;
	[tilespmem:$0x1F5F0] =	vst v5  }
0x17c: {  	v8 =	vor.u32 $0x39, v9;
	v62 =	vor.u32 $0x1A, v44;
	v63 =	vor.u32 $0x27, v4;
	[tilespmem:v38+s13+$0x0] =	vst.idx.msk $0xffff, v57;
	v33 =	vld.idx.msk [tilespmem:v58+s8+$0x0], $0xffff  }
0x17d: {  	v23 =	vor.u32 $0x1A, v9;
	v26 =	vor.u32 $0x3A, v9;
	v9 =	vor.u32 $0x8, v17;
	[tilespmem:v59+s13+$0x0] =	vst.idx.msk $0xffff, v3;
	v37 =	vld.idx.msk [tilespmem:v41+s8+$0x0], $0xffff  }
0x17e: {  	v36 =	vor.u32 $0x11, v10;
	[tilespmem:v42+s13+$0x0] =	vst.idx.msk $0xffff, v25;
	v41 =	vor.u32 $0x8, v56;
	v12 =	vld.idx.msk [tilespmem:v12+s8+$0x0], $0xffff  }
0x17f: {  	v42 =	vld.idx.msk [tilespmem:v2+s8+$0x0], $0xffff;
	[tilespmem:v47+s13+$0x0] =	vst.idx.msk $0xffff, v43;
	v43 =	vor.u32 $0x11, v1  }
0x180: {  	v38 =	vor.u32 $0x11, v13;
	[tilespmem:v11+s13+$0x0] =	vst.idx.msk $0xffff, v61  }
0x181: {  	v47 =	vld.idx.msk [tilespmem:v62+s8+$0x0], $0xffff;
	v61 =	vor.u32 $0x3A, v0;
	[tilespmem:v63+s13+$0x0] =	vst.idx.msk $0xffff, v33  }
0x182: {  	v9 =	vld.idx.msk [tilespmem:v9+s8+$0x0], $0xffff;
	[tilespmem:v8+s13+$0x0] =	vst.idx.msk $0xffff, v37  }
0x183: {  	v62 =	vor.u32 $0x8, v14;
	v35 =	vld.idx.msk [tilespmem:v41+s8+$0x0], $0xffff;
	[tilespmem:v36+s13+$0x0] =	vst.idx.msk $0xffff, v12  }
0x184: {  	v48 =	vor.u32 $0x11, v40;
	v2 =	vor.u32 $0x19, v15;
	[tilespmem:v43+s13+$0x0] =	vst.idx.msk $0xffff, v42;
	v46 =	vld.idx.msk [tilespmem:v46+s8+$0x0], $0xffff  }
0x185: {  	v38 =	vld.idx.msk [tilespmem:v38+s8+$0x0], $0xffff;
	[tilespmem:$0x1FD30] =	vst v2  }
0x186: {  	v58 =	vor.u32 $0x1B, v34;
	v2 =	vor.u32 $0x1A, v15;
	[tilespmem:v61+s13+$0x0] =	vst.idx.msk $0xffff, v47  }
0x187: {  	v32 =	vor.u32 $0x8, v4;
	[tilespmem:$0x1FF70] =	vst v2  }
0x188: {  	v2 =	vor.u32 $0x1B, v15;
	[tilespmem:v62+s13+$0x0] =	vst.idx.msk $0xffff, v9  }
0x189: {  	v47 =	vld.idx.msk [tilespmem:v48+s8+$0x0], $0xffff;
	[tilespmem:$0x1F600] =	vst v2;
	v2 =	vor.u32 $0x1C, v15  }
0x18a: {  	v63 =	vor.u32 $0x8, v16;
	[tilespmem:$0x1F610] =	vst v2;
	v2 =	vor.u32 $0x1D, v15  }
0x18b: {  	s30 =	simm.s32 $0x70;
	v12 =	vor.u32 $0x8, v60;
	v9 =	vld.idx.msk [tilespmem:v58+s8+$0x0], $0xffff;
	[tilespmem:$0x1F620] =	vst v2  }
0x18c: {  	v42 =	vor.u32 s30, v45;
	v2 =	vor.u32 $0x1E, v15;
	[tilespmem:v32+s13+$0x0] =	vst.idx.msk $0xffff, v35  }
0x18d: {  	s31 =	simm.s32 $0x60;
	[tilespmem:$0x1F630] =	vst v2;
	v2 =	vor.u32 $0x1F, v15  }
0x18e: {  	v43 =	vor.u32 s31, v45;
	[tilespmem:$0x1F640] =	vst v2  }
0x18f: {  	v33 =	vld.idx.msk [tilespmem:v63+s8+$0x0], $0xffff  }
0x190: {  	v2 =	vor.u32 $0x18, v13;
	v12 =	vld.idx.msk [tilespmem:v12+s8+$0x0], $0xffff  }
0x191: {  	v48 =	vor.u32 $0x31, v1;
	v61 =	vld.idx.msk [tilespmem:v42+s11+$0x0], $0xffff;
	[tilespmem:$0x1FC90] =	vst v2;
	v2 =	vor.u32 $0x19, v13  }
0x192: {  	[tilespmem:$0x1FE50] =	vst v2;
	v2 =	vor.u32 $0x1A, v13  }
0x193: {  	v63 =	vld.idx.msk [tilespmem:v43+s11+$0x0], $0xffff;
	[tilespmem:$0x1FFF0] =	vst v2;
	v2 =	vor.u32 $0x1B, v13  }
0x194: {  	v36 =	vor.u32 $0x1B, v0;
	[tilespmem:$0x1F650] =	vst v2;
	v2 =	vor.u32 $0x1C, v13  }
0x195: {  	[tilespmem:$0x1F660] =	vst v2  }
0x196: {  	v52 =	vor.u32 $0x12, v49;
	v2 =	vor.u32 $0x1D, v13;
	[tilespmem:v48+s13+$0x0] =	vst.idx.msk $0xffff, v47  }
0x197: {  	v59 =	vor.u32 $0x1B, v44;
	v32 =	vor.u32 $0x28, v14;
	v11 =	vld.idx.msk [tilespmem:v42+s12+$0x0], $0xffff;
	[tilespmem:$0x1F670] =	vst v2;
	v2 =	vor.u32 $0x1E, v13  }
0x198: {  	v53 =	vor.u32 $0x31, v10;
	v62 =	vor.u32 $0x9, v17;
	[tilespmem:$0x1F680] =	vst v2  }
0x199: {  	v57 =	vor.u32 $0x12, v15;
	v2 =	vor.u32 $0x1F, v13;
	[tilespmem:v36+s13+$0x0] =	vst.idx.msk $0xffff, v9  }
0x19a: {  	v47 =	vor.u32 $0x28, v4;
	v48 =	vld.idx.msk [tilespmem:v43+s12+$0x0], $0xffff;
	[tilespmem:$0x1F690] =	vst v2  }
0x19b: {  	v8 =	vor.u32 $0x9, v56;
	v52 =	vld.idx.msk [tilespmem:v52+s8+$0x0], $0xffff  }
0x19c: {  	v2 =	vor.u32 $0x12, v1;
	[tilespmem:v32+s13+$0x0] =	vst.idx.msk $0xffff, v33;
	v58 =	vld.idx.msk [tilespmem:v59+s8+$0x0], $0xffff  }
0x19d: {  	v7 =	vor.u32 $0x3B, v0;
	v59 =	vor.u32 $0x12, v40;
	[tilespmem:v53+s13+$0x0] =	vst.idx.msk $0xffff, v38;
	v38 =	vld.idx.msk [tilespmem:v62+s8+$0x0], $0xffff  }
0x19e: {  	v6 =	vor.u32 $0x9, v14;
	v33 =	vshll.u32 v61, $0x7;
	[tilespmem:v23+s13+$0x0] =	vst.idx.msk $0xffff, v46;
	v23 =	vld.idx.msk [tilespmem:v57+s8+$0x0], $0xffff  }
0x19f: {  	v36 =	vor.u32 $0x1C, v34;
	v46 =	vor.u32 $0x12, v10;
	[tilespmem:v47+s13+$0x0] =	vst.idx.msk $0xffff, v12;
	v29 =	vld.idx.msk [tilespmem:v22+s8+$0x0], $0xffff  }
0x1a0: {  	v53 =	vor.u32 $0x9, v16;
	v8 =	vld.idx.msk [tilespmem:v8+s8+$0x0], $0xffff;
	v22 =	vor.u32 $0x9, v4  }
0x1a1: {  	v39 =	vor.u32 $0x13, v13;
	v19 =	vor.u32 $0x12, v13;
	[tilespmem:v2+s13+$0x0] =	vst.idx.msk $0xffff, v52  }
0x1a2: {  	v55 =	vor.u32 $0x13, v15;
	v12 =	vor.u32 $0x9, v60;
	v32 =	vor.u32 $0x32, v1;
	[tilespmem:v7+s13+$0x0] =	vst.idx.msk $0xffff, v58;
	v21 =	vld.idx.msk [tilespmem:v59+s8+$0x0], $0xffff  }
0x1a3: {  	v27 =	vor.u32 $0x16, v15;
	v50 =	vor.u32 $0x14, v15;
	v7 =	vld.idx.msk [tilespmem:v33+s8+$0x0], $0xffff;
	[tilespmem:v6+s13+$0x0] =	vst.idx.msk $0xffff, v38;
	v38 =	vor.u32 $0x13, v49  }
0x1a4: {  	v51 =	vor.u32 $0x15, v15;
	v5 =	vor.u32 $0x15, v13;
	v2 =	vor.u32 $0x1C, v0;
	v61 =	vld.idx.msk [tilespmem:v36+s8+$0x0], $0xffff;
	[tilespmem:v46+s13+$0x0] =	vst.idx.msk $0xffff, v23  }
0x1a5: {  	v25 =	vor.u32 $0x14, v13;
	v3 =	vor.u32 $0x18, v15;
	v62 =	vshll.u32 v48, $0x7;
	[tilespmem:v22+s13+$0x0] =	vst.idx.msk $0xffff, v8;
	v48 =	vld.idx.msk [tilespmem:v53+s8+$0x0], $0xffff  }
0x1a6: {  	v37 =	vor.u32 $0x17, v15;
	v54 =	vshll.u32 v42, $0x7;
	v15 =	vor.u32 $0x1C, v44;
	[tilespmem:v26+s13+$0x0] =	vst.idx.msk $0xffff, v29;
	v20 =	vld.idx.msk [tilespmem:v19+s8+$0x0], $0xffff  }
0x1a7: {  	v42 =	vshll.u32 v11, $0x7;
	v11 =	vor.u32 $0x29, v14;
	v8 =	vor.u32 $0x39, v10;
	v53 =	vld.idx.msk [tilespmem:v12+s8+$0x0], $0xffff;
	[tilespmem:v32+s13+$0x0] =	vst.idx.msk $0xffff, v21  }
0x1a8: {  	v41 =	vor.u32 $0x16, v13;
	v35 =	vor.u32 $0x17, v13;
	v13 =	vshll.u32 v63, $0x7;
	v23 =	vld.idx.msk [tilespmem:v38+s8+$0x0], $0xffff;
	[tilespmem:$0x1FF30] =	vst v8  }
0x1a9: {  	[tilespmem:v2+s13+$0x0] =	vst.idx.msk $0xffff, v61;
	v2 =	vor.u32 $0x1A, v10  }
0x1aa: {  	[tilespmem:$0x1FFE0] =	vst v2;
	v2 =	vor.u32 $0x3A, v10  }
0x1ab: {  	v22 =	vor.u32 $0xA, v17;
	[tilespmem:$0x1F6A0] =	vst v2  }
0x1ac: {  	v18 =	vor.u32 $0x32, v10;
	[tilespmem:v11+s13+$0x0] =	vst.idx.msk $0xffff, v48;
	v11 =	vld.idx.msk [tilespmem:v15+s8+$0x0], $0xffff;
	v15 =	vor.u32 $0x1B, v10  }
0x1ad: {  	v2 =	vld.idx.msk [tilespmem:v13+s8+$0x0], $0xffff;
	[tilespmem:$0x1F6B0] =	vst v15;
	v15 =	vor.u32 $0x3B, v10  }
0x1ae: {  	v8 =	vor.u32 $0x29, v4;
	[tilespmem:$0x1F6C0] =	vst v15  }
0x1af: {  	[tilespmem:v54+s13+$0x0] =	vst.idx.msk $0xffff, v7;
	v7 =	vor.u32 $0x1C, v10  }
0x1b0: {  	v9 =	vshll.u32 v43, $0x7;
	v19 =	vld.idx.msk [tilespmem:v22+s8+$0x0], $0xffff;
	[tilespmem:$0x1F6D0] =	vst v7  }
0x1b1: {  	v38 =	vor.u32 $0xA, v56;
	v7 =	vor.u32 $0x3C, v10;
	[tilespmem:v18+s13+$0x0] =	vst.idx.msk $0xffff, v20  }
0x1b2: {  	[tilespmem:$0x1F6E0] =	vst v7  }
0x1b3: {  	v15 =	vor.u32 $0x13, v1;
	v20 =	vor.u32 $0x1D, v10;
	v21 =	vld.idx.msk [tilespmem:v42+s8+$0x0], $0xffff;
	[tilespmem:v8+s13+$0x0] =	vst.idx.msk $0xffff, v53  }
0x1b4: {  	v8 =	vld.idx.msk [tilespmem:v55+s8+$0x0], $0xffff;
	[tilespmem:$0x1F6F0] =	vst v20  }
0x1b5: {  	[tilespmem:v9+s13+$0x0] =	vst.idx.msk $0xffff, v2;
	v2 =	vor.u32 $0x3D, v10  }
0x1b6: {  	v48 =	vor.u32 $0x3C, v0;
	v20 =	vld.idx.msk [tilespmem:v38+s8+$0x0], $0xffff;
	[tilespmem:$0x1F700] =	vst v2;
	v2 =	vor.u32 $0x1E, v10  }
0x1b7: {  	v47 =	vmov v40;
	[tilespmem:$0x1F710] =	vst v2  }
0x1b8: {  	v22 =	vor.u32 $0x13, v47;
	v2 =	vor.u32 $0x3E, v10;
	[tilespmem:v15+s13+$0x0] =	vst.idx.msk $0xffff, v23  }
0x1b9: {  	v18 =	vor.u32 $0x20, v54;
	v7 =	vor.u32 $0x1D, v34;
	[tilespmem:$0x1F720] =	vst v2;
	v2 =	vor.u32 $0x1F, v10  }
0x1ba: {  	v31 =	vor.u32 $0x38, v10;
	v43 =	vor.u32 $0xA, v14;
	[tilespmem:$0x1F730] =	vst v2  }
0x1bb: {  	v24 =	vor.u32 $0x13, v10;
	v32 =	vor.u32 $0x1, v33;
	v2 =	vor.u32 $0x3F, v10;
	[tilespmem:v48+s13+$0x0] =	vst.idx.msk $0xffff, v11  }
0x1bc: {  	v28 =	vor.u32 $0x17, v10;
	v26 =	vor.u32 $0x20, v9;
	v38 =	vor.u32 $0xA, v16;
	v15 =	vld.idx.msk [tilespmem:v62+s8+$0x0], $0xffff;
	[tilespmem:$0x1F740] =	vst v2  }
0x1bd: {  	v30 =	vor.u32 $0x37, v10;
	v63 =	vor.u32 $0x33, v10;
	v29 =	vld.idx.msk [tilespmem:v22+s8+$0x0], $0xffff;
	v22 =	vor.u32 $0xA, v4  }
0x1be: {  	v40 =	vor.u32 $0x35, v10;
	v11 =	vor.u32 $0x1, v13;
	[tilespmem:v18+s13+$0x0] =	vst.idx.msk $0xffff, v21;
	v18 =	vld.idx.msk [tilespmem:v7+s8+$0x0], $0xffff;
	v7 =	vor.u32 $0x33, v1  }
0x1bf: {  	v57 =	vor.u32 $0x15, v10;
	v48 =	vor.u32 $0xA, v60;
	v2 =	vor.u32 $0x1D, v0;
	[tilespmem:v43+s13+$0x0] =	vst.idx.msk $0xffff, v19  }
0x1c0: {  	v58 =	vor.u32 $0x14, v10;
	v52 =	vor.u32 $0x16, v10;
	[tilespmem:v24+s13+$0x0] =	vst.idx.msk $0xffff, v8;
	v43 =	vld.idx.msk [tilespmem:v32+s8+$0x0], $0xffff;
	v32 =	vor.u32 $0x14, v49  }
0x1c1: {  	v59 =	vor.u32 $0x34, v10;
	v6 =	vor.u32 $0x36, v10;
	v61 =	vor.u32 $0x1, v54;
	v19 =	vld.idx.msk [tilespmem:v38+s8+$0x0], $0xffff;
	[tilespmem:v26+s13+$0x0] =	vst.idx.msk $0xffff, v15  }
0x1c2: {  	v36 =	vor.u32 $0x19, v10;
	v12 =	vor.u32 $0x18, v10;
	v10 =	vor.u32 $0x1D, v44;
	v53 =	vld.idx.msk [tilespmem:v39+s8+$0x0], $0xffff;
	[tilespmem:v22+s13+$0x0] =	vst.idx.msk $0xffff, v20  }
0x1c3: {  	v21 =	vor.u32 $0x2A, v14;
	v11 =	vld.idx.msk [tilespmem:v11+s8+$0x0], $0xffff;
	[tilespmem:v7+s13+$0x0] =	vst.idx.msk $0xffff, v29  }
0x1c4: {  	v8 =	vor.u32 $0x1, v42;
	[tilespmem:v2+s13+$0x0] =	vst.idx.msk $0xffff, v18;
	v18 =	vor.u32 $0x12, v17;
	v48 =	vld.idx.msk [tilespmem:v48+s8+$0x0], $0xffff  }
0x1c5: {  	v2 =	vld.idx.msk [tilespmem:v32+s8+$0x0], $0xffff;
	[tilespmem:$0x1F750] =	vst v18  }
0x1c6: {  	v23 =	vor.u32 $0xB, v17;
	[tilespmem:v61+s13+$0x0] =	vst.idx.msk $0xffff, v43;
	v61 =	vor.u32 $0x13, v17  }
0x1c7: {  	v7 =	vor.u32 $0x1, v9;
	v10 =	vld.idx.msk [tilespmem:v10+s8+$0x0], $0xffff;
	[tilespmem:$0x1F760] =	vst v61  }
0x1c8: {  	[tilespmem:v21+s13+$0x0] =	vst.idx.msk $0xffff, v19;
	v19 =	vor.u32 $0x14, v17  }
0x1c9: {  	v8 =	vld.idx.msk [tilespmem:v8+s8+$0x0], $0xffff;
	[tilespmem:$0x1F770] =	vst v19  }
0x1ca: {  	v32 =	vor.u32 $0x2A, v4;
	[tilespmem:v63+s13+$0x0] =	vst.idx.msk $0xffff, v53;
	v63 =	vor.u32 $0x15, v17  }
0x1cb: {  	v18 =	vor.u32 $0x1, v62;
	v23 =	vld.idx.msk [tilespmem:v23+s8+$0x0], $0xffff;
	[tilespmem:$0x1F780] =	vst v63  }
0x1cc: {  	[tilespmem:v7+s13+$0x0] =	vst.idx.msk $0xffff, v11;
	v11 =	vor.u32 $0x16, v17  }
0x1cd: {  	v7 =	vld.idx.msk [tilespmem:v50+s8+$0x0], $0xffff;
	[tilespmem:$0x1F790] =	vst v11;
	v11 =	vor.u32 $0x17, v17  }
0x1ce: {  	v61 =	vor.u32 $0x14, v1;
	[tilespmem:$0x1F7A0] =	vst v11  }
0x1cf: {  	v43 =	vor.u32 $0xB, v56;
	[tilespmem:v32+s13+$0x0] =	vst.idx.msk $0xffff, v48;
	v32 =	vor.u32 $0x18, v17  }
0x1d0: {  	v38 =	vor.u32 $0x19, v17;
	v18 =	vld.idx.msk [tilespmem:v18+s8+$0x0], $0xffff;
	[tilespmem:$0x1F7B0] =	vst v32  }
0x1d1: {  	v55 =	vor.u32 $0x1A, v17;
	v21 =	vor.u32 $0x3D, v0;
	v19 =	vor.u32 $0x14, v47;
	[tilespmem:$0x1F7C0] =	vst v38  }
0x1d2: {  	[tilespmem:$0x1F7D0] =	vst v55  }
0x1d3: {  	v53 =	vor.u32 $0x21, v54;
	[tilespmem:v61+s13+$0x0] =	vst.idx.msk $0xffff, v2;
	v61 =	vor.u32 $0x1B, v17  }
0x1d4: {  	v63 =	vor.u32 $0x1E, v34;
	v32 =	vor.u32 $0x1C, v17;
	v2 =	vld.idx.msk [tilespmem:v43+s8+$0x0], $0xffff;
	[tilespmem:$0x1F7E0] =	vst v61  }
0x1d5: {  	v24 =	vor.u32 $0xB, v14;
	v11 =	vor.u32 $0x2, v33;
	[tilespmem:$0x1F7F0] =	vst v32  }
0x1d6: {  	v39 =	vor.u32 $0xB, v16;
	[tilespmem:v21+s13+$0x0] =	vst.idx.msk $0xffff, v10;
	v10 =	vld.idx.msk [tilespmem:v19+s8+$0x0], $0xffff;
	v19 =	vor.u32 $0x1D, v17  }
0x1d7: {  	v43 =	vor.u32 $0x21, v9;
	[tilespmem:$0x1F800] =	vst v19  }
0x1d8: {  	v21 =	vor.u32 $0xB, v4;
	[tilespmem:v53+s13+$0x0] =	vst.idx.msk $0xffff, v8;
	v8 =	vor.u32 $0x1E, v17  }
0x1d9: {  	v48 =	vor.u32 $0x34, v1;
	v19 =	vor.u32 $0x2, v13;
	v55 =	vld.idx.msk [tilespmem:v63+s8+$0x0], $0xffff;
	[tilespmem:$0x1F810] =	vst v8  }
0x1da: {  	v8 =	vor.u32 $0xB, v60;
	[tilespmem:v24+s13+$0x0] =	vst.idx.msk $0xffff, v23;
	v11 =	vld.idx.msk [tilespmem:v11+s8+$0x0], $0xffff;
	v24 =	vor.u32 $0x1E, v0  }
0x1db: {  	v23 =	vor.u32 $0x15, v49;
	[tilespmem:v58+s13+$0x0] =	vst.idx.msk $0xffff, v7;
	v7 =	vld.idx.msk [tilespmem:v39+s8+$0x0], $0xffff;
	v39 =	vor.u32 $0x2, v54  }
0x1dc: {  	v38 =	vor.u32 $0x1E, v44;
	[tilespmem:v43+s13+$0x0] =	vst.idx.msk $0xffff, v18  }
0x1dd: {  	v43 =	vor.u32 $0x2B, v14;
	v18 =	vld.idx.msk [tilespmem:v25+s8+$0x0], $0xffff;
	[tilespmem:v21+s13+$0x0] =	vst.idx.msk $0xffff, v2  }
0x1de: {  	v32 =	vor.u32 $0x2, v42;
	[tilespmem:v48+s13+$0x0] =	vst.idx.msk $0xffff, v10;
	v2 =	vld.idx.msk [tilespmem:v19+s8+$0x0], $0xffff  }
0x1df: {  	v10 =	vld.idx.msk [tilespmem:v8+s8+$0x0], $0xffff;
	[tilespmem:v24+s13+$0x0] =	vst.idx.msk $0xffff, v55  }
0x1e0: {  	v15 =	vor.u32 $0xC, v17;
	v50 =	vor.u32 $0x12, v16;
	v23 =	vld.idx.msk [tilespmem:v23+s8+$0x0], $0xffff;
	[tilespmem:v39+s13+$0x0] =	vst.idx.msk $0xffff, v11  }
0x1e1: {  	v11 =	vld.idx.msk [tilespmem:v38+s8+$0x0], $0xffff;
	[tilespmem:$0x1F820] =	vst v50  }
0x1e2: {  	v53 =	vor.u32 $0x13, v16;
	v48 =	vor.u32 $0x2, v9;
	[tilespmem:v43+s13+$0x0] =	vst.idx.msk $0xffff, v7  }
0x1e3: {  	v7 =	vld.idx.msk [tilespmem:v32+s8+$0x0], $0xffff;
	[tilespmem:$0x1F830] =	vst v53  }
0x1e4: {  	[tilespmem:v59+s13+$0x0] =	vst.idx.msk $0xffff, v18;
	v18 =	vor.u32 $0x14, v16  }
0x1e5: {  	v24 =	vor.u32 $0x2, v62;
	v55 =	vor.u32 $0x2B, v4;
	v15 =	vld.idx.msk [tilespmem:v15+s8+$0x0], $0xffff;
	[tilespmem:$0x1F840] =	vst v18;
	v18 =	vor.u32 $0x15, v16  }
0x1e6: {  	[tilespmem:$0x1F850] =	vst v18  }
0x1e7: {  	[tilespmem:v48+s13+$0x0] =	vst.idx.msk $0xffff, v2;
	v48 =	vor.u32 $0x16, v16  }
0x1e8: {  	v2 =	vld.idx.msk [tilespmem:v51+s8+$0x0], $0xffff;
	v51 =	vor.u32 $0x17, v16;
	[tilespmem:$0x1F860] =	vst v48  }
0x1e9: {  	v50 =	vor.u32 $0x15, v1;
	[tilespmem:$0x1F870] =	vst v51  }
0x1ea: {  	v39 =	vor.u32 $0xC, v56;
	[tilespmem:v55+s13+$0x0] =	vst.idx.msk $0xffff, v10;
	v10 =	vld.idx.msk [tilespmem:v24+s8+$0x0], $0xffff;
	v24 =	vor.u32 $0x18, v16  }
0x1eb: {  	[tilespmem:$0x1F880] =	vst v24;
	v24 =	vor.u32 $0x19, v16  }
0x1ec: {  	v32 =	vor.u32 $0x3E, v0;
	[tilespmem:$0x1F890] =	vst v24;
	v24 =	vor.u32 $0x1A, v16  }
0x1ed: {  	v43 =	vor.u32 $0x15, v47;
	[tilespmem:$0x1F8A0] =	vst v24  }
0x1ee: {  	v18 =	vor.u32 $0x22, v54;
	v24 =	vor.u32 $0x1B, v16;
	[tilespmem:v50+s13+$0x0] =	vst.idx.msk $0xffff, v23  }
0x1ef: {  	v34 =	vor.u32 $0x1F, v34;
	v23 =	vld.idx.msk [tilespmem:v39+s8+$0x0], $0xffff;
	[tilespmem:$0x1F8B0] =	vst v24;
	v24 =	vor.u32 $0x1C, v16  }
0x1f0: {  	v61 =	vor.u32 $0xC, v14;
	[tilespmem:$0x1F8C0] =	vst v24  }
0x1f1: {  	v53 =	vmov v13;
	v13 =	vor.u32 $0x1D, v16;
	v59 =	vor.u32 $0x3, v33;
	[tilespmem:v32+s13+$0x0] =	vst.idx.msk $0xffff, v11  }
0x1f2: {  	v19 =	vor.u32 $0xC, v16;
	v24 =	vor.u32 $0x22, v9;
	v11 =	vld.idx.msk [tilespmem:v43+s8+$0x0], $0xffff;
	[tilespmem:$0x1F8D0] =	vst v13  }
0x1f3: {  	v39 =	vor.u32 $0xC, v4;
	v13 =	vor.u32 $0x1E, v16;
	[tilespmem:v18+s13+$0x0] =	vst.idx.msk $0xffff, v7  }
0x1f4: {  	v43 =	vor.u32 $0x3, v53;
	v7 =	vld.idx.msk [tilespmem:v34+s8+$0x0], $0xffff;
	v34 =	vor.u32 $0x35, v1;
	[tilespmem:$0x1F8E0] =	vst v13  }
0x1f5: {  	v32 =	vor.u32 $0x1F, v0;
	v18 =	vor.u32 $0xC, v60;
	[tilespmem:v61+s13+$0x0] =	vst.idx.msk $0xffff, v15  }
0x1f6: {  	v51 =	vor.u32 $0x16, v49;
	v15 =	vld.idx.msk [tilespmem:v59+s8+$0x0], $0xffff;
	[tilespmem:v57+s13+$0x0] =	vst.idx.msk $0xffff, v2;
	v59 =	vor.u32 $0x3, v54  }
0x1f7: {  	[tilespmem:v24+s13+$0x0] =	vst.idx.msk $0xffff, v10;
	v24 =	vor.u32 $0x2C, v14;
	v2 =	vld.idx.msk [tilespmem:v19+s8+$0x0], $0xffff;
	v19 =	vor.u32 $0x1F, v44  }
0x1f8: {  	[tilespmem:v39+s13+$0x0] =	vst.idx.msk $0xffff, v23;
	v10 =	vld.idx.msk [tilespmem:v5+s8+$0x0], $0xffff;
	v5 =	vor.u32 $0x3, v42  }
0x1f9: {  	v23 =	vld.idx.msk [tilespmem:v43+s8+$0x0], $0xffff;
	[tilespmem:v34+s13+$0x0] =	vst.idx.msk $0xffff, v11  }
0x1fa: {  	v20 =	vor.u32 $0xD, v17;
	v11 =	vld.idx.msk [tilespmem:v18+s8+$0x0], $0xffff;
	[tilespmem:v32+s13+$0x0] =	vst.idx.msk $0xffff, v7  }
0x1fb: {  	v7 =	vld.idx.msk [tilespmem:v51+s8+$0x0], $0xffff;
	[tilespmem:v59+s13+$0x0] =	vst.idx.msk $0xffff, v15  }
0x1fc: {  	v13 =	vor.u32 $0x31, v14;
	v18 =	vor.u32 $0x3, v9;
	v15 =	vld.idx.msk [tilespmem:v19+s8+$0x0], $0xffff;
	[tilespmem:v24+s13+$0x0] =	vst.idx.msk $0xffff, v2  }
0x1fd: {  	v2 =	vld.idx.msk [tilespmem:v5+s8+$0x0], $0xffff;
	[tilespmem:$0x1F8F0] =	vst v13  }
0x1fe: {  	v13 =	vor.u32 $0x12, v14;
	[tilespmem:v40+s13+$0x0] =	vst.idx.msk $0xffff, v10  }
0x1ff: {  	v32 =	vor.u32 $0x2C, v4;
	v10 =	vld.idx.msk [tilespmem:v20+s8+$0x0], $0xffff;
	[tilespmem:$0x1F900] =	vst v13;
	v13 =	vor.u32 $0x32, v14  }
0x200: {  	v34 =	vor.u32 $0x3, v62;
	[tilespmem:$0x1F910] =	vst v13  }
0x201: {  	v13 =	vor.u32 $0x13, v14;
	[tilespmem:v18+s13+$0x0] =	vst.idx.msk $0xffff, v23  }
0x202: {  	v18 =	vld.idx.msk [tilespmem:v27+s8+$0x0], $0xffff;
	[tilespmem:$0x1F920] =	vst v13;
	v13 =	vor.u32 $0x33, v14  }
0x203: {  	v38 =	vor.u32 $0x16, v1;
	[tilespmem:$0x1F930] =	vst v13  }
0x204: {  	v19 =	vor.u32 $0xD, v56;
	v13 =	vor.u32 $0x14, v14;
	[tilespmem:v32+s13+$0x0] =	vst.idx.msk $0xffff, v11  }
0x205: {  	v11 =	vld.idx.msk [tilespmem:v34+s8+$0x0], $0xffff;
	[tilespmem:$0x1F940] =	vst v13;
	v13 =	vor.u32 $0x34, v14  }
0x206: {  	v44 =	vor.u32 $0x3F, v0;
	[tilespmem:$0x1F950] =	vst v13;
	v13 =	vor.u32 $0x15, v14  }
0x207: {  	v24 =	vor.u32 $0x16, v47;
	[tilespmem:$0x1F960] =	vst v13  }
0x208: {  	v20 =	vor.u32 $0x23, v54;
	v13 =	vor.u32 $0x35, v14;
	[tilespmem:v38+s13+$0x0] =	vst.idx.msk $0xffff, v7  }
0x209: {  	v7 =	vld.idx.msk [tilespmem:v19+s8+$0x0], $0xffff;
	[tilespmem:$0x1F970] =	vst v13;
	v13 =	vor.u32 $0x16, v14  }
0x20a: {  	[tilespmem:$0x1F980] =	vst v13  }
0x20b: {  	v13 =	vor.u32 $0x36, v14;
	[tilespmem:v44+s13+$0x0] =	vst.idx.msk $0xffff, v15  }
0x20c: {  	v15 =	vld.idx.msk [tilespmem:v24+s8+$0x0], $0xffff;
	[tilespmem:$0x1F990] =	vst v13  }
0x20d: {  	[tilespmem:v20+s13+$0x0] =	vst.idx.msk $0xffff, v2  }
0x20e: {  	v2 =	vld [tilespmem:$0x1F9A0];
	_ =	sdelay $0x3  }
0x20f: {  	v50 =	vor.u32 $0xD, v14  }
0x210: {  	v23 =	vor.u32 $0x4, v33;
	_ =	sdelay $0x1  }
0x211: {  	v13 =	vor.u32 $0x17, v14  }
0x212: {  	v21 =	vor.u32 $0xD, v16;
	v2 =	vld.idx.msk [tilespmem:v2+s8+$0x0], $0xffff;
	[tilespmem:$0x1F9B0] =	vst v13  }
0x213: {  	v13 =	vor.u32 $0x37, v14;
	[tilespmem:v50+s13+$0x0] =	vst.idx.msk $0xffff, v10  }
0x214: {  	v19 =	vor.u32 $0x23, v9;
	v10 =	vld.idx.msk [tilespmem:v23+s8+$0x0], $0xffff;
	[tilespmem:$0x1F9C0] =	vst v13;
	v13 =	vor.u32 $0x18, v14  }
0x215: {  	[tilespmem:$0x1F9D0] =	vst v13  }
0x216: {  	v13 =	vor.u32 $0x38, v14;
	[tilespmem:v52+s13+$0x0] =	vst.idx.msk $0xffff, v18  }
0x217: {  	v27 =	vor.u32 $0xD, v4;
	v18 =	vld.idx.msk [tilespmem:v21+s8+$0x0], $0xffff;
	[tilespmem:$0x1F9E0] =	vst v13;
	v13 =	vor.u32 $0x19, v14  }
0x218: {  	v24 =	vor.u32 $0x4, v53;
	[tilespmem:$0x1F9F0] =	vst v13  }
0x219: {  	v13 =	vor.u32 $0x39, v14;
	[tilespmem:v19+s13+$0x0] =	vst.idx.msk $0xffff, v11  }
0x21a: {  	v40 =	vor.u32 $0x36, v1;
	v20 =	vor.u32 $0xD, v60;
	v11 =	vld.idx.msk [tilespmem:v41+s8+$0x0], $0xffff;
	[tilespmem:$0x1FA00] =	vst v13;
	v13 =	vor.u32 $0x1A, v14  }
0x21b: {  	[tilespmem:$0x1FA10] =	vst v13  }
0x21c: {  	v13 =	vor.u32 $0x1B, v14;
	[tilespmem:v27+s13+$0x0] =	vst.idx.msk $0xffff, v7  }
0x21d: {  	v7 =	vld.idx.msk [tilespmem:v24+s8+$0x0], $0xffff;
	[tilespmem:$0x1FA20] =	vst v13;
	v13 =	vor.u32 $0x3B, v14  }
0x21e: {  	[tilespmem:$0x1FA30] =	vst v13  }
0x21f: {  	v13 =	vor.u32 $0x1C, v14;
	[tilespmem:v40+s13+$0x0] =	vst.idx.msk $0xffff, v15;
	v15 =	vld.idx.msk [tilespmem:v20+s8+$0x0], $0xffff  }
0x220: {  	[tilespmem:$0x1FA40] =	vst v13;
	v13 =	vld [tilespmem:$0x1FA50];
	_ =	sdelay $0x1  }
0x221: {  	v21 =	vor.u32 $0x4, v54;
	_ =	sdelay $0x3  }
0x222: {  	v23 =	vor.u32 $0x17, v49  }
0x223: {  	[tilespmem:v21+s13+$0x0] =	vst.idx.msk $0xffff, v10  }
0x224: {  	v43 =	vor.u32 $0x2D, v14;
	v19 =	vor.u32 $0x4, v42;
	[tilespmem:v13+s13+$0x0] =	vst.idx.msk $0xffff, v2  }
0x225: {  	v22 =	vor.u32 $0xE, v17;
	v10 =	vld [tilespmem:$0x1FA60]  }
0x226: {  	v20 =	vor.u32 $0x4, v9  }
0x227: {  	v24 =	vor.u32 $0x2D, v4;
	v2 =	vld.idx.msk [tilespmem:v23+s8+$0x0], $0xffff;
	v23 =	vor.u32 $0x4, v62  }
0x228: {  	v50 =	vmov v56  }
0x229: {  	v27 =	vor.u32 $0x17, v1;
	v21 =	vor.u32 $0xE, v50;
	[tilespmem:v43+s13+$0x0] =	vst.idx.msk $0xffff, v18;
	v18 =	vld.idx.msk [tilespmem:v19+s8+$0x0], $0xffff  }
0x22a: {  	[tilespmem:v6+s13+$0x0] =	vst.idx.msk $0xffff, v11;
	v11 =	vld.idx.msk [tilespmem:v22+s8+$0x0], $0xffff  }
0x22b: {  	[tilespmem:v20+s13+$0x0] =	vst.idx.msk $0xffff, v7;
	v20 =	vld.idx.msk [tilespmem:v37+s8+$0x0], $0xffff  }
0x22c: {  	[tilespmem:v24+s13+$0x0] =	vst.idx.msk $0xffff, v15;
	v6 =	vor.u32 $0x9, v33;
	v15 =	vld.idx.msk [tilespmem:v23+s8+$0x0], $0xffff  }
0x22d: {  	v10 =	vld.idx.msk [tilespmem:v10+s8+$0x0], $0xffff;
	[tilespmem:$0x1FA70] =	vst v6  }
0x22e: {  	v6 =	vor.u32 $0xA, v33;
	[tilespmem:v27+s13+$0x0] =	vst.idx.msk $0xffff, v2;
	v2 =	vld.idx.msk [tilespmem:v21+s8+$0x0], $0xffff  }
0x22f: {  	[tilespmem:$0x1FA80] =	vst v6;
	v6 =	vld [tilespmem:$0x1FA90];
	_ =	sdelay $0x3  }
0x230: {  	v19 =	vor.u32 $0x17, v47  }
0x231: {  	v22 =	vor.u32 $0x24, v54;
	_ =	sdelay $0x2  }
0x232: {  	[tilespmem:v6+s13+$0x0] =	vst.idx.msk $0xffff, v10;
	v6 =	vor.u32 $0xB, v33  }
0x233: {  	v10 =	vld.idx.msk [tilespmem:v19+s8+$0x0], $0xffff;
	[tilespmem:$0x1FAA0] =	vst v6  }
0x234: {  	[tilespmem:v22+s13+$0x0] =	vst.idx.msk $0xffff, v18  }
0x235: {  	v6 =	vld [tilespmem:$0x1FAB0];
	_ =	sdelay $0x4  }
0x236: {  	v39 =	vor.u32 $0xE, v14  }
0x237: {  	v44 =	vor.u32 $0x5, v33;
	_ =	sdelay $0x1  }
0x238: {  	v18 =	vld.idx.msk [tilespmem:v6+s8+$0x0], $0xffff;
	v6 =	vor.u32 $0xC, v33  }
0x239: {  	v58 =	vor.u32 $0xE, v16;
	[tilespmem:$0x1FAC0] =	vst v6  }
0x23a: {  	v6 =	vor.u32 $0xD, v33;
	[tilespmem:v39+s13+$0x0] =	vst.idx.msk $0xffff, v11  }
0x23b: {  	v23 =	vor.u32 $0x24, v9;
	v11 =	vld.idx.msk [tilespmem:v44+s8+$0x0], $0xffff;
	[tilespmem:$0x1FAD0] =	vst v6;
	v6 =	vor.u32 $0xE, v33  }
0x23c: {  	[tilespmem:$0x1FAE0] =	vst v6  }
0x23d: {  	v6 =	vor.u32 $0xF, v33;
	[tilespmem:v28+s13+$0x0] =	vst.idx.msk $0xffff, v20  }
0x23e: {  	v20 =	vld.idx.msk [tilespmem:v58+s8+$0x0], $0xffff;
	[tilespmem:$0x1FAF0] =	vst v6;
	v6 =	vor.u32 $0x10, v33  }
0x23f: {  	v24 =	vor.u32 $0xE, v4;
	[tilespmem:$0x1FB00] =	vst v6  }
0x240: {  	v19 =	vor.u32 $0x5, v53;
	v6 =	vor.u32 $0x12, v33;
	[tilespmem:v23+s13+$0x0] =	vst.idx.msk $0xffff, v15  }
0x241: {  	v15 =	vld.idx.msk [tilespmem:v35+s8+$0x0], $0xffff;
	[tilespmem:$0x1FB10] =	vst v6;
	v6 =	vor.u32 $0x13, v33  }
0x242: {  	[tilespmem:$0x1FB20] =	vst v6;
	v6 =	vor.u32 $0x14, v33  }
0x243: {  	v27 =	vor.u32 $0x37, v1;
	v22 =	vor.u32 $0xE, v60;
	[tilespmem:$0x1FB30] =	vst v6  }
0x244: {  	v6 =	vor.u32 $0x15, v33;
	[tilespmem:v24+s13+$0x0] =	vst.idx.msk $0xffff, v2  }
0x245: {  	v2 =	vld.idx.msk [tilespmem:v19+s8+$0x0], $0xffff;
	[tilespmem:$0x1FB40] =	vst v6;
	v6 =	vor.u32 $0x16, v33  }
0x246: {  	[tilespmem:$0x1FB50] =	vst v6;
	v6 =	vor.u32 $0x17, v33  }
0x247: {  	[tilespmem:$0x1FB60] =	vst v6  }
0x248: {  	v6 =	vor.u32 $0x18, v33;
	[tilespmem:v27+s13+$0x0] =	vst.idx.msk $0xffff, v10;
	v10 =	vld.idx.msk [tilespmem:v22+s8+$0x0], $0xffff  }
0x249: {  	[tilespmem:$0x1FB70] =	vst v6;
	v6 =	vld [tilespmem:$0x1FB80];
	_ =	sdelay $0x1  }
0x24a: {  	v34 =	vor.u32 $0x5, v54;
	_ =	sdelay $0x4  }
0x24b: {  	[tilespmem:v34+s13+$0x0] =	vst.idx.msk $0xffff, v11  }
0x24c: {  	[tilespmem:v6+s13+$0x0] =	vst.idx.msk $0xffff, v18  }
0x24d: {  	v6 =	vld [tilespmem:$0x1FB90];
	_ =	sdelay $0x3  }
0x24e: {  	v37 =	vor.u32 $0x18, v49  }
0x24f: {  	v57 =	vor.u32 $0x2E, v14  }
0x250: {  	v21 =	vor.u32 $0x5, v42  }
0x251: {  	v26 =	vor.u32 $0xF, v17;
	v19 =	vor.u32 $0x5, v9  }
0x252: {  	v23 =	vor.u32 $0x2E, v4;
	v11 =	vld.idx.msk [tilespmem:v6+s8+$0x0], $0xffff;
	v6 =	vor.u32 $0x1B, v33  }
0x253: {  	v22 =	vor.u32 $0x5, v62;
	v18 =	vld.idx.msk [tilespmem:v37+s8+$0x0], $0xffff;
	[tilespmem:$0x1FBA0] =	vst v6  }
0x254: {  	[tilespmem:v57+s13+$0x0] =	vst.idx.msk $0xffff, v20  }
0x255: {  	v20 =	vld.idx.msk [tilespmem:v21+s8+$0x0], $0xffff;
	[tilespmem:v30+s13+$0x0] =	vst.idx.msk $0xffff, v15  }
0x256: {  	v27 =	vor.u32 $0x18, v1;
	[tilespmem:v19+s13+$0x0] =	vst.idx.msk $0xffff, v2;
	v15 =	vld.idx.msk [tilespmem:v26+s8+$0x0], $0xffff  }
0x257: {  	v24 =	vor.u32 $0xF, v50;
	[tilespmem:v23+s13+$0x0] =	vst.idx.msk $0xffff, v10;
	v2 =	vld.idx.msk [tilespmem:v3+s8+$0x0], $0xffff;
	v3 =	vor.u32 $0x8, v42  }
0x258: {  	v10 =	vld.idx.msk [tilespmem:v22+s8+$0x0], $0xffff;
	[tilespmem:$0x1FBB0] =	vst v3;
	v3 =	vor.u32 $0x9, v42  }
0x259: {  	[tilespmem:$0x1FBC0] =	vst v3;
	v3 =	vor.u32 $0xA, v42  }
0x25a: {  	[tilespmem:$0x1FBD0] =	vst v3  }
0x25b: {  	v3 =	vor.u32 $0xB, v42;
	[tilespmem:v27+s13+$0x0] =	vst.idx.msk $0xffff, v18  }
0x25c: {  	v18 =	vld.idx.msk [tilespmem:v24+s8+$0x0], $0xffff;
	[tilespmem:$0x1FBE0] =	vst v3;
	v3 =	vor.u32 $0xC, v42  }
0x25d: {  	[tilespmem:$0x1FBF0] =	vst v3;
	v3 =	vld [tilespmem:$0x1FC00];
	_ =	sdelay $0x3  }
0x25e: {  	v21 =	vor.u32 $0x18, v47  }
0x25f: {  	v26 =	vor.u32 $0x25, v54;
	_ =	sdelay $0x2  }
0x260: {  	[tilespmem:v3+s13+$0x0] =	vst.idx.msk $0xffff, v11;
	v3 =	vor.u32 $0xD, v42  }
0x261: {  	v11 =	vld.idx.msk [tilespmem:v21+s8+$0x0], $0xffff;
	[tilespmem:$0x1FC10] =	vst v3  }
0x262: {  	[tilespmem:v26+s13+$0x0] =	vst.idx.msk $0xffff, v20  }
0x263: {  	v3 =	vld [tilespmem:$0x1FC20];
	_ =	sdelay $0x2  }
0x264: {  	v46 =	vor.u32 $0x11, v17;
	v29 =	vor.u32 $0x10, v17  }
0x265: {  	v63 =	vor.u32 $0x1F, v17;
	v17 =	vor.u32 $0xF, v16;
	v25 =	vor.u32 $0x11, v16  }
0x266: {  	v8 =	vor.u32 $0x10, v16;
	v61 =	vor.u32 $0x1F, v16;
	v16 =	vor.u32 $0xF, v14  }
0x267: {  	v41 =	vor.u32 $0x6, v33;
	_ =	sdelay $0x1  }
0x268: {  	v20 =	vld.idx.msk [tilespmem:v3+s8+$0x0], $0xffff;
	v3 =	vor.u32 $0xE, v42  }
0x269: {  	[tilespmem:$0x1FC30] =	vst v3  }
0x26a: {  	v3 =	vor.u32 $0xF, v42;
	[tilespmem:v16+s13+$0x0] =	vst.idx.msk $0xffff, v15  }
0x26b: {  	v15 =	vld.idx.msk [tilespmem:v41+s8+$0x0], $0xffff;
	[tilespmem:$0x1FC40] =	vst v3;
	v3 =	vor.u32 $0x10, v42  }
0x26c: {  	v22 =	vor.u32 $0x25, v9;
	[tilespmem:$0x1FC50] =	vst v3  }
0x26d: {  	v3 =	vor.u32 $0x11, v42;
	[tilespmem:v12+s13+$0x0] =	vst.idx.msk $0xffff, v2  }
0x26e: {  	v2 =	vld.idx.msk [tilespmem:v17+s8+$0x0], $0xffff;
	[tilespmem:$0x1FC60] =	vst v3;
	v3 =	vor.u32 $0x12, v42  }
0x26f: {  	[tilespmem:$0x1FC70] =	vst v3;
	v3 =	vor.u32 $0x13, v42  }
0x270: {  	[tilespmem:$0x1FC80] =	vst v3  }
0x271: {  	[tilespmem:v22+s13+$0x0] =	vst.idx.msk $0xffff, v10  }
0x272: {  	v3 =	vld [tilespmem:$0x1FC90];
	_ =	sdelay $0x6  }
0x273: {  	v23 =	vor.u32 $0xF, v4  }
0x274: {  	v21 =	vor.u32 $0x6, v53;
	v10 =	vld.idx.msk [tilespmem:v3+s8+$0x0], $0xffff;
	v3 =	vor.u32 $0x14, v42  }
0x275: {  	[tilespmem:$0x1FCA0] =	vst v3;
	v3 =	vor.u32 $0x15, v42  }
0x276: {  	v24 =	vor.u32 $0xF, v60;
	v26 =	vor.u32 $0x38, v1;
	[tilespmem:$0x1FCB0] =	vst v3;
	v3 =	vor.u32 $0x16, v42  }
0x277: {  	[tilespmem:$0x1FCC0] =	vst v3  }
0x278: {  	v3 =	vor.u32 $0x17, v42;
	[tilespmem:v23+s13+$0x0] =	vst.idx.msk $0xffff, v18  }
0x279: {  	v17 =	vld.idx.msk [tilespmem:v21+s8+$0x0], $0xffff;
	[tilespmem:$0x1FCD0] =	vst v3;
	v3 =	vor.u32 $0x18, v42  }
0x27a: {  	[tilespmem:$0x1FCE0] =	vst v3  }
0x27b: {  	v3 =	vor.u32 $0x1B, v42;
	[tilespmem:v26+s13+$0x0] =	vst.idx.msk $0xffff, v11;
	v11 =	vld.idx.msk [tilespmem:v24+s8+$0x0], $0xffff  }
0x27c: {  	[tilespmem:$0x1FCF0] =	vst v3;
	v3 =	vld [tilespmem:$0x1FD00];
	_ =	sdelay $0x2  }
0x27d: {  	v39 =	vmov v49  }
0x27e: {  	v16 =	vor.u32 $0x19, v39  }
0x27f: {  	v19 =	vor.u32 $0x6, v54;
	_ =	sdelay $0x2  }
0x280: {  	[tilespmem:v3+s13+$0x0] =	vst.idx.msk $0xffff, v20;
	v3 =	vor.u32 $0x1C, v42  }
0x281: {  	v16 =	vld.idx.msk [tilespmem:v16+s8+$0x0], $0xffff;
	[tilespmem:$0x1FD10] =	vst v3  }
0x282: {  	[tilespmem:v19+s13+$0x0] =	vst.idx.msk $0xffff, v15  }
0x283: {  	v3 =	vld [tilespmem:$0x1FD20]  }
0x284: {  	v48 =	vor.u32 $0x2F, v14;
	_ =	sdelay $0x1  }
0x285: {  	v18 =	vor.u32 $0x6, v9;
	_ =	sdelay $0x2  }
0x286: {  	[tilespmem:v48+s13+$0x0] =	vst.idx.msk $0xffff, v2  }
0x287: {  	[tilespmem:v31+s13+$0x0] =	vst.idx.msk $0xffff, v10  }
0x288: {  	[tilespmem:v18+s13+$0x0] =	vst.idx.msk $0xffff, v17;
	v15 =	vld.idx.msk [tilespmem:v3+s8+$0x0], $0xffff  }
0x289: {  	v3 =	vld [tilespmem:$0x1FD30];
	_ =	sdelay $0x1  }
0x28a: {  	v28 =	vor.u32 $0x6, v42;
	_ =	sdelay $0x4  }
0x28b: {  	v21 =	vor.u32 $0x2F, v4;
	v2 =	vld.idx.msk [tilespmem:v28+s8+$0x0], $0xffff  }
0x28c: {  	v20 =	vor.u32 $0x6, v62;
	v17 =	vld.idx.msk [tilespmem:v3+s8+$0x0], $0xffff;
	v3 =	vor.u32 $0x8, v54  }
0x28d: {  	v10 =	vld.idx.msk [tilespmem:v29+s8+$0x0], $0xffff;
	[tilespmem:$0x1FD40] =	vst v3;
	v3 =	vor.u32 $0x28, v54  }
0x28e: {  	[tilespmem:$0x1FD50] =	vst v3;
	v3 =	vor.u32 $0x9, v54  }
0x28f: {  	v22 =	vor.u32 $0x19, v1;
	[tilespmem:$0x1FD60] =	vst v3  }
0x290: {  	v19 =	vor.u32 $0x10, v50;
	v3 =	vor.u32 $0x29, v54;
	[tilespmem:v21+s13+$0x0] =	vst.idx.msk $0xffff, v11  }
0x291: {  	v11 =	vld.idx.msk [tilespmem:v20+s8+$0x0], $0xffff;
	[tilespmem:$0x1FD70] =	vst v3;
	v3 =	vor.u32 $0xA, v54  }
0x292: {  	[tilespmem:$0x1FD80] =	vst v3;
	v3 =	vor.u32 $0x2A, v54  }
0x293: {  	[tilespmem:$0x1FD90] =	vst v3  }
0x294: {  	v3 =	vor.u32 $0xB, v54;
	[tilespmem:v22+s13+$0x0] =	vst.idx.msk $0xffff, v16  }
0x295: {  	v16 =	vld.idx.msk [tilespmem:v19+s8+$0x0], $0xffff;
	[tilespmem:$0x1FDA0] =	vst v3;
	v3 =	vor.u32 $0x2B, v54  }
0x296: {  	[tilespmem:$0x1FDB0] =	vst v3;
	v3 =	vld [tilespmem:$0x1FDC0];
	_ =	sdelay $0x3  }
0x297: {  	v23 =	vor.u32 $0x19, v47  }
0x298: {  	v24 =	vor.u32 $0x26, v54;
	_ =	sdelay $0x2  }
0x299: {  	[tilespmem:v3+s13+$0x0] =	vst.idx.msk $0xffff, v15;
	v3 =	vor.u32 $0xC, v54  }
0x29a: {  	v15 =	vld.idx.msk [tilespmem:v23+s8+$0x0], $0xffff;
	[tilespmem:$0x1FDD0] =	vst v3  }
0x29b: {  	[tilespmem:v24+s13+$0x0] =	vst.idx.msk $0xffff, v2  }
0x29c: {  	v2 =	vld [tilespmem:$0x1FDE0];
	_ =	sdelay $0x1  }
0x29d: {  	v55 =	vor.u32 $0x3D, v14;
	v0 =	vor.u32 $0x10, v14;
	v51 =	vor.u32 $0x30, v14  }
0x29e: {  	v59 =	vor.u32 $0x3C, v14;
	v5 =	vor.u32 $0x11, v14;
	v32 =	vor.u32 $0x3A, v14  }
0x29f: {  	v38 =	vor.u32 $0x1F, v14;
	v56 =	vor.u32 $0x1D, v14;
	v52 =	vor.u32 $0x1E, v14  }
0x2a0: {  	v40 =	vor.u32 $0x3F, v14;
	v43 =	vor.u32 $0x3E, v14;
	v14 =	vor.u32 $0x7, v33;
	_ =	sdelay $0x1  }
0x2a1: {  	v3 =	vor.u32 $0x2C, v54  }
0x2a2: {  	v2 =	vld.idx.msk [tilespmem:v2+s8+$0x0], $0xffff;
	[tilespmem:$0x1FDF0] =	vst v3  }
0x2a3: {  	v3 =	vor.u32 $0xD, v54;
	[tilespmem:v0+s13+$0x0] =	vst.idx.msk $0xffff, v10  }
0x2a4: {  	v0 =	vld.idx.msk [tilespmem:v14+s8+$0x0], $0xffff;
	[tilespmem:$0x1FE00] =	vst v3;
	v3 =	vor.u32 $0x2D, v54  }
0x2a5: {  	v18 =	vor.u32 $0x26, v9;
	[tilespmem:$0x1FE10] =	vst v3  }
0x2a6: {  	v3 =	vor.u32 $0xE, v54;
	[tilespmem:v36+s13+$0x0] =	vst.idx.msk $0xffff, v17  }
0x2a7: {  	v8 =	vld.idx.msk [tilespmem:v8+s8+$0x0], $0xffff;
	[tilespmem:$0x1FE20] =	vst v3;
	v3 =	vor.u32 $0x2E, v54  }
0x2a8: {  	[tilespmem:$0x1FE30] =	vst v3;
	v3 =	vor.u32 $0xF, v54  }
0x2a9: {  	[tilespmem:$0x1FE40] =	vst v3  }
0x2aa: {  	[tilespmem:v18+s13+$0x0] =	vst.idx.msk $0xffff, v11  }
0x2ab: {  	v3 =	vld [tilespmem:$0x1FE50];
	_ =	sdelay $0x6  }
0x2ac: {  	v20 =	vor.u32 $0x10, v4  }
0x2ad: {  	v19 =	vor.u32 $0x7, v53;
	v11 =	vld.idx.msk [tilespmem:v3+s8+$0x0], $0xffff;
	v3 =	vor.u32 $0x2F, v54  }
0x2ae: {  	[tilespmem:$0x1FE60] =	vst v3;
	v3 =	vor.u32 $0x10, v54  }
0x2af: {  	v22 =	vor.u32 $0x39, v1;
	[tilespmem:$0x1FE70] =	vst v3;
	v3 =	vor.u32 $0x30, v54  }
0x2b0: {  	v21 =	vor.u32 $0x10, v60;
	[tilespmem:$0x1FE80] =	vst v3  }
0x2b1: {  	v3 =	vor.u32 $0x31, v54;
	[tilespmem:v20+s13+$0x0] =	vst.idx.msk $0xffff, v16  }
0x2b2: {  	v14 =	vld.idx.msk [tilespmem:v19+s8+$0x0], $0xffff;
	[tilespmem:$0x1FE90] =	vst v3;
	v3 =	vor.u32 $0x12, v54  }
0x2b3: {  	[tilespmem:$0x1FEA0] =	vst v3  }
0x2b4: {  	v3 =	vor.u32 $0x32, v54;
	[tilespmem:v22+s13+$0x0] =	vst.idx.msk $0xffff, v15  }
0x2b5: {  	v15 =	vld.idx.msk [tilespmem:v21+s8+$0x0], $0xffff;
	[tilespmem:$0x1FEB0] =	vst v3;
	v3 =	vor.u32 $0x13, v54  }
0x2b6: {  	[tilespmem:$0x1FEC0] =	vst v3;
	v3 =	vld [tilespmem:$0x1FED0];
	_ =	sdelay $0x3  }
0x2b7: {  	v10 =	vor.u32 $0x1A, v39  }
0x2b8: {  	v26 =	vor.u32 $0x7, v54;
	_ =	sdelay $0x2  }
0x2b9: {  	[tilespmem:v3+s13+$0x0] =	vst.idx.msk $0xffff, v2;
	v3 =	vor.u32 $0x33, v54  }
0x2ba: {  	v2 =	vld.idx.msk [tilespmem:v10+s8+$0x0], $0xffff;
	[tilespmem:$0x1FEE0] =	vst v3  }
0x2bb: {  	[tilespmem:v26+s13+$0x0] =	vst.idx.msk $0xffff, v0  }
0x2bc: {  	v0 =	vld [tilespmem:$0x1FEF0];
	_ =	sdelay $0x5  }
0x2bd: {  	v30 =	vor.u32 $0x7, v42;
	_ =	sdelay $0x1  }
0x2be: {  	v18 =	vld.idx.msk [tilespmem:v0+s8+$0x0], $0xffff;
	v0 =	vor.u32 $0x14, v54  }
0x2bf: {  	[tilespmem:$0x1FF00] =	vst v0  }
0x2c0: {  	v3 =	vor.u32 $0x34, v54;
	[tilespmem:v51+s13+$0x0] =	vst.idx.msk $0xffff, v8  }
0x2c1: {  	v8 =	vld.idx.msk [tilespmem:v30+s8+$0x0], $0xffff;
	[tilespmem:$0x1FF10] =	vst v3;
	v3 =	vor.u32 $0x15, v54  }
0x2c2: {  	[tilespmem:$0x1FF20] =	vst v3;
	v3 =	vld [tilespmem:$0x1FF30];
	_ =	sdelay $0x6  }
0x2c3: {  	v16 =	vor.u32 $0x7, v9  }
0x2c4: {  	[tilespmem:v3+s13+$0x0] =	vst.idx.msk $0xffff, v11;
	v3 =	vor.u32 $0x35, v54  }
0x2c5: {  	v11 =	vld.idx.msk [tilespmem:v46+s8+$0x0], $0xffff;
	[tilespmem:$0x1FF40] =	vst v3;
	v3 =	vor.u32 $0x16, v54  }
0x2c6: {  	[tilespmem:$0x1FF50] =	vst v3;
	v3 =	vor.u32 $0x36, v54  }
0x2c7: {  	[tilespmem:$0x1FF60] =	vst v3  }
0x2c8: {  	[tilespmem:v16+s13+$0x0] =	vst.idx.msk $0xffff, v14  }
0x2c9: {  	v3 =	vld [tilespmem:$0x1FF70];
	_ =	sdelay $0x6  }
0x2ca: {  	v17 =	vor.u32 $0x30, v4  }
0x2cb: {  	v19 =	vor.u32 $0x1A, v1;
	v14 =	vld.idx.msk [tilespmem:v3+s8+$0x0], $0xffff;
	v3 =	vor.u32 $0x17, v54  }
0x2cc: {  	[tilespmem:$0x1FF80] =	vst v3;
	v3 =	vor.u32 $0x37, v54  }
0x2cd: {  	[tilespmem:$0x1FF90] =	vst v3;
	v3 =	vor.u32 $0x18, v54  }
0x2ce: {  	[tilespmem:$0x1FFA0] =	vst v3  }
0x2cf: {  	[tilespmem:v17+s13+$0x0] =	vst.idx.msk $0xffff, v15  }
0x2d0: {  	[tilespmem:v19+s13+$0x0] =	vst.idx.msk $0xffff, v2  }
0x2d1: {  	v2 =	vld [tilespmem:$0x1FFB0];
	_ =	sdelay $0x1  }
0x2d2: {  	v10 =	vor.u32 $0x7, v62  }
0x2d3: {  	v0 =	vor.u32 $0x11, v50  }
0x2d4: {  	v21 =	vor.u32 $0x1A, v47  }
0x2d5: {  	v27 =	vor.u32 $0x27, v54;
	_ =	sdelay $0x1  }
0x2d6: {  	v10 =	vld.idx.msk [tilespmem:v10+s8+$0x0], $0xffff  }
0x2d7: {  	v0 =	vld.idx.msk [tilespmem:v0+s8+$0x0], $0xffff;
	[tilespmem:v2+s13+$0x0] =	vst.idx.msk $0xffff, v18;
	v2 =	vor.u32 $0x1B, v54  }
0x2d8: {  	v24 =	vld.idx.msk [tilespmem:v21+s8+$0x0], $0xffff;
	[tilespmem:$0x1FFC0] =	vst v2  }
0x2d9: {  	[tilespmem:v27+s13+$0x0] =	vst.idx.msk $0xffff, v8  }
0x2da: {  	v2 =	vld [tilespmem:$0x1FFD0];
	_ =	sdelay $0x7  }
0x2db: {  	[tilespmem:v5+s13+$0x0] =	vst.idx.msk $0xffff, v11;
	v26 =	vld.idx.msk [tilespmem:v2+s8+$0x0], $0xffff  }
0x2dc: {  	v2 =	vld [tilespmem:$0x1FFE0];
	_ =	sdelay $0x1  }
0x2dd: {  	v15 =	vor.u32 $0x27, v9;
	_ =	sdelay $0x4  }
0x2de: {  	v13 =	vor.u32 $0x1A, v33;
	v7 =	vor.u32 $0x8, v33;
	v44 =	vor.u32 $0x11, v33;
	[tilespmem:v15+s13+$0x0] =	vst.idx.msk $0xffff, v10  }
0x2df: {  	v49 =	vor.u32 $0x19, v33;
	v58 =	vor.u32 $0x1C, v33;
	v35 =	vor.u32 $0x1D, v33;
	[tilespmem:v2+s13+$0x0] =	vst.idx.msk $0xffff, v14  }
0x2e0: {  	v34 =	vor.u32 $0x1E, v33;
	v37 =	vor.u32 $0x1E, v42;
	v33 =	vor.u32 $0x1F, v33;
	v3 =	vld [tilespmem:$0x1FFF0]  }
0x2e1: {  	v57 =	vor.u32 $0x1D, v42;
	v41 =	vor.u32 $0x19, v42;
	v12 =	vor.u32 $0x1A, v42  }
0x2e2: {  	v42 =	vor.u32 $0x1F, v42;
	v31 =	vor.u32 $0x38, v54;
	v48 =	vor.u32 $0x3B, v54  }
0x2e3: {  	v28 =	vor.u32 $0x1C, v54;
	v29 =	vor.u32 $0x11, v54;
	v23 =	vor.u32 $0x1B, v39  }
0x2e4: {  	v36 =	vor.u32 $0x1F, v54;
	v20 =	vor.u32 $0x39, v54;
	v22 =	vor.u32 $0x3C, v54  }
0x2e5: {  	v30 =	vor.u32 $0x19, v54;
	v46 =	vor.u32 $0x3A, v54;
	v16 =	vor.u32 $0x3E, v54  }
0x2e6: {  	v17 =	vor.u32 $0x1A, v54;
	v19 =	vor.u32 $0x3D, v54;
	v21 =	vor.u32 $0x1D, v54;
	v11 =	vld.idx.msk [tilespmem:v7+s8+$0x0], $0xffff  }
0x2e7: {  	v18 =	vor.u32 $0x1E, v54;
	v54 =	vor.u32 $0x3F, v54;
	v27 =	vor.u32 $0x3A, v1;
	v7 =	vld.idx.msk [tilespmem:v25+s8+$0x0], $0xffff  }
0x2e8: {  	s17 =	simm.s32 $0x90;
	s16 =	simm.s32 $0x6;
	v10 =	vor.u32 $0x11, v60;
	v14 =	vor.u32 $0x8, v53;
	v2 =	vor.u32 $0x11, v4;
	v25 =	vld.idx.msk [tilespmem:v3+s8+$0x0], $0xffff  }
.LBB2_4:
0x2e9: {  	_ =	sdelay $0x3  }
0x2ea: {  	[tilespmem:$0x1F500] =	vst v16;
	v16 =	vld.idx.msk [tilespmem:v14+s8+$0x0], $0xffff  }
0x2eb: {  	[tilespmem:v2+s13+$0x0] =	vst.idx.msk $0xffff, v0;
	v0 =	vld [tilespmem:$0x1F5D0];
	_ =	sdelay $0x2  }
0x2ec: {  	v3 =	vld [tilespmem:$0x1F730];
	_ =	sdelay $0x4  }
0x2ed: {  	[tilespmem:v0+s13+$0x0] =	vst.idx.msk $0xffff, v26;
	v0 =	vmov v3;
	v3 =	vld [tilespmem:$0x1FD40];
	_ =	sdelay $0x7  }
0x2ee: {  	[tilespmem:v3+s13+$0x0] =	vst.idx.msk $0xffff, v11;
	v3 =	vld [tilespmem:$0x1F5E0];
	_ =	sdelay $0x6  }
0x2ef: {  	v10 =	vld.idx.msk [tilespmem:v10+s8+$0x0], $0xffff  }
0x2f0: {  	[tilespmem:v27+s13+$0x0] =	vst.idx.msk $0xffff, v24;
	v27 =	vld.idx.msk [tilespmem:v3+s8+$0x0], $0xffff;
	v3 =	vmov v38  }
0x2f1: {  	[tilespmem:$0x1F730] =	vst v3;
	v3 =	vld [tilespmem:$0x1FBB0];
	_ =	sdelay $0x7  }
0x2f2: {  	[tilespmem:$0x1F200] =	vst v28;
	v28 =	vld.idx.msk [tilespmem:v3+s8+$0x0], $0xffff  }
0x2f3: {  	v3 =	vld [tilespmem:$0x1F8F0];
	_ =	sdelay $0x2  }
0x2f4: {  	v6 =	vld [tilespmem:$0x1FE90];
	_ =	sdelay $0x3  }
0x2f5: {  	[tilespmem:$0x1F2D0] =	vst v21;
	v15 =	vor.u32 s17, v45  }
0x2f6: {  	v21 =	vshll.u32 v15, $0x7;
	[tilespmem:v3+s13+$0x0] =	vst.idx.msk $0xffff, v7;
	v3 =	vmov v6  }
0x2f7: {  	[tilespmem:$0x1F8F0] =	vst v3;
	v3 =	vor.u32 $0x3, v21  }
0x2f8: {  	[tilespmem:$0x1F110] =	vst v3;
	v3 =	vor.u32 $0x23, v21  }
0x2f9: {  	[tilespmem:$0x1F120] =	vst v3;
	v3 =	vld [tilespmem:$0x1F6A0];
	_ =	sdelay $0x6  }
0x2fa: {  	[tilespmem:$0x1F4B0] =	vst v20  }
0x2fb: {  	v20 =	vld.idx.msk [tilespmem:v15+s11+$0x0], $0xffff;
	[tilespmem:v3+s13+$0x0] =	vst.idx.msk $0xffff, v25;
	v3 =	vmov v36  }
0x2fc: {  	[tilespmem:$0x1F1F0] =	vst v3;
	v3 =	vor.u32 $0x7, v21  }
0x2fd: {  	[tilespmem:$0x1F440] =	vst v3;
	v3 =	vor.u32 $0x27, v21  }
0x2fe: {  	[tilespmem:$0x1F510] =	vst v3;
	v3 =	vld [tilespmem:$0x1F690];
	_ =	sdelay $0x4  }
0x2ff: {  	v6 =	vmov v3;
	v3 =	vor.u32 $0x8, v21  }
0x300: {  	[tilespmem:$0x1FD40] =	vst v3;
	v3 =	vld [tilespmem:$0x1F5F0];
	_ =	sdelay $0x7  }
0x301: {  	[tilespmem:v3+s13+$0x0] =	vst.idx.msk $0xffff, v27;
	v3 =	vmov v61  }
0x302: {  	[tilespmem:$0x1F690] =	vst v3;
	v3 =	vld [tilespmem:$0x1FD50];
	_ =	sdelay $0x7  }
0x303: {  	v15 =	vld.idx.msk [tilespmem:v15+s12+$0x0], $0xffff;
	[tilespmem:v3+s13+$0x0] =	vst.idx.msk $0xffff, v28;
	v3 =	vmov v42  }
0x304: {  	[tilespmem:$0x1F250] =	vst v3;
	v3 =	vld [tilespmem:$0x1FA70];
	_ =	sdelay $0x2  }
0x305: {  	[tilespmem:$0x1F4F0] =	vst v43  }
0x306: {  	[tilespmem:$0x1F3E0] =	vst v30  }
0x307: {  	[tilespmem:$0x1F370] =	vst v19  }
0x308: {  	[tilespmem:$0x1F5E0] =	vst v6;
	v6 =	vor.u32 $0x28, v21  }
0x309: {  	[tilespmem:$0x1FD50] =	vst v6;
	v6 =	vld [tilespmem:$0x1F740]  }
0x30a: {  	[tilespmem:$0x1F590] =	vst v17;
	s18 =	sadd.s32 $0xFFFFFFF0, s17;
	v28 =	vld.idx.msk [tilespmem:v3+s8+$0x0], $0xffff;
	v3 =	vmov v40  }
0x30b: {  	v17 =	vor.u32 $0x8, v9;
	v2 =	vor.u32 s18, v45;
	[tilespmem:$0x1F740] =	vst v3;
	v3 =	vld [tilespmem:$0x1F750]  }
0x30c: {  	[tilespmem:$0x1F430] =	vst v18;
	v18 =	vor.u32 $0x8, v62;
	v19 =	vor.u32 $0x31, v4  }
0x30d: {  	[tilespmem:$0x1F540] =	vst v29;
	v8 =	vor.u32 $0x24, v21;
	v11 =	vor.u32 $0x12, v50  }
0x30e: {  	v24 =	vld.idx.msk [tilespmem:v23+s8+$0x0], $0xffff;
	[tilespmem:$0x1F1A0] =	vst v8;
	v8 =	vor.u32 $0x6, v21;
	v26 =	vor.u32 $0x1B, v1  }
0x30f: {  	[tilespmem:$0x1F2E0] =	vst v8  }
0x310: {  	v29 =	vld.idx.msk [tilespmem:v2+s11+$0x0], $0xffff;
	[tilespmem:v17+s13+$0x0] =	vst.idx.msk $0xffff, v16  }
0x311: {  	v8 =	vor.u32 $0x26, v21;
	v16 =	vld.idx.msk [tilespmem:v18+s8+$0x0], $0xffff;
	[tilespmem:v19+s13+$0x0] =	vst.idx.msk $0xffff, v10  }
0x312: {  	[tilespmem:$0x1F380] =	vst v8;
	v11 =	vld.idx.msk [tilespmem:v11+s8+$0x0], $0xffff  }
0x313: {  	[tilespmem:v26+s13+$0x0] =	vst.idx.msk $0xffff, v24;
	v8 =	vshll.u32 v20, $0x7;
	v43 =	vld.idx.msk [tilespmem:v3+s8+$0x0], $0xffff;
	v3 =	vmov v54  }
0x314: {  	[tilespmem:$0x1F3C0] =	vst v3;
	v3 =	vor.u32 $0x4, v8  }
0x315: {  	[tilespmem:$0x1F130] =	vst v3;
	v3 =	vor.u32 $0x5, v8  }
0x316: {  	v7 =	vor.u32 $0x1B, v47;
	[tilespmem:$0x1F1B0] =	vst v3;
	v3 =	vor.u32 $0x6, v8  }
0x317: {  	[tilespmem:$0x1F290] =	vst v3;
	v3 =	vor.u32 $0x7, v8  }
0x318: {  	[tilespmem:$0x1F390] =	vst v3;
	v3 =	vor.u32 $0x8, v8  }
0x319: {  	v10 =	vor.u32 $0x28, v9;
	[tilespmem:$0x1F530] =	vst v3;
	v3 =	vor.u32 $0x9, v8  }
0x31a: {  	v30 =	vmov v32;
	v17 =	vor.u32 $0x9, v53;
	v18 =	vor.u32 $0x12, v4;
	[tilespmem:$0x1FA70] =	vst v3;
	v3 =	vld [tilespmem:$0x1FD60]  }
0x31b: {  	v26 =	vor.u32 $0x12, v60;
	[tilespmem:$0x1F6A0] =	vst v30;
	v30 =	vor.u32 $0x4, v21;
	v24 =	vld.idx.msk [tilespmem:v7+s8+$0x0], $0xffff;
	v27 =	vor.u32 $0x3B, v1  }
0x31c: {  	[tilespmem:$0x1F150] =	vst v30;
	v30 =	vor.u32 $0x1C, v39  }
0x31d: {  	[tilespmem:$0x1F490] =	vst v44  }
0x31e: {  	v44 =	vld.idx.msk [tilespmem:v2+s12+$0x0], $0xffff;
	[tilespmem:v10+s13+$0x0] =	vst.idx.msk $0xffff, v16  }
0x31f: {  	v10 =	vld.idx.msk [tilespmem:v17+s8+$0x0], $0xffff;
	[tilespmem:v18+s13+$0x0] =	vst.idx.msk $0xffff, v11  }
0x320: {  	v19 =	vshll.u32 v29, $0x7;
	v29 =	vld.idx.msk [tilespmem:v26+s8+$0x0], $0xffff;
	[tilespmem:v27+s13+$0x0] =	vst.idx.msk $0xffff, v24  }
0x321: {  	v20 =	vor.u32 $0x9, v21;
	v27 =	vld.idx.msk [tilespmem:v30+s8+$0x0], $0xffff  }
0x322: {  	v30 =	vld.idx.msk [tilespmem:v8+s8+$0x0], $0xffff;
	[tilespmem:v3+s13+$0x0] =	vst.idx.msk $0xffff, v28;
	v3 =	vmov v20  }
0x323: {  	[tilespmem:$0x1FD60] =	vst v3;
	v3 =	vld [tilespmem:$0x1FBC0];
	_ =	sdelay $0x4  }
0x324: {  	v6 =	vmov v6  }
0x325: {  	[tilespmem:$0x1F5F0] =	vst v6;
	v6 =	vld [tilespmem:$0x1FB10];
	_ =	sdelay $0x1  }
0x326: {  	v20 =	vld.idx.msk [tilespmem:v3+s8+$0x0], $0xffff  }
0x327: {  	v3 =	vld [tilespmem:$0x1F900];
	_ =	sdelay $0x1  }
0x328: {  	v6 =	vmov v6  }
0x329: {  	[tilespmem:$0x1F750] =	vst v6;
	v6 =	vld [tilespmem:$0x1FEA0];
	_ =	sdelay $0x4  }
0x32a: {  	v54 =	vshll.u32 v15, $0x7;
	[tilespmem:v3+s13+$0x0] =	vst.idx.msk $0xffff, v43;
	v3 =	vmov v6  }
0x32b: {  	[tilespmem:$0x1F900] =	vst v3;
	v3 =	vor.u32 $0x4, v54  }
0x32c: {  	[tilespmem:$0x1F160] =	vst v3;
	v3 =	vor.u32 $0x5, v54  }
0x32d: {  	[tilespmem:$0x1F220] =	vst v3;
	v3 =	vor.u32 $0x6, v54  }
0x32e: {  	[tilespmem:$0x1F2F0] =	vst v3;
	v3 =	vld [tilespmem:$0x1F820];
	_ =	sdelay $0x2  }
0x32f: {  	v6 =	vld [tilespmem:$0x1FC70];
	_ =	sdelay $0x3  }
0x330: {  	[tilespmem:$0x1F340] =	vst v49  }
0x331: {  	[tilespmem:$0x1F420] =	vst v52;
	v49 =	vld.idx.msk [tilespmem:v3+s8+$0x0], $0xffff;
	v3 =	vmov v6  }
0x332: {  	[tilespmem:$0x1F820] =	vst v3;
	v3 =	vor.u32 $0x7, v54  }
0x333: {  	[tilespmem:$0x1F450] =	vst v3;
	v3 =	vor.u32 $0x8, v54  }
0x334: {  	v52 =	vshll.u32 v2, $0x7;
	v2 =	vld [tilespmem:$0x1FD70];
	[tilespmem:$0x1FBB0] =	vst v3;
	v3 =	vor.u32 $0x9, v54  }
0x335: {  	[tilespmem:$0x1FBC0] =	vst v3;
	v3 =	vld [tilespmem:$0x1FA80];
	_ =	sdelay $0x5  }
0x336: {  	[tilespmem:v21+s13+$0x0] =	vst.idx.msk $0xffff, v30  }
0x337: {  	v42 =	vld.idx.msk [tilespmem:v54+s8+$0x0], $0xffff;
	[tilespmem:v2+s13+$0x0] =	vst.idx.msk $0xffff, v20  }
0x338: {  	[tilespmem:$0x1F310] =	vst v57;
	v57 =	vld.idx.msk [tilespmem:v3+s8+$0x0], $0xffff  }
0x339: {  	v3 =	vld [tilespmem:$0x1F910];
	_ =	sdelay $0x1  }
0x33a: {  	v18 =	vor.u32 $0x9, v9;
	_ =	sdelay $0x2  }
0x33b: {  	[tilespmem:$0x1F4D0] =	vst v13;
	v13 =	vmov v46  }
0x33c: {  	[tilespmem:$0x1F270] =	vst v13;
	v61 =	vld.idx.msk [tilespmem:v19+s8+$0x0], $0xffff  }
0x33d: {  	[tilespmem:v18+s13+$0x0] =	vst.idx.msk $0xffff, v10;
	v10 =	vor.u32 $0xA, v8;
	v6 =	vld [tilespmem:$0x1FEB0]  }
0x33e: {  	[tilespmem:v3+s13+$0x0] =	vst.idx.msk $0xffff, v49;
	v3 =	vmov v10  }
0x33f: {  	v13 =	vor.u32 $0x25, v21;
	v24 =	vor.u32 $0x32, v4;
	v15 =	vor.u32 $0x9, v62;
	[tilespmem:$0x1FA80] =	vst v3;
	v3 =	vld [tilespmem:$0x1F760]  }
0x340: {  	v45 =	vor.u32 $0x1C, v1;
	v28 =	vor.u32 $0x13, v50  }
0x341: {  	v46 =	vor.u32 $0x1C, v47  }
0x342: {  	[tilespmem:$0x1F280] =	vst v13;
	v13 =	vmov v6;
	v6 =	vld [tilespmem:$0x1FB20]  }
0x343: {  	[tilespmem:$0x1F520] =	vst v63  }
0x344: {  	v63 =	vld.idx.msk [tilespmem:v15+s8+$0x0], $0xffff;
	[tilespmem:v24+s13+$0x0] =	vst.idx.msk $0xffff, v29  }
0x345: {  	v38 =	vld.idx.msk [tilespmem:v28+s8+$0x0], $0xffff;
	[tilespmem:v45+s13+$0x0] =	vst.idx.msk $0xffff, v27  }
0x346: {  	v32 =	vld.idx.msk [tilespmem:v46+s8+$0x0], $0xffff  }
0x347: {  	[tilespmem:v52+s13+$0x0] =	vst.idx.msk $0xffff, v61;
	v61 =	vld.idx.msk [tilespmem:v3+s8+$0x0], $0xffff;
	v3 =	vmov v6  }
0x348: {  	[tilespmem:$0x1F760] =	vst v3;
	v3 =	vor.u32 $0xD, v54  }
0x349: {  	[tilespmem:$0x1F140] =	vst v3;
	v3 =	vor.u32 $0x2D, v21  }
0x34a: {  	[tilespmem:$0x1F170] =	vst v3;
	v3 =	vor.u32 $0xE, v8  }
0x34b: {  	[tilespmem:$0x1F180] =	vst v3;
	v3 =	vor.u32 $0xE, v21  }
0x34c: {  	[tilespmem:$0x1F1C0] =	vst v3;
	v3 =	vld [tilespmem:$0x1FD80];
	_ =	sdelay $0x1  }
0x34d: {  	v14 =	vor.u32 $0x20, v21  }
0x34e: {  	[tilespmem:$0x1F330] =	vst v31;
	v31 =	vor.u32 $0x1, v8;
	_ =	sdelay $0x3  }
0x34f: {  	v18 =	vor.u32 $0xA, v21;
	[tilespmem:v14+s13+$0x0] =	vst.idx.msk $0xffff, v42  }
0x350: {  	v31 =	vld.idx.msk [tilespmem:v31+s8+$0x0], $0xffff;
	[tilespmem:v3+s13+$0x0] =	vst.idx.msk $0xffff, v57;
	v3 =	vmov v18  }
0x351: {  	[tilespmem:$0x1FD80] =	vst v3;
	v3 =	vor.u32 $0xE, v54  }
0x352: {  	[tilespmem:$0x1F1E0] =	vst v3;
	v3 =	vor.u32 $0x2E, v21  }
0x353: {  	[tilespmem:$0x1F230] =	vst v3;
	v3 =	vld [tilespmem:$0x1FBD0]  }
0x354: {  	[tilespmem:$0x1F260] =	vst v59  }
0x355: {  	[tilespmem:$0x1F5B0] =	vst v12  }
0x356: {  	[tilespmem:$0x1F1D0] =	vst v58  }
0x357: {  	[tilespmem:$0x1F190] =	vst v48  }
0x358: {  	[tilespmem:$0x1F2B0] =	vst v35  }
0x359: {  	[tilespmem:$0x1F360] =	vst v55  }
0x35a: {  	[tilespmem:$0x1F400] =	vst v41  }
0x35b: {  	[tilespmem:$0x1F3B0] =	vst v34;
	v18 =	vld.idx.msk [tilespmem:v3+s8+$0x0], $0xffff  }
0x35c: {  	[tilespmem:$0x1F470] =	vst v37;
	v3 =	vld [tilespmem:$0x1F920]  }
0x35d: {  	[tilespmem:$0x1F560] =	vst v33;
	v58 =	vshll.u32 v44, $0x7;
	v24 =	vor.u32 $0x29, v9  }
0x35e: {  	v34 =	vor.u32 $0xA, v53;
	v55 =	vor.u32 $0x13, v4;
	[tilespmem:$0x1F5D0] =	vst v0;
	v25 =	vor.u32 $0x5, v21  }
0x35f: {  	v16 =	vor.u32 $0x29, v21;
	[tilespmem:$0x1F210] =	vst v25;
	v25 =	vor.u32 $0x10, v8  }
0x360: {  	[tilespmem:$0x1F320] =	vst v25;
	v2 =	vmov v16  }
0x361: {  	[tilespmem:$0x1FD70] =	vst v2  }
0x362: {  	v49 =	vld.idx.msk [tilespmem:v58+s8+$0x0], $0xffff;
	[tilespmem:v24+s13+$0x0] =	vst.idx.msk $0xffff, v63  }
0x363: {  	v33 =	vor.u32 $0xA, v54;
	v34 =	vld.idx.msk [tilespmem:v34+s8+$0x0], $0xffff;
	[tilespmem:v55+s13+$0x0] =	vst.idx.msk $0xffff, v38  }
0x364: {  	[tilespmem:v3+s13+$0x0] =	vst.idx.msk $0xffff, v61;
	v3 =	vmov v33  }
0x365: {  	v43 =	vor.u32 $0x3C, v1;
	v20 =	vor.u32 $0x13, v60;
	[tilespmem:$0x1FBD0] =	vst v3;
	v3 =	vor.u32 $0xF, v8  }
0x366: {  	v6 =	vld [tilespmem:$0x1FEC0];
	[tilespmem:$0x1F240] =	vst v3;
	v3 =	vor.u32 $0xF, v21  }
0x367: {  	v59 =	vor.u32 $0x1D, v39;
	v63 =	vor.u32 $0x20, v52;
	[tilespmem:$0x1F2A0] =	vst v3;
	v3 =	vor.u32 $0xF, v54  }
0x368: {  	v45 =	vor.u32 $0x1, v19;
	v55 =	vor.u32 $0xA, v9;
	[tilespmem:$0x1F2C0] =	vst v3;
	v3 =	vld [tilespmem:$0x1F830]  }
0x369: {  	[tilespmem:$0x1F910] =	vst v13  }
0x36a: {  	v13 =	vor.u32 $0x10, v21;
	v20 =	vld.idx.msk [tilespmem:v20+s8+$0x0], $0xffff;
	[tilespmem:v43+s13+$0x0] =	vst.idx.msk $0xffff, v32;
	v32 =	vor.u32 $0x33, v4;
	v14 =	vor.u32 $0xA, v62  }
0x36b: {  	[tilespmem:$0x1F3A0] =	vst v13;
	v44 =	vmov v6;
	v6 =	vld [tilespmem:$0x1FC80]  }
0x36c: {  	v35 =	vld.idx.msk [tilespmem:v59+s8+$0x0], $0xffff;
	[tilespmem:v63+s13+$0x0] =	vst.idx.msk $0xffff, v49  }
0x36d: {  	v37 =	vld.idx.msk [tilespmem:v45+s8+$0x0], $0xffff;
	v45 =	vor.u32 $0x2F, v21;
	[tilespmem:v55+s13+$0x0] =	vst.idx.msk $0xffff, v34  }
0x36e: {  	[tilespmem:$0x1F300] =	vst v45  }
0x36f: {  	v14 =	vld.idx.msk [tilespmem:v14+s8+$0x0], $0xffff;
	[tilespmem:v32+s13+$0x0] =	vst.idx.msk $0xffff, v20  }
0x370: {  	[tilespmem:$0x1F920] =	vst v44;
	v63 =	vld.idx.msk [tilespmem:v3+s8+$0x0], $0xffff;
	v3 =	vmov v6  }
0x371: {  	[tilespmem:$0x1F830] =	vst v3;
	v3 =	vor.u32 $0x10, v54  }
0x372: {  	[tilespmem:$0x1F3D0] =	vst v3;
	v3 =	vor.u32 $0x30, v21  }
0x373: {  	[tilespmem:$0x1F460] =	vst v3;
	v3 =	vor.u32 $0x11, v8  }
0x374: {  	[tilespmem:$0x1F4A0] =	vst v3;
	v3 =	vor.u32 $0x11, v54  }
0x375: {  	[tilespmem:$0x1F580] =	vst v3;
	v3 =	vld [tilespmem:$0x1FD90];
	_ =	sdelay $0x1  }
0x376: {  	v0 =	vor.u32 $0x1, v21  }
0x377: {  	v17 =	vor.u32 $0x1, v54;
	_ =	sdelay $0x3  }
0x378: {  	v27 =	vor.u32 $0x2A, v21;
	[tilespmem:v0+s13+$0x0] =	vst.idx.msk $0xffff, v31  }
0x379: {  	v17 =	vld.idx.msk [tilespmem:v17+s8+$0x0], $0xffff;
	[tilespmem:v3+s13+$0x0] =	vst.idx.msk $0xffff, v18;
	v3 =	vmov v27  }
0x37a: {  	[tilespmem:$0x1FD90] =	vst v3;
	v3 =	vor.u32 $0x31, v21  }
0x37b: {  	[tilespmem:$0x1FE90] =	vst v3;
	v3 =	vor.u32 $0x12, v8  }
0x37c: {  	[tilespmem:$0x1FB10] =	vst v3;
	v3 =	vld [tilespmem:$0x1FAA0];
	_ =	sdelay $0x7  }
0x37d: {  	v27 =	vld.idx.msk [tilespmem:v3+s8+$0x0], $0xffff  }
0x37e: {  	v3 =	vld [tilespmem:$0x1F930];
	_ =	sdelay $0x6  }
0x37f: {  	v46 =	vor.u32 $0xB, v8  }
0x380: {  	[tilespmem:v3+s13+$0x0] =	vst.idx.msk $0xffff, v63;
	v3 =	vmov v46  }
0x381: {  	[tilespmem:$0x1FAA0] =	vst v3;
	v3 =	vor.u32 $0x12, v21  }
0x382: {  	v6 =	vld [tilespmem:$0x1FEE0];
	[tilespmem:$0x1FEA0] =	vst v3;
	v3 =	vor.u32 $0x12, v54  }
0x383: {  	[tilespmem:$0x1FC70] =	vst v3;
	v3 =	vor.u32 $0x32, v21  }
0x384: {  	[tilespmem:$0x1FEB0] =	vst v3;
	v3 =	vld [tilespmem:$0x1F770]  }
0x385: {  	v42 =	vor.u32 $0x14, v50;
	v57 =	vor.u32 $0x1D, v1  }
0x386: {  	v61 =	vor.u32 $0x1D, v47  }
0x387: {  	v49 =	vor.u32 $0x1, v52;
	v43 =	vmov v6;
	v6 =	vld [tilespmem:$0x1FB30];
	_ =	sdelay $0x2  }
0x388: {  	v42 =	vld.idx.msk [tilespmem:v42+s8+$0x0], $0xffff;
	[tilespmem:v57+s13+$0x0] =	vst.idx.msk $0xffff, v35  }
0x389: {  	v35 =	vld.idx.msk [tilespmem:v61+s8+$0x0], $0xffff  }
0x38a: {  	[tilespmem:v49+s13+$0x0] =	vst.idx.msk $0xffff, v37;
	v37 =	vld.idx.msk [tilespmem:v3+s8+$0x0], $0xffff;
	v3 =	vmov v6  }
0x38b: {  	[tilespmem:$0x1F770] =	vst v3;
	v3 =	vor.u32 $0x33, v21  }
0x38c: {  	[tilespmem:$0x1FEE0] =	vst v3;
	v3 =	vor.u32 $0x14, v8  }
0x38d: {  	[tilespmem:$0x1FB30] =	vst v3;
	v3 =	vld [tilespmem:$0x1FDA0];
	_ =	sdelay $0x1  }
0x38e: {  	v23 =	vor.u32 $0x21, v21  }
0x38f: {  	v7 =	vor.u32 $0x2, v8;
	_ =	sdelay $0x1  }
0x390: {  	v0 =	vor.u32 $0x11, v21  }
0x391: {  	[tilespmem:$0x1F550] =	vst v0  }
0x392: {  	v15 =	vor.u32 $0xB, v21;
	[tilespmem:v23+s13+$0x0] =	vst.idx.msk $0xffff, v17  }
0x393: {  	v59 =	vor.u32 $0x2A, v9;
	v55 =	vor.u32 $0x1, v58;
	v57 =	vld.idx.msk [tilespmem:v7+s8+$0x0], $0xffff;
	[tilespmem:v3+s13+$0x0] =	vst.idx.msk $0xffff, v27;
	v3 =	vmov v15  }
0x394: {  	v31 =	vor.u32 $0x14, v4;
	v0 =	vor.u32 $0xB, v53;
	[tilespmem:$0x1FDA0] =	vst v3;
	v3 =	vld [tilespmem:$0x1FBE0]  }
0x395: {  	v61 =	vor.u32 $0x3D, v1;
	v18 =	vor.u32 $0x14, v60  }
0x396: {  	v63 =	vor.u32 $0x1E, v39;
	_ =	sdelay $0x1  }
0x397: {  	v32 =	vld.idx.msk [tilespmem:v55+s8+$0x0], $0xffff;
	[tilespmem:v59+s13+$0x0] =	vst.idx.msk $0xffff, v14  }
0x398: {  	v0 =	vld.idx.msk [tilespmem:v0+s8+$0x0], $0xffff;
	[tilespmem:v31+s13+$0x0] =	vst.idx.msk $0xffff, v42  }
0x399: {  	v46 =	vld.idx.msk [tilespmem:v18+s8+$0x0], $0xffff;
	[tilespmem:v61+s13+$0x0] =	vst.idx.msk $0xffff, v35  }
0x39a: {  	v33 =	vld.idx.msk [tilespmem:v63+s8+$0x0], $0xffff  }
0x39b: {  	v63 =	vld.idx.msk [tilespmem:v3+s8+$0x0], $0xffff  }
0x39c: {  	v3 =	vld [tilespmem:$0x1F940];
	_ =	sdelay $0x6  }
0x39d: {  	v2 =	vor.u32 $0xB, v54  }
0x39e: {  	[tilespmem:v3+s13+$0x0] =	vst.idx.msk $0xffff, v37;
	v3 =	vmov v2  }
0x39f: {  	[tilespmem:$0x1FBE0] =	vst v3;
	v3 =	vld [tilespmem:$0x1F840]  }
0x3a0: {  	v14 =	vor.u32 $0x21, v52  }
0x3a1: {  	v31 =	vor.u32 $0x2, v19;
	_ =	sdelay $0x1  }
0x3a2: {  	v42 =	vor.u32 $0xB, v9;
	v6 =	vld [tilespmem:$0x1FF00];
	_ =	sdelay $0x1  }
0x3a3: {  	[tilespmem:v14+s13+$0x0] =	vst.idx.msk $0xffff, v32  }
0x3a4: {  	v31 =	vld.idx.msk [tilespmem:v31+s8+$0x0], $0xffff  }
0x3a5: {  	v23 =	vor.u32 $0x14, v54;
	v45 =	vld.idx.msk [tilespmem:v3+s8+$0x0], $0xffff  }
0x3a6: {  	[tilespmem:v42+s13+$0x0] =	vst.idx.msk $0xffff, v0;
	v0 =	vmov v23;
	v3 =	vmov v6;
	v6 =	vld [tilespmem:$0x1FCA0]  }
0x3a7: {  	[tilespmem:$0x1FCA0] =	vst v0;
	v0 =	vld [tilespmem:$0x1FDB0];
	_ =	sdelay $0x1  }
0x3a8: {  	v5 =	vor.u32 $0x2, v21  }
0x3a9: {  	v11 =	vor.u32 $0x2, v54;
	_ =	sdelay $0x3  }
0x3aa: {  	v16 =	vor.u32 $0x2B, v21;
	[tilespmem:v5+s13+$0x0] =	vst.idx.msk $0xffff, v57  }
0x3ab: {  	v11 =	vld.idx.msk [tilespmem:v11+s8+$0x0], $0xffff;
	[tilespmem:v0+s13+$0x0] =	vst.idx.msk $0xffff, v63;
	v0 =	vmov v16  }
0x3ac: {  	[tilespmem:$0x1FDB0] =	vst v0;
	v0 =	vld [tilespmem:$0x1FAC0];
	_ =	sdelay $0x7  }
0x3ad: {  	v16 =	vld.idx.msk [tilespmem:v0+s8+$0x0], $0xffff  }
0x3ae: {  	v0 =	vld [tilespmem:$0x1F950]  }
0x3af: {  	v44 =	vor.u32 $0x34, v4;
	v49 =	vor.u32 $0xB, v62  }
0x3b0: {  	v61 =	vor.u32 $0x1E, v1;
	v27 =	vor.u32 $0x15, v50;
	_ =	sdelay $0x2  }
0x3b1: {  	v38 =	vor.u32 $0x14, v21;
	[tilespmem:$0x1F940] =	vst v3  }
0x3b2: {  	v7 =	vmov v38;
	v38 =	vor.u32 $0x2, v52;
	v37 =	vor.u32 $0x1E, v47;
	v3 =	vld.idx.msk [tilespmem:v49+s8+$0x0], $0xffff;
	[tilespmem:v44+s13+$0x0] =	vst.idx.msk $0xffff, v46  }
0x3b3: {  	v42 =	vor.u32 $0x2, v58;
	v27 =	vld.idx.msk [tilespmem:v27+s8+$0x0], $0xffff;
	[tilespmem:v61+s13+$0x0] =	vst.idx.msk $0xffff, v33  }
0x3b4: {  	[tilespmem:v0+s13+$0x0] =	vst.idx.msk $0xffff, v45;
	v0 =	vor.u32 $0x19, v8  }
0x3b5: {  	[tilespmem:$0x1F350] =	vst v0;
	v0 =	vor.u32 $0x19, v21  }
0x3b6: {  	[tilespmem:$0x1F3F0] =	vst v0;
	v0 =	vld [tilespmem:$0x1F780]  }
0x3b7: {  	v37 =	vld.idx.msk [tilespmem:v37+s8+$0x0], $0xffff;
	[tilespmem:v38+s13+$0x0] =	vst.idx.msk $0xffff, v31  }
0x3b8: {  	v5 =	vor.u32 $0x3E, v1;
	v45 =	vld.idx.msk [tilespmem:v42+s8+$0x0], $0xffff;
	v42 =	vmov v1;
	v1 =	vor.u32 $0x1A, v54  }
0x3b9: {  	[tilespmem:$0x1F5C0] =	vst v1;
	v1 =	vld [tilespmem:$0x1FF10];
	_ =	sdelay $0x3  }
0x3ba: {  	v59 =	vor.u32 $0x34, v21  }
0x3bb: {  	v31 =	vld.idx.msk [tilespmem:v0+s8+$0x0], $0xffff;
	v0 =	vmov v1;
	v1 =	vmov v59  }
0x3bc: {  	[tilespmem:$0x1FF10] =	vst v1;
	v1 =	vld [tilespmem:$0x1FDD0];
	_ =	sdelay $0x1  }
0x3bd: {  	v12 =	vor.u32 $0x22, v21  }
0x3be: {  	v51 =	vor.u32 $0x3, v8;
	_ =	sdelay $0x3  }
0x3bf: {  	v29 =	vor.u32 $0xC, v21;
	[tilespmem:v12+s13+$0x0] =	vst.idx.msk $0xffff, v11  }
0x3c0: {  	v51 =	vld.idx.msk [tilespmem:v51+s8+$0x0], $0xffff;
	[tilespmem:v1+s13+$0x0] =	vst.idx.msk $0xffff, v16;
	v1 =	vmov v29  }
0x3c1: {  	[tilespmem:$0x1FDD0] =	vst v1;
	v1 =	vld [tilespmem:$0x1FBF0];
	_ =	sdelay $0x7  }
0x3c2: {  	v29 =	vld.idx.msk [tilespmem:v1+s8+$0x0], $0xffff  }
0x3c3: {  	v1 =	vld [tilespmem:$0x1F960];
	_ =	sdelay $0x4  }
0x3c4: {  	v20 =	vor.u32 $0x13, v21  }
0x3c5: {  	[tilespmem:$0x1FEC0] =	vst v20;
	v20 =	vor.u32 $0x2B, v9;
	_ =	sdelay $0x1  }
0x3c6: {  	v41 =	vor.u32 $0x15, v4;
	v33 =	vor.u32 $0xC, v53;
	[tilespmem:v1+s13+$0x0] =	vst.idx.msk $0xffff, v31;
	v1 =	vld [tilespmem:$0x1F850]  }
0x3c7: {  	v63 =	vor.u32 $0x15, v60  }
0x3c8: {  	v39 =	vor.u32 $0x1F, v39  }
0x3c9: {  	v6 =	vmov v6;
	[tilespmem:v20+s13+$0x0] =	vst.idx.msk $0xffff, v3;
	v3 =	vor.u32 $0x22, v52  }
0x3ca: {  	[tilespmem:$0x1F840] =	vst v6  }
0x3cb: {  	v20 =	vld.idx.msk [tilespmem:v33+s8+$0x0], $0xffff;
	[tilespmem:v41+s13+$0x0] =	vst.idx.msk $0xffff, v27  }
0x3cc: {  	v6 =	vld.idx.msk [tilespmem:v63+s8+$0x0], $0xffff;
	[tilespmem:v5+s13+$0x0] =	vst.idx.msk $0xffff, v37  }
0x3cd: {  	[tilespmem:$0x1FF00] =	vst v7;
	v7 =	vmov v19;
	v39 =	vld.idx.msk [tilespmem:v39+s8+$0x0], $0xffff  }
0x3ce: {  	v27 =	vor.u32 $0x3, v7;
	v41 =	vor.u32 $0xC, v9;
	[tilespmem:v3+s13+$0x0] =	vst.idx.msk $0xffff, v45;
	v3 =	vld.idx.msk [tilespmem:v1+s8+$0x0], $0xffff  }
0x3cf: {  	v25 =	vor.u32 $0x13, v8;
	v63 =	vor.u32 $0xC, v62;
	[tilespmem:$0x1F950] =	vst v0;
	v0 =	vor.u32 $0x35, v4;
	v1 =	vld [tilespmem:$0x1FB40]  }
0x3d0: {  	v13 =	vor.u32 $0x13, v54;
	[tilespmem:$0x1FB20] =	vst v25  }
0x3d1: {  	[tilespmem:$0x1FC80] =	vst v13  }
0x3d2: {  	[tilespmem:$0x1F930] =	vst v43  }
0x3d3: {  	v26 =	vor.u32 $0x2C, v21;
	v36 =	vor.u32 $0x15, v8;
	v27 =	vld.idx.msk [tilespmem:v27+s8+$0x0], $0xffff;
	[tilespmem:v41+s13+$0x0] =	vst.idx.msk $0xffff, v20  }
0x3d4: {  	v48 =	vor.u32 $0x3, v54;
	v30 =	vor.u32 $0xC, v8;
	v10 =	vor.u32 $0xC, v54;
	v63 =	vld.idx.msk [tilespmem:v63+s8+$0x0], $0xffff;
	[tilespmem:v0+s13+$0x0] =	vst.idx.msk $0xffff, v6;
	v0 =	vmovc v1  }
0x3d5: {  	v24 =	vor.u32 $0xD, v21;
	v34 =	vor.u32 $0x15, v21;
	v19 =	vor.u32 $0x3A, v21;
	v44 =	vmovc v56;
	v56 =	vmovc v50;
	[tilespmem:$0x1F780] =	vst v0;
	v0 =	vld [tilespmem:$0x1F110]  }
0x3d6: {  	[tilespmem:$0x1F480] =	vst v19;
	v46 =	vor.u32 $0x19, v54;
	v59 =	vor.u32 $0x16, v56;
	v12 =	vor.u32 $0x1F, v42  }
0x3d7: {  	v25 =	vor.u32 $0x17, v21;
	v55 =	vor.u32 $0x18, v54;
	[tilespmem:$0x1F410] =	vst v46;
	v46 =	vor.u32 $0x1A, v21;
	v1 =	vld [tilespmem:$0x1FDF0]  }
0x3d8: {  	v43 =	vmovc v22;
	v22 =	vor.u32 $0x17, v54;
	v35 =	vor.u32 $0x15, v54;
	v38 =	vor.u32 $0x1A, v8;
	[tilespmem:$0x1F5A0] =	vst v46  }
0x3d9: {  	v30 =	vmovc v30;
	v32 =	vor.u32 $0x16, v54;
	v14 =	vor.u32 $0x36, v21;
	v17 =	vor.u32 $0x16, v21;
	[tilespmem:$0x1F4E0] =	vst v38  }
0x3da: {  	v19 =	vor.u32 $0x3B, v21;
	v2 =	vor.u32 $0x35, v21;
	v47 =	vor.u32 $0x1F, v47;
	[tilespmem:$0x1FAC0] =	vst v30  }
0x3db: {  	v57 =	vor.u32 $0x18, v21;
	v49 =	vor.u32 $0x38, v21;
	v50 =	vmovc v10;
	v61 =	vor.u32 $0x37, v21;
	v59 =	vld.idx.msk [tilespmem:v59+s8+$0x0], $0xffff;
	[tilespmem:v12+s13+$0x0] =	vst.idx.msk $0xffff, v39  }
0x3dc: {  	v13 =	vmovc v53;
	v53 =	vor.u32 $0x39, v21;
	v46 =	vor.u32 $0x1E, v54;
	v38 =	vor.u32 $0x1B, v21;
	[tilespmem:$0x1FBF0] =	vst v50  }
0x3dd: {  	v30 =	vor.u32 $0x3C, v21;
	v37 =	vor.u32 $0x1B, v54;
	v45 =	vor.u32 $0x1D, v21;
	[tilespmem:v0+s13+$0x0] =	vst.idx.msk $0xffff, v51;
	v0 =	vmovc v36  }
0x3de: {  	v20 =	vor.u32 $0x1D, v54;
	v41 =	vor.u32 $0x3D, v21;
	v12 =	vor.u32 $0x16, v4;
	[tilespmem:$0x1FB40] =	vst v0  }
0x3df: {  	v16 =	vor.u32 $0x1C, v54;
	v50 =	vor.u32 $0x3F, v42;
	v0 =	vld.idx.msk [tilespmem:v48+s8+$0x0], $0xffff;
	[tilespmem:v1+s13+$0x0] =	vst.idx.msk $0xffff, v29;
	v1 =	vmovc v4;
	v4 =	vor.u32 $0x1F, v8  }
0x3e0: {  	v42 =	vor.u32 $0x1F, v54;
	v54 =	vor.u32 $0x3F, v21;
	v31 =	vor.u32 $0x1C, v21;
	[tilespmem:$0x1F570] =	vst v4;
	v4 =	vld [tilespmem:$0x1FAD0]  }
0x3e1: {  	[tilespmem:$0x1F4C0] =	vst v53;
	v51 =	vor.u32 $0x1E, v21;
	v36 =	vor.u32 $0x1F, v21;
	v29 =	vor.u32 $0x3E, v21;
	v21 =	vmovc v26  }
0x3e2: {  	v53 =	vmovc v60;
	v60 =	vmov v62;
	v62 =	vmov v58;
	v58 =	vor.u32 $0x3, v52;
	[tilespmem:$0x1FDF0] =	vst v21;
	v21 =	vld [tilespmem:$0x1FF20];
	_ =	sdelay $0x1  }
0x3e3: {  	v28 =	vor.u32 $0xD, v8;
	_ =	sdelay $0x1  }
0x3e4: {  	v40 =	vor.u32 $0x1E, v8;
	v18 =	vor.u32 $0x16, v8;
	v23 =	vor.u32 $0x18, v8;
	v47 =	vld.idx.msk [tilespmem:v47+s8+$0x0], $0xffff  }
0x3e5: {  	v15 =	vor.u32 $0x17, v8;
	v33 =	vor.u32 $0x1C, v8;
	v5 =	vor.u32 $0x1B, v8;
	[tilespmem:v58+s13+$0x0] =	vst.idx.msk $0xffff, v27;
	v58 =	vmovc v28;
	v28 =	vmovc v21;
	v21 =	vld [tilespmem:$0x1FCB0]  }
0x3e6: {  	v10 =	vor.u32 $0x3, v62;
	v11 =	vor.u32 $0x1D, v8;
	v6 =	vor.u32 $0x2C, v9;
	v8 =	vld.idx.msk [tilespmem:v4+s8+$0x0], $0xffff  }
0x3e7: {  	v39 =	vor.u32 $0xD, v13;
	v4 =	vld [tilespmem:$0x1F970]  }
0x3e8: {  	v48 =	vor.u32 $0x16, v53;
	_ =	sdelay $0x2  }
0x3e9: {  	v10 =	vld.idx.msk [tilespmem:v10+s8+$0x0], $0xffff;
	[tilespmem:v6+s13+$0x0] =	vst.idx.msk $0xffff, v63  }
0x3ea: {  	v27 =	vmov v35;
	v6 =	vmov v21;
	v21 =	vld.idx.msk [tilespmem:v39+s8+$0x0], $0xffff;
	[tilespmem:v12+s13+$0x0] =	vst.idx.msk $0xffff, v59  }
0x3eb: {  	[tilespmem:$0x1FCB0] =	vst v27;
	v27 =	vld.idx.msk [tilespmem:v48+s8+$0x0], $0xffff  }
0x3ec: {  	[tilespmem:v50+s13+$0x0] =	vst.idx.msk $0xffff, v47;
	v50 =	vmov v13;
	v13 =	vld [tilespmem:$0x1FB50]  }
0x3ed: {  	v12 =	vmovc v2;
	v2 =	vor.u32 $0x4, v7;
	v47 =	vmovc v53;
	v53 =	vmov v7;
	v7 =	vmov v18;
	[tilespmem:v4+s13+$0x0] =	vst.idx.msk $0xffff, v3;
	v3 =	vld [tilespmem:$0x1F790]  }
0x3ee: {  	[tilespmem:$0x1FB50] =	vst v7;
	v7 =	vld [tilespmem:$0x1F120];
	_ =	sdelay $0x3  }
0x3ef: {  	v26 =	vmov v34  }
0x3f0: {  	[tilespmem:$0x1FF20] =	vst v26;
	v26 =	vld [tilespmem:$0x1FF40];
	v13 =	vmov v13  }
0x3f1: {  	[tilespmem:$0x1F790] =	vst v13;
	v13 =	vld [tilespmem:$0x1F7E0]  }
0x3f2: {  	v3 =	vld.idx.msk [tilespmem:v3+s8+$0x0], $0xffff  }
0x3f3: {  	[tilespmem:v7+s13+$0x0] =	vst.idx.msk $0xffff, v0;
	v7 =	vld [tilespmem:$0x1F600];
	_ =	sdelay $0x2  }
0x3f4: {  	v59 =	vmov v26;
	v26 =	vmov v13;
	v13 =	vld [tilespmem:$0x1FBA0];
	_ =	sdelay $0x4  }
0x3f5: {  	[tilespmem:$0x1F960] =	vst v28;
	v28 =	vld.idx.msk [tilespmem:v7+s8+$0x0], $0xffff;
	v7 =	vmov v13  }
0x3f6: {  	[tilespmem:$0x1F7E0] =	vst v7;
	v7 =	vld [tilespmem:$0x1F130];
	_ =	sdelay $0x7  }
0x3f7: {  	v63 =	vld.idx.msk [tilespmem:v7+s8+$0x0], $0xffff  }
0x3f8: {  	v7 =	vld [tilespmem:$0x1FE00];
	_ =	sdelay $0x7  }
0x3f9: {  	[tilespmem:v7+s13+$0x0] =	vst.idx.msk $0xffff, v8;
	v7 =	vmov v5;
	v5 =	vld [tilespmem:$0x1FC10]  }
0x3fa: {  	[tilespmem:$0x1FBA0] =	vst v7;
	v7 =	vld [tilespmem:$0x1F980];
	_ =	sdelay $0x6  }
0x3fb: {  	v5 =	vld.idx.msk [tilespmem:v5+s8+$0x0], $0xffff  }
0x3fc: {  	[tilespmem:v7+s13+$0x0] =	vst.idx.msk $0xffff, v3;
	v7 =	vld [tilespmem:$0x1F140];
	_ =	sdelay $0x4  }
0x3fd: {  	v13 =	vmov v7;
	v7 =	vld [tilespmem:$0x1FF50];
	_ =	sdelay $0x4  }
0x3fe: {  	v7 =	vmov v7  }
0x3ff: {  	[tilespmem:$0x1F980] =	vst v7;
	v7 =	vld [tilespmem:$0x1FCC0];
	_ =	sdelay $0x3  }
0x400: {  	v3 =	vmov v17;
	[tilespmem:$0x1FC10] =	vst v13;
	v13 =	vld [tilespmem:$0x1FA20]  }
0x401: {  	[tilespmem:$0x1FF50] =	vst v3;
	v3 =	vld [tilespmem:$0x1F860];
	v7 =	vmov v7  }
0x402: {  	[tilespmem:$0x1F860] =	vst v7;
	v7 =	vld [tilespmem:$0x1F6B0];
	_ =	sdelay $0x2  }
0x403: {  	v17 =	vmov v13;
	v13 =	vld [tilespmem:$0x1FFC0];
	_ =	sdelay $0x4  }
0x404: {  	v3 =	vld.idx.msk [tilespmem:v3+s8+$0x0], $0xffff;
	[tilespmem:v7+s13+$0x0] =	vst.idx.msk $0xffff, v28;
	v7 =	vmov v13  }
0x405: {  	[tilespmem:$0x1FA20] =	vst v7;
	v7 =	vld [tilespmem:$0x1F150];
	_ =	sdelay $0x7  }
0x406: {  	v4 =	vmov v9;
	v9 =	vmov v52;
	[tilespmem:v7+s13+$0x0] =	vst.idx.msk $0xffff, v63;
	v7 =	vld [tilespmem:$0x1F650]  }
0x407: {  	[tilespmem:$0x1F850] =	vst v6;
	v6 =	vor.u32 $0x23, v9;
	_ =	sdelay $0x1  }
0x408: {  	[tilespmem:$0x1FF40] =	vst v12;
	v12 =	vor.u32 $0xD, v4;
	v13 =	vld [tilespmem:$0x1F8B0];
	_ =	sdelay $0x2  }
0x409: {  	[tilespmem:v6+s13+$0x0] =	vst.idx.msk $0xffff, v10  }
0x40a: {  	v2 =	vld.idx.msk [tilespmem:v2+s8+$0x0], $0xffff  }
0x40b: {  	[tilespmem:v12+s13+$0x0] =	vst.idx.msk $0xffff, v21;
	v21 =	vld.idx.msk [tilespmem:v7+s8+$0x0], $0xffff;
	v7 =	vmov v13  }
0x40c: {  	[tilespmem:$0x1F650] =	vst v7;
	v7 =	vld [tilespmem:$0x1F160];
	_ =	sdelay $0x3  }
0x40d: {  	v24 =	vmov v24;
	_ =	sdelay $0x2  }
0x40e: {  	[tilespmem:$0x1FE00] =	vst v24;
	v24 =	vmov v38  }
0x40f: {  	[tilespmem:$0x1FFC0] =	vst v24;
	v24 =	vld.idx.msk [tilespmem:v7+s8+$0x0], $0xffff  }
0x410: {  	v7 =	vld [tilespmem:$0x1FE10];
	_ =	sdelay $0x2  }
0x411: {  	v13 =	vld [tilespmem:$0x1F170];
	_ =	sdelay $0x3  }
0x412: {  	[tilespmem:$0x1F600] =	vst v26  }
0x413: {  	v26 =	vmov v13;
	v13 =	vld [tilespmem:$0x1FCF0];
	[tilespmem:v7+s13+$0x0] =	vst.idx.msk $0xffff, v5;
	v7 =	vmov v37  }
0x414: {  	[tilespmem:$0x1FCF0] =	vst v7;
	v7 =	vld [tilespmem:$0x1FAE0];
	_ =	sdelay $0x7  }
0x415: {  	[tilespmem:$0x1FE10] =	vst v26;
	v26 =	vld.idx.msk [tilespmem:v7+s8+$0x0], $0xffff  }
0x416: {  	v7 =	vld [tilespmem:$0x1F990];
	_ =	sdelay $0x6  }
0x417: {  	v0 =	vor.u32 $0xD, v60  }
0x418: {  	v18 =	vor.u32 $0x36, v1;
	[tilespmem:v7+s13+$0x0] =	vst.idx.msk $0xffff, v3;
	v7 =	vld [tilespmem:$0x1F180]  }
0x419: {  	v6 =	vmov v32;
	v8 =	vor.u32 $0x17, v56  }
0x41a: {  	[tilespmem:$0x1FCC0] =	vst v6;
	v6 =	vor.u32 $0x4, v9  }
0x41b: {  	v10 =	vor.u32 $0x4, v62  }
0x41c: {  	v12 =	vor.u32 $0x2D, v4;
	v0 =	vld.idx.msk [tilespmem:v0+s8+$0x0], $0xffff  }
0x41d: {  	[tilespmem:v18+s13+$0x0] =	vst.idx.msk $0xffff, v27;
	v27 =	vmov v7;
	v7 =	vld [tilespmem:$0x1FF60]  }
0x41e: {  	v8 =	vld.idx.msk [tilespmem:v8+s8+$0x0], $0xffff  }
0x41f: {  	[tilespmem:v6+s13+$0x0] =	vst.idx.msk $0xffff, v2;
	v6 =	vld [tilespmem:$0x1FB60];
	v13 =	vmov v13;
	v3 =	vmov v15  }
0x420: {  	[tilespmem:$0x1FB60] =	vst v3;
	v3 =	vld.idx.msk [tilespmem:v10+s8+$0x0], $0xffff  }
0x421: {  	[tilespmem:v12+s13+$0x0] =	vst.idx.msk $0xffff, v0;
	v12 =	vld [tilespmem:$0x1FA30]  }
0x422: {  	v2 =	vld [tilespmem:$0x1F7A0];
	[tilespmem:$0x1F8B0] =	vst v13;
	v13 =	vmov v7;
	v7 =	vmov v14  }
0x423: {  	[tilespmem:$0x1FF60] =	vst v7;
	v7 =	vld [tilespmem:$0x1F6C0];
	_ =	sdelay $0x2  }
0x424: {  	[tilespmem:$0x1F990] =	vst v13;
	v13 =	vmov v12;
	v12 =	vld [tilespmem:$0x1F190];
	_ =	sdelay $0x4  }
0x425: {  	v2 =	vld.idx.msk [tilespmem:v2+s8+$0x0], $0xffff;
	[tilespmem:v7+s13+$0x0] =	vst.idx.msk $0xffff, v21;
	v7 =	vmov v12  }
0x426: {  	[tilespmem:$0x1FA30] =	vst v7;
	v7 =	vld [tilespmem:$0x1F1A0];
	_ =	sdelay $0x7  }
0x427: {  	[tilespmem:v7+s13+$0x0] =	vst.idx.msk $0xffff, v24;
	v7 =	vld [tilespmem:$0x1F610];
	_ =	sdelay $0x2  }
0x428: {  	[tilespmem:$0x1F6C0] =	vst v13;
	v13 =	vld [tilespmem:$0x1F7F0];
	_ =	sdelay $0x4  }
0x429: {  	v15 =	vld.idx.msk [tilespmem:v7+s8+$0x0], $0xffff;
	v7 =	vmov v13  }
0x42a: {  	[tilespmem:$0x1F610] =	vst v7;
	v7 =	vld [tilespmem:$0x1F1B0]  }
0x42b: {  	[tilespmem:$0x1F6B0] =	vst v17;
	v17 =	vor.u32 $0xE, v50;
	_ =	sdelay $0x3  }
0x42c: {  	v6 =	vmov v6  }
0x42d: {  	[tilespmem:$0x1F7A0] =	vst v6;
	v6 =	vld.idx.msk [tilespmem:v17+s8+$0x0], $0xffff  }
0x42e: {  	v13 =	vld [tilespmem:$0x1F1C0]  }
0x42f: {  	v17 =	vld.idx.msk [tilespmem:v7+s8+$0x0], $0xffff  }
0x430: {  	v7 =	vld [tilespmem:$0x1FE20];
	_ =	sdelay $0x2  }
0x431: {  	v48 =	vmov v19;
	v19 =	vmov v13;
	v13 =	vld [tilespmem:$0x1F1D0];
	_ =	sdelay $0x4  }
0x432: {  	[tilespmem:v7+s13+$0x0] =	vst.idx.msk $0xffff, v26;
	v7 =	vmov v13  }
0x433: {  	[tilespmem:$0x1F7F0] =	vst v7;
	v7 =	vld [tilespmem:$0x1FC30];
	_ =	sdelay $0x7  }
0x434: {  	[tilespmem:$0x1FE20] =	vst v19;
	v19 =	vld.idx.msk [tilespmem:v7+s8+$0x0], $0xffff  }
0x435: {  	v7 =	vld [tilespmem:$0x1F9B0];
	_ =	sdelay $0x3  }
0x436: {  	v18 =	vor.u32 $0x17, v1;
	_ =	sdelay $0x1  }
0x437: {  	v5 =	vor.u32 $0x17, v47  }
0x438: {  	v0 =	vor.u32 $0x24, v9  }
0x439: {  	[tilespmem:v7+s13+$0x0] =	vst.idx.msk $0xffff, v2;
	v7 =	vld [tilespmem:$0x1F1E0]  }
0x43a: {  	v10 =	vor.u32 $0xE, v4;
	[tilespmem:v18+s13+$0x0] =	vst.idx.msk $0xffff, v8;
	v8 =	vor.u32 $0x5, v53  }
0x43b: {  	v12 =	vor.u32 $0xE, v60  }
0x43c: {  	v5 =	vld.idx.msk [tilespmem:v5+s8+$0x0], $0xffff  }
0x43d: {  	[tilespmem:v0+s13+$0x0] =	vst.idx.msk $0xffff, v3;
	v3 =	vld [tilespmem:$0x1FCD0];
	v2 =	vmov v22  }
0x43e: {  	[tilespmem:$0x1FCD0] =	vst v2;
	v21 =	vmov v7;
	v7 =	vld [tilespmem:$0x1FF80]  }
0x43f: {  	v2 =	vld.idx.msk [tilespmem:v8+s8+$0x0], $0xffff;
	[tilespmem:v10+s13+$0x0] =	vst.idx.msk $0xffff, v6  }
0x440: {  	v6 =	vld.idx.msk [tilespmem:v12+s8+$0x0], $0xffff  }
0x441: {  	v12 =	vld [tilespmem:$0x1FA40]  }
0x442: {  	v0 =	vld [tilespmem:$0x1F870]  }
0x443: {  	v10 =	vld [tilespmem:$0x1F6D0];
	v13 =	vmov v7;
	_ =	sdelay $0x2  }
0x444: {  	[tilespmem:$0x1F9B0] =	vst v13;
	v13 =	vmov v12;
	v12 =	vld [tilespmem:$0x1F200];
	_ =	sdelay $0x4  }
0x445: {  	v0 =	vld.idx.msk [tilespmem:v0+s8+$0x0], $0xffff;
	[tilespmem:v10+s13+$0x0] =	vst.idx.msk $0xffff, v15;
	v10 =	vmov v12  }
0x446: {  	[tilespmem:$0x1FA40] =	vst v10;
	v10 =	vld [tilespmem:$0x1F210]  }
0x447: {  	[tilespmem:$0x1F6D0] =	vst v13;
	v13 =	vld [tilespmem:$0x1F660];
	_ =	sdelay $0x2  }
0x448: {  	v14 =	vor.u32 $0x37, v1;
	v15 =	vld [tilespmem:$0x1F8C0];
	_ =	sdelay $0x3  }
0x449: {  	[tilespmem:v10+s13+$0x0] =	vst.idx.msk $0xffff, v17  }
0x44a: {  	[tilespmem:v14+s13+$0x0] =	vst.idx.msk $0xffff, v5;
	v14 =	vld.idx.msk [tilespmem:v13+s8+$0x0], $0xffff;
	v13 =	vmov v15  }
0x44b: {  	[tilespmem:$0x1F660] =	vst v13;
	v13 =	vld [tilespmem:$0x1F220];
	_ =	sdelay $0x5  }
0x44c: {  	v18 =	vor.u32 $0x18, v56;
	_ =	sdelay $0x1  }
0x44d: {  	v15 =	vld.idx.msk [tilespmem:v13+s8+$0x0], $0xffff  }
0x44e: {  	v13 =	vld [tilespmem:$0x1FE30];
	_ =	sdelay $0x1  }
0x44f: {  	v8 =	vld.idx.msk [tilespmem:v18+s8+$0x0], $0xffff  }
0x450: {  	v18 =	vld [tilespmem:$0x1F230];
	_ =	sdelay $0x4  }
0x451: {  	[tilespmem:v13+s13+$0x0] =	vst.idx.msk $0xffff, v19;
	v19 =	vmov v18;
	v18 =	vld [tilespmem:$0x1FD10];
	v13 =	vmov v16  }
0x452: {  	[tilespmem:$0x1FD10] =	vst v13;
	v13 =	vld [tilespmem:$0x1FAF0];
	_ =	sdelay $0x7  }
0x453: {  	v16 =	vld.idx.msk [tilespmem:v13+s8+$0x0], $0xffff  }
0x454: {  	v13 =	vld [tilespmem:$0x1F9C0]  }
0x455: {  	v3 =	vmov v3  }
0x456: {  	[tilespmem:$0x1F870] =	vst v3;
	v3 =	vor.u32 $0x5, v9;
	_ =	sdelay $0x1  }
0x457: {  	v7 =	vmov v25  }
0x458: {  	v5 =	vor.u32 $0x5, v62;
	[tilespmem:$0x1FF80] =	vst v7;
	v7 =	vor.u32 $0x2E, v4  }
0x459: {  	v10 =	vor.u32 $0xF, v50  }
0x45a: {  	[tilespmem:v3+s13+$0x0] =	vst.idx.msk $0xffff, v2  }
0x45b: {  	v2 =	vmov v23;
	[tilespmem:v13+s13+$0x0] =	vst.idx.msk $0xffff, v0;
	v13 =	vld [tilespmem:$0x1F240]  }
0x45c: {  	v3 =	vld [tilespmem:$0x1FB70];
	[tilespmem:$0x1FB70] =	vst v2  }
0x45d: {  	v2 =	vld.idx.msk [tilespmem:v5+s8+$0x0], $0xffff;
	[tilespmem:v7+s13+$0x0] =	vst.idx.msk $0xffff, v6;
	v18 =	vmov v18  }
0x45e: {  	v5 =	vld.idx.msk [tilespmem:v10+s8+$0x0], $0xffff  }
0x45f: {  	v12 =	vor.u32 $0x18, v1;
	v10 =	vld [tilespmem:$0x1F6E0]  }
0x460: {  	[tilespmem:$0x1F8C0] =	vst v18;
	v0 =	vmov v61;
	v18 =	vmov v13;
	v13 =	vld [tilespmem:$0x1FF90]  }
0x461: {  	[tilespmem:$0x1FF90] =	vst v0;
	v0 =	vld [tilespmem:$0x1F7B0];
	_ =	sdelay $0x2  }
0x462: {  	[tilespmem:v12+s13+$0x0] =	vst.idx.msk $0xffff, v8;
	v12 =	vld [tilespmem:$0x1F260];
	_ =	sdelay $0x4  }
0x463: {  	v0 =	vld.idx.msk [tilespmem:v0+s8+$0x0], $0xffff;
	[tilespmem:v10+s13+$0x0] =	vst.idx.msk $0xffff, v14;
	v10 =	vmov v12  }
0x464: {  	[tilespmem:$0x1F6E0] =	vst v10;
	v10 =	vld [tilespmem:$0x1F280];
	_ =	sdelay $0x3  }
0x465: {  	v13 =	vmov v13  }
0x466: {  	[tilespmem:$0x1F9C0] =	vst v13;
	v13 =	vld [tilespmem:$0x1F620];
	_ =	sdelay $0x2  }
0x467: {  	[tilespmem:v10+s13+$0x0] =	vst.idx.msk $0xffff, v15;
	v15 =	vld [tilespmem:$0x1F800];
	_ =	sdelay $0x4  }
0x468: {  	v14 =	vld.idx.msk [tilespmem:v13+s8+$0x0], $0xffff;
	v13 =	vmov v15  }
0x469: {  	[tilespmem:$0x1F620] =	vst v13;
	v13 =	vld [tilespmem:$0x1F290]  }
0x46a: {  	v17 =	vor.u32 $0x18, v47;
	_ =	sdelay $0x4  }
0x46b: {  	v8 =	vld.idx.msk [tilespmem:v17+s8+$0x0], $0xffff  }
0x46c: {  	v17 =	vld [tilespmem:$0x1F2A0]  }
0x46d: {  	v15 =	vld.idx.msk [tilespmem:v13+s8+$0x0], $0xffff  }
0x46e: {  	v13 =	vld [tilespmem:$0x1FE40];
	_ =	sdelay $0x2  }
0x46f: {  	[tilespmem:$0x1FAF0] =	vst v18;
	v18 =	vmov v17;
	v17 =	vld [tilespmem:$0x1F2B0];
	_ =	sdelay $0x4  }
0x470: {  	v35 =	vmov v11;
	v11 =	vld [tilespmem:$0x1FC40];
	[tilespmem:v13+s13+$0x0] =	vst.idx.msk $0xffff, v16;
	v13 =	vmov v17  }
0x471: {  	[tilespmem:$0x1F800] =	vst v13;
	v13 =	vld [tilespmem:$0x1F9D0]  }
0x472: {  	v3 =	vmov v3  }
0x473: {  	[tilespmem:$0x1F7B0] =	vst v3;
	v3 =	vor.u32 $0x25, v9;
	_ =	sdelay $0x2  }
0x474: {  	v6 =	vor.u32 $0x6, v53;
	v7 =	vor.u32 $0xF, v4  }
0x475: {  	v10 =	vor.u32 $0xF, v60  }
0x476: {  	[tilespmem:v3+s13+$0x0] =	vst.idx.msk $0xffff, v2;
	v11 =	vld.idx.msk [tilespmem:v11+s8+$0x0], $0xffff  }
0x477: {  	v2 =	vmov v55;
	[tilespmem:v13+s13+$0x0] =	vst.idx.msk $0xffff, v0;
	v13 =	vld [tilespmem:$0x1F2C0]  }
0x478: {  	v3 =	vld [tilespmem:$0x1FCE0];
	[tilespmem:$0x1FCE0] =	vst v2  }
0x479: {  	v2 =	vld.idx.msk [tilespmem:v6+s8+$0x0], $0xffff;
	[tilespmem:v7+s13+$0x0] =	vst.idx.msk $0xffff, v5  }
0x47a: {  	v5 =	vld.idx.msk [tilespmem:v10+s8+$0x0], $0xffff  }
0x47b: {  	v10 =	vld [tilespmem:$0x1F6F0]  }
0x47c: {  	v0 =	vmov v57;
	v17 =	vmov v13;
	v13 =	vld [tilespmem:$0x1FFA0]  }
0x47d: {  	[tilespmem:$0x1FFA0] =	vst v0;
	v0 =	vld [tilespmem:$0x1F880];
	_ =	sdelay $0x7  }
0x47e: {  	v0 =	vld.idx.msk [tilespmem:v0+s8+$0x0], $0xffff;
	[tilespmem:v10+s13+$0x0] =	vst.idx.msk $0xffff, v14;
	v10 =	vmov v44  }
0x47f: {  	[tilespmem:$0x1F6F0] =	vst v10;
	v10 =	vld [tilespmem:$0x1F2D0];
	_ =	sdelay $0x4  }
0x480: {  	v39 =	vmov v56;
	v16 =	vor.u32 $0x19, v56;
	v56 =	vmov v10;
	v10 =	vld [tilespmem:$0x1F2E0];
	_ =	sdelay $0x3  }
0x481: {  	v13 =	vmov v13  }
0x482: {  	[tilespmem:$0x1F9D0] =	vst v13;
	v13 =	vld [tilespmem:$0x1F670];
	_ =	sdelay $0x2  }
0x483: {  	[tilespmem:v10+s13+$0x0] =	vst.idx.msk $0xffff, v15;
	v15 =	vld [tilespmem:$0x1F8D0];
	_ =	sdelay $0x4  }
0x484: {  	v14 =	vld.idx.msk [tilespmem:v13+s8+$0x0], $0xffff;
	v13 =	vmov v15  }
0x485: {  	v12 =	vor.u32 $0x38, v1;
	[tilespmem:$0x1F670] =	vst v13;
	v13 =	vld [tilespmem:$0x1F2F0];
	_ =	sdelay $0x4  }
0x486: {  	[tilespmem:v12+s13+$0x0] =	vst.idx.msk $0xffff, v8  }
0x487: {  	v8 =	vld.idx.msk [tilespmem:v16+s8+$0x0], $0xffff  }
0x488: {  	v16 =	vld [tilespmem:$0x1F300]  }
0x489: {  	v15 =	vld.idx.msk [tilespmem:v13+s8+$0x0], $0xffff  }
0x48a: {  	v13 =	vld [tilespmem:$0x1FE60];
	_ =	sdelay $0x2  }
0x48b: {  	[tilespmem:$0x1FC40] =	vst v17;
	v17 =	vmov v16;
	v16 =	vld [tilespmem:$0x1F310];
	_ =	sdelay $0x4  }
0x48c: {  	[tilespmem:v13+s13+$0x0] =	vst.idx.msk $0xffff, v11;
	v13 =	vmov v16  }
0x48d: {  	[tilespmem:$0x1F8D0] =	vst v13;
	v13 =	vld [tilespmem:$0x1FB00];
	_ =	sdelay $0x7  }
0x48e: {  	v16 =	vld.idx.msk [tilespmem:v13+s8+$0x0], $0xffff  }
0x48f: {  	v13 =	vld [tilespmem:$0x1F9E0];
	_ =	sdelay $0x7  }
0x490: {  	v3 =	vmov v3;
	[tilespmem:v13+s13+$0x0] =	vst.idx.msk $0xffff, v0;
	v13 =	vld [tilespmem:$0x1F320]  }
0x491: {  	[tilespmem:$0x1F880] =	vst v3;
	v3 =	vor.u32 $0x6, v9;
	_ =	sdelay $0x3  }
0x492: {  	[tilespmem:$0x1FE60] =	vst v17;
	v17 =	vmov v13;
	v13 =	vld [tilespmem:$0x1F330]  }
0x493: {  	[tilespmem:v3+s13+$0x0] =	vst.idx.msk $0xffff, v2;
	v3 =	vld [tilespmem:$0x1F340];
	_ =	sdelay $0x3  }
0x494: {  	v0 =	vmov v13  }
0x495: {  	v2 =	vmov v3;
	[tilespmem:$0x1F9E0] =	vst v0;
	v0 =	vld [tilespmem:$0x1F7C0]  }
0x496: {  	v6 =	vor.u32 $0x6, v62;
	v7 =	vor.u32 $0x2F, v4;
	[tilespmem:$0x1F7C0] =	vst v2;
	v2 =	vld [tilespmem:$0x1F350]  }
0x497: {  	v10 =	vor.u32 $0x10, v50;
	_ =	sdelay $0x1  }
0x498: {  	v12 =	vor.u32 $0x19, v1  }
0x499: {  	v11 =	vor.u32 $0x19, v47  }
0x49a: {  	v28 =	vmov v31;
	v31 =	vmov v49;
	v49 =	vmov v2;
	v2 =	vld.idx.msk [tilespmem:v6+s8+$0x0], $0xffff;
	[tilespmem:v7+s13+$0x0] =	vst.idx.msk $0xffff, v5  }
0x49b: {  	v5 =	vld.idx.msk [tilespmem:v10+s8+$0x0], $0xffff  }
0x49c: {  	v10 =	vld [tilespmem:$0x1F700]  }
0x49d: {  	[tilespmem:v12+s13+$0x0] =	vst.idx.msk $0xffff, v8  }
0x49e: {  	v8 =	vld.idx.msk [tilespmem:v11+s8+$0x0], $0xffff  }
0x49f: {  	v11 =	vld [tilespmem:$0x1F360];
	_ =	sdelay $0x4  }
0x4a0: {  	v0 =	vld.idx.msk [tilespmem:v0+s8+$0x0], $0xffff;
	[tilespmem:v10+s13+$0x0] =	vst.idx.msk $0xffff, v14;
	v10 =	vmov v11  }
0x4a1: {  	[tilespmem:$0x1F700] =	vst v10;
	v10 =	vld [tilespmem:$0x1F370]  }
0x4a2: {  	v13 =	vld [tilespmem:$0x1F810];
	_ =	sdelay $0x3  }
0x4a3: {  	v55 =	vmov v10;
	v10 =	vld [tilespmem:$0x1F380]  }
0x4a4: {  	v14 =	vmov v13;
	v13 =	vld [tilespmem:$0x1F390];
	_ =	sdelay $0x6  }
0x4a5: {  	v12 =	vld [tilespmem:$0x1F630];
	[tilespmem:v10+s13+$0x0] =	vst.idx.msk $0xffff, v15  }
0x4a6: {  	[tilespmem:$0x1F630] =	vst v14;
	v14 =	vld.idx.msk [tilespmem:v13+s8+$0x0], $0xffff  }
0x4a7: {  	v13 =	vld [tilespmem:$0x1FE70];
	_ =	sdelay $0x6  }
0x4a8: {  	v12 =	vld.idx.msk [tilespmem:v12+s8+$0x0], $0xffff  }
0x4a9: {  	[tilespmem:v13+s13+$0x0] =	vst.idx.msk $0xffff, v16;
	v16 =	vld [tilespmem:$0x1F3A0];
	_ =	sdelay $0x4  }
0x4aa: {  	[tilespmem:$0x1FB00] =	vst v17;
	v17 =	vmov v16;
	v16 =	vld [tilespmem:$0x1F3B0];
	_ =	sdelay $0x4  }
0x4ab: {  	v13 =	vmov v16  }
0x4ac: {  	[tilespmem:$0x1F810] =	vst v13;
	v13 =	vld [tilespmem:$0x1FC50];
	_ =	sdelay $0x7  }
0x4ad: {  	v16 =	vld.idx.msk [tilespmem:v13+s8+$0x0], $0xffff  }
0x4ae: {  	v13 =	vld [tilespmem:$0x1F9F0];
	_ =	sdelay $0x7  }
0x4af: {  	[tilespmem:v13+s13+$0x0] =	vst.idx.msk $0xffff, v0;
	v13 =	vld [tilespmem:$0x1F3D0];
	_ =	sdelay $0x4  }
0x4b0: {  	v3 =	vor.u32 $0x26, v9;
	[tilespmem:$0x1FE70] =	vst v17;
	v17 =	vmov v13;
	v13 =	vld [tilespmem:$0x1F3E0];
	_ =	sdelay $0x4  }
0x4b1: {  	[tilespmem:v3+s13+$0x0] =	vst.idx.msk $0xffff, v2;
	v3 =	vld [tilespmem:$0x1F400];
	v0 =	vmov v13  }
0x4b2: {  	[tilespmem:$0x1F9F0] =	vst v0;
	v0 =	vld [tilespmem:$0x1F3F0];
	_ =	sdelay $0x4  }
0x4b3: {  	v22 =	vmov v30;
	v2 =	vmov v3;
	v30 =	vmov v0;
	v0 =	vld [tilespmem:$0x1F890]  }
0x4b4: {  	v6 =	vor.u32 $0x7, v53;
	v7 =	vor.u32 $0x10, v4;
	[tilespmem:$0x1F890] =	vst v2;
	v2 =	vld [tilespmem:$0x1F410]  }
0x4b5: {  	v10 =	vor.u32 $0x10, v60;
	_ =	sdelay $0x2  }
0x4b6: {  	[tilespmem:$0x1FE30] =	vst v19  }
0x4b7: {  	v19 =	vmov v41;
	v11 =	vor.u32 $0x39, v1;
	v41 =	vmov v2;
	v2 =	vld.idx.msk [tilespmem:v6+s8+$0x0], $0xffff;
	[tilespmem:v7+s13+$0x0] =	vst.idx.msk $0xffff, v5  }
0x4b8: {  	v5 =	vld.idx.msk [tilespmem:v10+s8+$0x0], $0xffff  }
0x4b9: {  	v10 =	vld [tilespmem:$0x1F710];
	_ =	sdelay $0x2  }
0x4ba: {  	[tilespmem:v11+s13+$0x0] =	vst.idx.msk $0xffff, v8;
	v11 =	vld [tilespmem:$0x1F420];
	_ =	sdelay $0x4  }
0x4bb: {  	v0 =	vld.idx.msk [tilespmem:v0+s8+$0x0], $0xffff;
	[tilespmem:v10+s13+$0x0] =	vst.idx.msk $0xffff, v12;
	v10 =	vmov v11  }
0x4bc: {  	[tilespmem:$0x1F710] =	vst v10;
	v10 =	vld [tilespmem:$0x1F430];
	_ =	sdelay $0x4  }
0x4bd: {  	v52 =	vmov v10;
	v10 =	vld [tilespmem:$0x1F440];
	_ =	sdelay $0x2  }
0x4be: {  	v13 =	vld [tilespmem:$0x1F8E0];
	_ =	sdelay $0x4  }
0x4bf: {  	v15 =	vor.u32 $0x1A, v39;
	[tilespmem:v10+s13+$0x0] =	vst.idx.msk $0xffff, v14;
	v14 =	vmov v13;
	v13 =	vld [tilespmem:$0x1F450];
	_ =	sdelay $0x4  }
0x4c0: {  	v8 =	vld.idx.msk [tilespmem:v15+s8+$0x0], $0xffff  }
0x4c1: {  	v12 =	vld [tilespmem:$0x1F680]  }
0x4c2: {  	[tilespmem:$0x1F680] =	vst v14;
	v14 =	vld [tilespmem:$0x1F460]  }
0x4c3: {  	v15 =	vld.idx.msk [tilespmem:v13+s8+$0x0], $0xffff  }
0x4c4: {  	v13 =	vld [tilespmem:$0x1FE80];
	_ =	sdelay $0x2  }
0x4c5: {  	[tilespmem:$0x1FC50] =	vst v17;
	v17 =	vmov v14;
	v14 =	vld [tilespmem:$0x1F470];
	_ =	sdelay $0x4  }
0x4c6: {  	v12 =	vld.idx.msk [tilespmem:v12+s8+$0x0], $0xffff;
	[tilespmem:v13+s13+$0x0] =	vst.idx.msk $0xffff, v16;
	v13 =	vmov v14  }
0x4c7: {  	[tilespmem:$0x1F8E0] =	vst v13;
	v13 =	vld [tilespmem:$0x1F490];
	_ =	sdelay $0x7  }
0x4c8: {  	[tilespmem:$0x1FE80] =	vst v17;
	v17 =	vld.idx.msk [tilespmem:v13+s8+$0x0], $0xffff  }
0x4c9: {  	v13 =	vld [tilespmem:$0x1FA00];
	_ =	sdelay $0x7  }
0x4ca: {  	[tilespmem:v13+s13+$0x0] =	vst.idx.msk $0xffff, v0;
	v0 =	vld [tilespmem:$0x1F4A0]  }
0x4cb: {  	v13 =	vld [tilespmem:$0x1F4B0];
	_ =	sdelay $0x4  }
0x4cc: {  	v44 =	vmov v0;
	v0 =	vmov v13  }
0x4cd: {  	[tilespmem:$0x1FA00] =	vst v0;
	v0 =	vld [tilespmem:$0x1F4C0];
	_ =	sdelay $0x2  }
0x4ce: {  	v3 =	vor.u32 $0x7, v9;
	_ =	sdelay $0x1  }
0x4cf: {  	v57 =	vmov v20;
	v20 =	vmov v0;
	v0 =	vld [tilespmem:$0x1F7D0];
	_ =	sdelay $0x2  }
0x4d0: {  	[tilespmem:v3+s13+$0x0] =	vst.idx.msk $0xffff, v2;
	v2 =	vld [tilespmem:$0x1F4D0];
	_ =	sdelay $0x2  }
0x4d1: {  	v6 =	vor.u32 $0x7, v62  }
0x4d2: {  	v7 =	vor.u32 $0x30, v4  }
0x4d3: {  	v3 =	vld.idx.msk [tilespmem:v0+s8+$0x0], $0xffff;
	v0 =	vmov v2  }
0x4d4: {  	v10 =	vor.u32 $0x11, v50;
	[tilespmem:$0x1F7D0] =	vst v0;
	v0 =	vld [tilespmem:$0x1F4E0]  }
0x4d5: {  	v11 =	vor.u32 $0x1A, v1  }
0x4d6: {  	v6 =	vld.idx.msk [tilespmem:v6+s8+$0x0], $0xffff  }
0x4d7: {  	[tilespmem:v7+s13+$0x0] =	vst.idx.msk $0xffff, v5;
	v7 =	vld [tilespmem:$0x1F720];
	_ =	sdelay $0x1  }
0x4d8: {  	v13 =	vmov v0;
	v0 =	vld.idx.msk [tilespmem:v10+s8+$0x0], $0xffff  }
0x4d9: {  	[tilespmem:v11+s13+$0x0] =	vst.idx.msk $0xffff, v8;
	v8 =	vld [tilespmem:$0x1F4F0];
	_ =	sdelay $0x4  }
0x4da: {  	[tilespmem:v7+s13+$0x0] =	vst.idx.msk $0xffff, v12;
	v7 =	vmov v8  }
0x4db: {  	[tilespmem:$0x1F720] =	vst v7;
	v7 =	vld [tilespmem:$0x1F500];
	_ =	sdelay $0x4  }
0x4dc: {  	[tilespmem:$0x1F970] =	vst v59;
	v59 =	vmov v43;
	v43 =	vmov v7;
	v7 =	vld [tilespmem:$0x1F510];
	_ =	sdelay $0x7  }
0x4dd: {  	[tilespmem:v7+s13+$0x0] =	vst.idx.msk $0xffff, v15;
	v7 =	vld [tilespmem:$0x1F640];
	_ =	sdelay $0x2  }
0x4de: {  	v8 =	vld [tilespmem:$0x1F520];
	_ =	sdelay $0x4  }
0x4df: {  	v26 =	vld.idx.msk [tilespmem:v7+s8+$0x0], $0xffff;
	v7 =	vmov v8  }
0x4e0: {  	[tilespmem:$0x1F640] =	vst v7;
	v7 =	vld [tilespmem:$0x1F530];
	_ =	sdelay $0x7  }
0x4e1: {  	v11 =	vld.idx.msk [tilespmem:v7+s8+$0x0], $0xffff  }
0x4e2: {  	v7 =	vld [tilespmem:$0x1F540];
	_ =	sdelay $0x6  }
0x4e3: {  	v16 =	vor.u32 $0x1A, v47  }
0x4e4: {  	[tilespmem:v7+s13+$0x0] =	vst.idx.msk $0xffff, v17;
	v7 =	vld [tilespmem:$0x1F550];
	_ =	sdelay $0x3  }
0x4e5: {  	v24 =	vld.idx.msk [tilespmem:v16+s8+$0x0], $0xffff  }
0x4e6: {  	v16 =	vmov v29;
	v29 =	vmov v7;
	v7 =	vld [tilespmem:$0x1F560];
	_ =	sdelay $0x4  }
0x4e7: {  	v63 =	vmov v7;
	v7 =	vld [tilespmem:$0x1F570];
	_ =	sdelay $0x4  }
0x4e8: {  	[tilespmem:$0x1FAD0] =	vst v58;
	v58 =	vmov v33;
	v33 =	vmov v7;
	v7 =	vld [tilespmem:$0x1FC60]  }
0x4e9: {  	v8 =	vld [tilespmem:$0x1FA10];
	_ =	sdelay $0x6  }
0x4ea: {  	v7 =	vld.idx.msk [tilespmem:v7+s8+$0x0], $0xffff  }
0x4eb: {  	[tilespmem:v8+s13+$0x0] =	vst.idx.msk $0xffff, v3;
	v8 =	vld [tilespmem:$0x1F580];
	_ =	sdelay $0x4  }
0x4ec: {  	v15 =	vmov v8;
	v8 =	vld [tilespmem:$0x1F590];
	_ =	sdelay $0x4  }
0x4ed: {  	v3 =	vmov v8  }
0x4ee: {  	[tilespmem:$0x1FA10] =	vst v3;
	v3 =	vld [tilespmem:$0x1F5A0];
	_ =	sdelay $0x2  }
0x4ef: {  	v5 =	vor.u32 $0x27, v9;
	_ =	sdelay $0x1  }
0x4f0: {  	v17 =	vmov v3;
	v3 =	vld [tilespmem:$0x1F8A0];
	_ =	sdelay $0x2  }
0x4f1: {  	[tilespmem:v5+s13+$0x0] =	vst.idx.msk $0xffff, v6;
	v5 =	vld [tilespmem:$0x1F5B0];
	_ =	sdelay $0x4  }
0x4f2: {  	s16 =	sadd.s32 $0x2, s16;
	v25 =	vld.idx.msk [tilespmem:v3+s8+$0x0], $0xffff;
	v3 =	vmov v5  }
0x4f3: {  	p0 =	slt.u32 s16, $0xE;
	[tilespmem:$0x1F8A0] =	vst v3;
	v3 =	vld [tilespmem:$0x1F5C0]  }
.Ltmp1:
0x4f4: {  	v34 =	vmov v40;
	v40 =	vld [tilespmem:$0x1F3C0];
	(pc) =	sbr.rel @p0 .LBB2_4-.Ltmp1, $4  }
0x4f5: {  	v32 =	vld [tilespmem:$0x1F270];
	[tilespmem:$0x1FAE0] =	vst v27  }
0x4f6: {  	v38 =	vld [tilespmem:$0x1F1F0];
	[tilespmem:$0x1FC30] =	vst v21  }
0x4f7: {  	v37 =	vmovc v46;
	v46 =	vld [tilespmem:$0x1F480];
	v27 =	vor.u32 $0x3A, v1;
	v23 =	vor.u32 $0x1B, v39;
	v21 =	vmovc v45;
	v45 =	vlaneseq.u32;
	[tilespmem:$0x1FE40] =	vst v18  }
0x4f8: {  	s17 =	sadd.s32 $0x20, s17;
	v61 =	vld [tilespmem:$0x1F250];
	v18 =	vmovc v51;
	v14 =	vor.u32 $0x8, v53;
	v2 =	vor.u32 $0x11, v4;
	v10 =	vor.u32 $0x11, v60;
	[tilespmem:$0x1FC60] =	vst v15;
	v12 =	vmovc v3  }
0x4f9: {  	_ =	sdelay $0x3  }
0x4fa: {  	v3 =	vld.idx.msk [tilespmem:v14+s8+$0x0], $0xffff;
	v5 =	vor.u32 $0x8, v9;
	_ =	sdelay $0x4  }
0x4fb: {  	[tilespmem:v5+s13+$0x0] =	vst.idx.msk $0xffff, v3  }
0x4fc: {  	v3 =	vld [tilespmem:$0x1FD40];
	_ =	sdelay $0x2  }
0x4fd: {  	v6 =	vor.u32 $0x8, v62;
	_ =	sdelay $0x4  }
0x4fe: {  	v14 =	vor.u32 $0x28, v9;
	v51 =	vld.idx.msk [tilespmem:v6+s8+$0x0], $0xffff;
	[tilespmem:v3+s13+$0x0] =	vst.idx.msk $0xffff, v11  }
0x4ff: {  	v15 =	vld [tilespmem:$0x1FBB0];
	_ =	sdelay $0x3  }
0x500: {  	[tilespmem:v14+s13+$0x0] =	vst.idx.msk $0xffff, v51  }
0x501: {  	v3 =	vld [tilespmem:$0x1FD50];
	_ =	sdelay $0x2  }
0x502: {  	v8 =	vor.u32 $0x9, v53;
	v6 =	vld.idx.msk [tilespmem:v15+s8+$0x0], $0xffff;
	_ =	sdelay $0x4  }
0x503: {  	v14 =	vor.u32 $0x9, v9;
	v51 =	vld.idx.msk [tilespmem:v8+s8+$0x0], $0xffff;
	[tilespmem:v3+s13+$0x0] =	vst.idx.msk $0xffff, v6  }
0x504: {  	v6 =	vld [tilespmem:$0x1FA70];
	_ =	sdelay $0x3  }
0x505: {  	[tilespmem:v14+s13+$0x0] =	vst.idx.msk $0xffff, v51  }
0x506: {  	v3 =	vld [tilespmem:$0x1FD60];
	_ =	sdelay $0x2  }
0x507: {  	v15 =	vor.u32 $0x9, v62;
	v6 =	vld.idx.msk [tilespmem:v6+s8+$0x0], $0xffff;
	_ =	sdelay $0x4  }
0x508: {  	v14 =	vor.u32 $0x29, v9;
	v51 =	vld.idx.msk [tilespmem:v15+s8+$0x0], $0xffff;
	[tilespmem:v3+s13+$0x0] =	vst.idx.msk $0xffff, v6  }
0x509: {  	v6 =	vld [tilespmem:$0x1FBC0];
	_ =	sdelay $0x3  }
0x50a: {  	[tilespmem:v14+s13+$0x0] =	vst.idx.msk $0xffff, v51  }
0x50b: {  	v3 =	vld [tilespmem:$0x1FD70];
	_ =	sdelay $0x2  }
0x50c: {  	v15 =	vor.u32 $0xA, v53;
	v6 =	vld.idx.msk [tilespmem:v6+s8+$0x0], $0xffff;
	_ =	sdelay $0x4  }
0x50d: {  	v14 =	vor.u32 $0xA, v9;
	v51 =	vld.idx.msk [tilespmem:v15+s8+$0x0], $0xffff;
	[tilespmem:v3+s13+$0x0] =	vst.idx.msk $0xffff, v6  }
0x50e: {  	v6 =	vld [tilespmem:$0x1FA80];
	_ =	sdelay $0x3  }
0x50f: {  	[tilespmem:v14+s13+$0x0] =	vst.idx.msk $0xffff, v51  }
0x510: {  	v3 =	vld [tilespmem:$0x1FD80];
	_ =	sdelay $0x2  }
0x511: {  	v15 =	vor.u32 $0xA, v62;
	v6 =	vld.idx.msk [tilespmem:v6+s8+$0x0], $0xffff;
	_ =	sdelay $0x4  }
0x512: {  	v14 =	vor.u32 $0x2A, v9;
	v51 =	vld.idx.msk [tilespmem:v15+s8+$0x0], $0xffff;
	[tilespmem:v3+s13+$0x0] =	vst.idx.msk $0xffff, v6  }
0x513: {  	v6 =	vld [tilespmem:$0x1FBD0];
	_ =	sdelay $0x3  }
0x514: {  	[tilespmem:v14+s13+$0x0] =	vst.idx.msk $0xffff, v51  }
0x515: {  	v3 =	vld [tilespmem:$0x1FD90];
	_ =	sdelay $0x2  }
0x516: {  	v15 =	vor.u32 $0xB, v53;
	v6 =	vld.idx.msk [tilespmem:v6+s8+$0x0], $0xffff;
	_ =	sdelay $0x4  }
0x517: {  	v14 =	vor.u32 $0xB, v9;
	v51 =	vld.idx.msk [tilespmem:v15+s8+$0x0], $0xffff;
	[tilespmem:v3+s13+$0x0] =	vst.idx.msk $0xffff, v6  }
0x518: {  	v6 =	vld [tilespmem:$0x1FAA0];
	_ =	sdelay $0x3  }
0x519: {  	[tilespmem:v14+s13+$0x0] =	vst.idx.msk $0xffff, v51  }
0x51a: {  	v3 =	vld [tilespmem:$0x1FDA0];
	_ =	sdelay $0x2  }
0x51b: {  	v15 =	vor.u32 $0xB, v62;
	v6 =	vld.idx.msk [tilespmem:v6+s8+$0x0], $0xffff;
	_ =	sdelay $0x4  }
0x51c: {  	v14 =	vor.u32 $0x2B, v9;
	v51 =	vld.idx.msk [tilespmem:v15+s8+$0x0], $0xffff;
	[tilespmem:v3+s13+$0x0] =	vst.idx.msk $0xffff, v6  }
0x51d: {  	v6 =	vld [tilespmem:$0x1FBE0];
	_ =	sdelay $0x3  }
0x51e: {  	[tilespmem:v14+s13+$0x0] =	vst.idx.msk $0xffff, v51  }
0x51f: {  	v3 =	vld [tilespmem:$0x1FDB0];
	_ =	sdelay $0x2  }
0x520: {  	v15 =	vor.u32 $0xC, v53;
	v6 =	vld.idx.msk [tilespmem:v6+s8+$0x0], $0xffff;
	_ =	sdelay $0x4  }
0x521: {  	v14 =	vor.u32 $0xC, v9;
	v51 =	vld.idx.msk [tilespmem:v15+s8+$0x0], $0xffff;
	[tilespmem:v3+s13+$0x0] =	vst.idx.msk $0xffff, v6  }
0x522: {  	v6 =	vld [tilespmem:$0x1FAC0];
	_ =	sdelay $0x3  }
0x523: {  	[tilespmem:v14+s13+$0x0] =	vst.idx.msk $0xffff, v51  }
0x524: {  	v3 =	vld [tilespmem:$0x1FDD0];
	_ =	sdelay $0x2  }
0x525: {  	v15 =	vor.u32 $0xC, v62;
	v6 =	vld.idx.msk [tilespmem:v6+s8+$0x0], $0xffff;
	_ =	sdelay $0x4  }
0x526: {  	v14 =	vor.u32 $0x2C, v9;
	v51 =	vld.idx.msk [tilespmem:v15+s8+$0x0], $0xffff;
	[tilespmem:v3+s13+$0x0] =	vst.idx.msk $0xffff, v6  }
0x527: {  	v6 =	vld [tilespmem:$0x1FBF0];
	_ =	sdelay $0x3  }
0x528: {  	[tilespmem:v14+s13+$0x0] =	vst.idx.msk $0xffff, v51  }
0x529: {  	v3 =	vld [tilespmem:$0x1FDF0];
	_ =	sdelay $0x2  }
0x52a: {  	v15 =	vor.u32 $0xD, v53;
	v6 =	vld.idx.msk [tilespmem:v6+s8+$0x0], $0xffff;
	_ =	sdelay $0x4  }
0x52b: {  	v14 =	vor.u32 $0xD, v9;
	v51 =	vld.idx.msk [tilespmem:v15+s8+$0x0], $0xffff;
	[tilespmem:v3+s13+$0x0] =	vst.idx.msk $0xffff, v6  }
0x52c: {  	v6 =	vld [tilespmem:$0x1FAD0];
	_ =	sdelay $0x3  }
0x52d: {  	[tilespmem:v14+s13+$0x0] =	vst.idx.msk $0xffff, v51  }
0x52e: {  	v3 =	vld [tilespmem:$0x1FE00];
	_ =	sdelay $0x2  }
0x52f: {  	v15 =	vor.u32 $0xD, v62;
	v6 =	vld.idx.msk [tilespmem:v6+s8+$0x0], $0xffff;
	_ =	sdelay $0x4  }
0x530: {  	v14 =	vor.u32 $0x2D, v9;
	v51 =	vld.idx.msk [tilespmem:v15+s8+$0x0], $0xffff;
	[tilespmem:v3+s13+$0x0] =	vst.idx.msk $0xffff, v6  }
0x531: {  	v6 =	vld [tilespmem:$0x1FC10];
	_ =	sdelay $0x3  }
0x532: {  	[tilespmem:v14+s13+$0x0] =	vst.idx.msk $0xffff, v51  }
0x533: {  	v3 =	vld [tilespmem:$0x1FE10];
	_ =	sdelay $0x2  }
0x534: {  	v15 =	vor.u32 $0xE, v53;
	v6 =	vld.idx.msk [tilespmem:v6+s8+$0x0], $0xffff;
	_ =	sdelay $0x4  }
0x535: {  	v14 =	vor.u32 $0xE, v9;
	v51 =	vld.idx.msk [tilespmem:v15+s8+$0x0], $0xffff;
	[tilespmem:v3+s13+$0x0] =	vst.idx.msk $0xffff, v6  }
0x536: {  	v6 =	vld [tilespmem:$0x1FAE0];
	_ =	sdelay $0x3  }
0x537: {  	[tilespmem:v14+s13+$0x0] =	vst.idx.msk $0xffff, v51  }
0x538: {  	v3 =	vld [tilespmem:$0x1FE20];
	_ =	sdelay $0x2  }
0x539: {  	v15 =	vor.u32 $0xE, v62;
	v6 =	vld.idx.msk [tilespmem:v6+s8+$0x0], $0xffff;
	_ =	sdelay $0x4  }
0x53a: {  	v14 =	vor.u32 $0x2E, v9;
	v51 =	vld.idx.msk [tilespmem:v15+s8+$0x0], $0xffff;
	[tilespmem:v3+s13+$0x0] =	vst.idx.msk $0xffff, v6  }
0x53b: {  	v6 =	vld [tilespmem:$0x1FC30];
	_ =	sdelay $0x3  }
0x53c: {  	[tilespmem:v14+s13+$0x0] =	vst.idx.msk $0xffff, v51  }
0x53d: {  	v3 =	vld [tilespmem:$0x1FE30];
	_ =	sdelay $0x2  }
0x53e: {  	v15 =	vor.u32 $0xF, v53;
	v6 =	vld.idx.msk [tilespmem:v6+s8+$0x0], $0xffff;
	_ =	sdelay $0x4  }
0x53f: {  	v14 =	vor.u32 $0xF, v9;
	v51 =	vld.idx.msk [tilespmem:v15+s8+$0x0], $0xffff;
	[tilespmem:v3+s13+$0x0] =	vst.idx.msk $0xffff, v6  }
0x540: {  	v6 =	vld [tilespmem:$0x1FAF0];
	_ =	sdelay $0x3  }
0x541: {  	[tilespmem:v14+s13+$0x0] =	vst.idx.msk $0xffff, v51  }
0x542: {  	v3 =	vld [tilespmem:$0x1FE40];
	_ =	sdelay $0x2  }
0x543: {  	v15 =	vor.u32 $0xF, v62;
	v6 =	vld.idx.msk [tilespmem:v6+s8+$0x0], $0xffff;
	_ =	sdelay $0x4  }
0x544: {  	v14 =	vor.u32 $0x2F, v9;
	v51 =	vld.idx.msk [tilespmem:v15+s8+$0x0], $0xffff;
	[tilespmem:v3+s13+$0x0] =	vst.idx.msk $0xffff, v6  }
0x545: {  	v6 =	vld [tilespmem:$0x1FC40];
	_ =	sdelay $0x3  }
0x546: {  	[tilespmem:v14+s13+$0x0] =	vst.idx.msk $0xffff, v51  }
0x547: {  	v3 =	vld [tilespmem:$0x1FE60];
	_ =	sdelay $0x2  }
0x548: {  	v15 =	vor.u32 $0x10, v53;
	v6 =	vld.idx.msk [tilespmem:v6+s8+$0x0], $0xffff;
	_ =	sdelay $0x4  }
0x549: {  	v14 =	vor.u32 $0x10, v9;
	v51 =	vld.idx.msk [tilespmem:v15+s8+$0x0], $0xffff;
	[tilespmem:v3+s13+$0x0] =	vst.idx.msk $0xffff, v6  }
0x54a: {  	v6 =	vld [tilespmem:$0x1FB00];
	_ =	sdelay $0x3  }
0x54b: {  	[tilespmem:v14+s13+$0x0] =	vst.idx.msk $0xffff, v51  }
0x54c: {  	v3 =	vld [tilespmem:$0x1FE70];
	_ =	sdelay $0x2  }
0x54d: {  	v15 =	vor.u32 $0x10, v62;
	v6 =	vld.idx.msk [tilespmem:v6+s8+$0x0], $0xffff;
	_ =	sdelay $0x4  }
0x54e: {  	v14 =	vor.u32 $0x30, v9;
	v51 =	vld.idx.msk [tilespmem:v15+s8+$0x0], $0xffff;
	[tilespmem:v3+s13+$0x0] =	vst.idx.msk $0xffff, v6  }
0x54f: {  	v6 =	vld [tilespmem:$0x1FC50];
	_ =	sdelay $0x3  }
0x550: {  	[tilespmem:v14+s13+$0x0] =	vst.idx.msk $0xffff, v51  }
0x551: {  	v3 =	vld [tilespmem:$0x1FE80];
	_ =	sdelay $0x2  }
0x552: {  	v15 =	vor.u32 $0x11, v53;
	v6 =	vld.idx.msk [tilespmem:v6+s8+$0x0], $0xffff;
	_ =	sdelay $0x4  }
0x553: {  	v14 =	vor.u32 $0x11, v9;
	v51 =	vld.idx.msk [tilespmem:v15+s8+$0x0], $0xffff;
	[tilespmem:v3+s13+$0x0] =	vst.idx.msk $0xffff, v6  }
0x554: {  	v15 =	vor.u32 $0x11, v62;
	[tilespmem:v2+s13+$0x0] =	vst.idx.msk $0xffff, v0;
	v6 =	vld.idx.msk [tilespmem:v44+s8+$0x0], $0xffff  }
0x555: {  	v0 =	vld.idx.msk [tilespmem:v10+s8+$0x0], $0xffff;
	v44 =	vor.u32 $0x31, v4;
	_ =	sdelay $0x2  }
0x556: {  	[tilespmem:v14+s13+$0x0] =	vst.idx.msk $0xffff, v51  }
0x557: {  	v5 =	vld.idx.msk [tilespmem:v15+s8+$0x0], $0xffff;
	[tilespmem:v29+s13+$0x0] =	vst.idx.msk $0xffff, v6  }
0x558: {  	v15 =	vld [tilespmem:$0x1FC60];
	[tilespmem:v44+s13+$0x0] =	vst.idx.msk $0xffff, v0  }
0x559: {  	v0 =	vld [tilespmem:$0x1F8F0];
	_ =	sdelay $0x1  }
0x55a: {  	v14 =	vor.u32 $0x31, v9;
	_ =	sdelay $0x4  }
0x55b: {  	[tilespmem:v14+s13+$0x0] =	vst.idx.msk $0xffff, v5  }
0x55c: {  	v51 =	vor.u32 $0x12, v50;
	[tilespmem:v0+s13+$0x0] =	vst.idx.msk $0xffff, v7  }
0x55d: {  	v6 =	vld [tilespmem:$0x1FE90];
	_ =	sdelay $0x2  }
0x55e: {  	v8 =	vld.idx.msk [tilespmem:v15+s8+$0x0], $0xffff  }
0x55f: {  	v2 =	vor.u32 $0x12, v4;
	v0 =	vld.idx.msk [tilespmem:v51+s8+$0x0], $0xffff  }
0x560: {  	v44 =	vld [tilespmem:$0x1F750];
	_ =	sdelay $0x1  }
0x561: {  	v29 =	vor.u32 $0x12, v53  }
0x562: {  	[tilespmem:v6+s13+$0x0] =	vst.idx.msk $0xffff, v8  }
0x563: {  	v8 =	vld [tilespmem:$0x1FB10];
	[tilespmem:v2+s13+$0x0] =	vst.idx.msk $0xffff, v0  }
0x564: {  	v0 =	vld [tilespmem:$0x1F900];
	_ =	sdelay $0x1  }
0x565: {  	v14 =	vld.idx.msk [tilespmem:v29+s8+$0x0], $0xffff;
	v15 =	vor.u32 $0x12, v9  }
0x566: {  	v3 =	vld.idx.msk [tilespmem:v44+s8+$0x0], $0xffff;
	_ =	sdelay $0x3  }
0x567: {  	[tilespmem:v15+s13+$0x0] =	vst.idx.msk $0xffff, v14  }
0x568: {  	v51 =	vor.u32 $0x12, v60;
	[tilespmem:v0+s13+$0x0] =	vst.idx.msk $0xffff, v3  }
0x569: {  	v6 =	vld [tilespmem:$0x1FEA0];
	_ =	sdelay $0x2  }
0x56a: {  	v8 =	vld.idx.msk [tilespmem:v8+s8+$0x0], $0xffff  }
0x56b: {  	v44 =	vor.u32 $0x32, v4;
	v0 =	vld.idx.msk [tilespmem:v51+s8+$0x0], $0xffff  }
0x56c: {  	v3 =	vld [tilespmem:$0x1F820];
	_ =	sdelay $0x1  }
0x56d: {  	v29 =	vor.u32 $0x12, v62  }
0x56e: {  	[tilespmem:v6+s13+$0x0] =	vst.idx.msk $0xffff, v8  }
0x56f: {  	v8 =	vld [tilespmem:$0x1FC70];
	[tilespmem:v44+s13+$0x0] =	vst.idx.msk $0xffff, v0  }
0x570: {  	v0 =	vld [tilespmem:$0x1F910];
	_ =	sdelay $0x1  }
0x571: {  	v15 =	vor.u32 $0x32, v9;
	v14 =	vld.idx.msk [tilespmem:v29+s8+$0x0], $0xffff  }
0x572: {  	v3 =	vld.idx.msk [tilespmem:v3+s8+$0x0], $0xffff;
	_ =	sdelay $0x3  }
0x573: {  	[tilespmem:v15+s13+$0x0] =	vst.idx.msk $0xffff, v14  }
0x574: {  	v51 =	vor.u32 $0x13, v50;
	[tilespmem:v0+s13+$0x0] =	vst.idx.msk $0xffff, v3  }
0x575: {  	v6 =	vld [tilespmem:$0x1FEB0];
	_ =	sdelay $0x2  }
0x576: {  	v8 =	vld.idx.msk [tilespmem:v8+s8+$0x0], $0xffff  }
0x577: {  	v44 =	vor.u32 $0x13, v4;
	v0 =	vld.idx.msk [tilespmem:v51+s8+$0x0], $0xffff  }
0x578: {  	v3 =	vld [tilespmem:$0x1F760];
	_ =	sdelay $0x1  }
0x579: {  	v29 =	vor.u32 $0x13, v53  }
0x57a: {  	[tilespmem:v6+s13+$0x0] =	vst.idx.msk $0xffff, v8  }
0x57b: {  	v8 =	vld [tilespmem:$0x1FB20];
	[tilespmem:v44+s13+$0x0] =	vst.idx.msk $0xffff, v0  }
0x57c: {  	v0 =	vld [tilespmem:$0x1F920];
	_ =	sdelay $0x1  }
0x57d: {  	v15 =	vor.u32 $0x13, v9;
	v14 =	vld.idx.msk [tilespmem:v29+s8+$0x0], $0xffff  }
0x57e: {  	v3 =	vld.idx.msk [tilespmem:v3+s8+$0x0], $0xffff;
	_ =	sdelay $0x3  }
0x57f: {  	[tilespmem:v15+s13+$0x0] =	vst.idx.msk $0xffff, v14  }
0x580: {  	v51 =	vor.u32 $0x13, v60;
	[tilespmem:v0+s13+$0x0] =	vst.idx.msk $0xffff, v3  }
0x581: {  	v6 =	vld [tilespmem:$0x1FEC0];
	_ =	sdelay $0x2  }
0x582: {  	v8 =	vld.idx.msk [tilespmem:v8+s8+$0x0], $0xffff  }
0x583: {  	v44 =	vor.u32 $0x33, v4;
	v0 =	vld.idx.msk [tilespmem:v51+s8+$0x0], $0xffff  }
0x584: {  	v3 =	vld [tilespmem:$0x1F830];
	_ =	sdelay $0x1  }
0x585: {  	v29 =	vor.u32 $0x13, v62  }
0x586: {  	[tilespmem:v6+s13+$0x0] =	vst.idx.msk $0xffff, v8  }
0x587: {  	v8 =	vld [tilespmem:$0x1FC80];
	[tilespmem:v44+s13+$0x0] =	vst.idx.msk $0xffff, v0  }
0x588: {  	v0 =	vld [tilespmem:$0x1F930];
	_ =	sdelay $0x1  }
0x589: {  	v15 =	vor.u32 $0x33, v9;
	v14 =	vld.idx.msk [tilespmem:v29+s8+$0x0], $0xffff  }
0x58a: {  	v3 =	vld.idx.msk [tilespmem:v3+s8+$0x0], $0xffff;
	_ =	sdelay $0x3  }
0x58b: {  	[tilespmem:v15+s13+$0x0] =	vst.idx.msk $0xffff, v14  }
0x58c: {  	v51 =	vor.u32 $0x14, v50;
	[tilespmem:v0+s13+$0x0] =	vst.idx.msk $0xffff, v3  }
0x58d: {  	v6 =	vld [tilespmem:$0x1FEE0];
	_ =	sdelay $0x2  }
0x58e: {  	v8 =	vld.idx.msk [tilespmem:v8+s8+$0x0], $0xffff  }
0x58f: {  	v44 =	vor.u32 $0x14, v4;
	v0 =	vld.idx.msk [tilespmem:v51+s8+$0x0], $0xffff  }
0x590: {  	v3 =	vld [tilespmem:$0x1F770];
	_ =	sdelay $0x1  }
0x591: {  	v29 =	vor.u32 $0x14, v53  }
0x592: {  	[tilespmem:v6+s13+$0x0] =	vst.idx.msk $0xffff, v8  }
0x593: {  	v8 =	vld [tilespmem:$0x1FB30];
	[tilespmem:v44+s13+$0x0] =	vst.idx.msk $0xffff, v0  }
0x594: {  	v0 =	vld [tilespmem:$0x1F940];
	_ =	sdelay $0x1  }
0x595: {  	v15 =	vor.u32 $0x14, v9;
	v14 =	vld.idx.msk [tilespmem:v29+s8+$0x0], $0xffff  }
0x596: {  	v3 =	vld.idx.msk [tilespmem:v3+s8+$0x0], $0xffff;
	_ =	sdelay $0x3  }
0x597: {  	[tilespmem:v15+s13+$0x0] =	vst.idx.msk $0xffff, v14  }
0x598: {  	v51 =	vor.u32 $0x14, v60;
	[tilespmem:v0+s13+$0x0] =	vst.idx.msk $0xffff, v3  }
0x599: {  	v6 =	vld [tilespmem:$0x1FF00];
	_ =	sdelay $0x2  }
0x59a: {  	v8 =	vld.idx.msk [tilespmem:v8+s8+$0x0], $0xffff  }
0x59b: {  	v44 =	vor.u32 $0x34, v4;
	v0 =	vld.idx.msk [tilespmem:v51+s8+$0x0], $0xffff  }
0x59c: {  	v3 =	vld [tilespmem:$0x1F840];
	_ =	sdelay $0x1  }
0x59d: {  	v29 =	vor.u32 $0x14, v62  }
0x59e: {  	[tilespmem:v6+s13+$0x0] =	vst.idx.msk $0xffff, v8  }
0x59f: {  	v8 =	vld [tilespmem:$0x1FCA0];
	[tilespmem:v44+s13+$0x0] =	vst.idx.msk $0xffff, v0  }
0x5a0: {  	v0 =	vld [tilespmem:$0x1F950];
	_ =	sdelay $0x1  }
0x5a1: {  	v15 =	vor.u32 $0x34, v9;
	v14 =	vld.idx.msk [tilespmem:v29+s8+$0x0], $0xffff  }
0x5a2: {  	v3 =	vld.idx.msk [tilespmem:v3+s8+$0x0], $0xffff;
	_ =	sdelay $0x3  }
0x5a3: {  	[tilespmem:v15+s13+$0x0] =	vst.idx.msk $0xffff, v14  }
0x5a4: {  	v51 =	vor.u32 $0x15, v50;
	[tilespmem:v0+s13+$0x0] =	vst.idx.msk $0xffff, v3  }
0x5a5: {  	v6 =	vld [tilespmem:$0x1FF10];
	_ =	sdelay $0x2  }
0x5a6: {  	v8 =	vld.idx.msk [tilespmem:v8+s8+$0x0], $0xffff  }
0x5a7: {  	v44 =	vor.u32 $0x15, v4;
	v0 =	vld.idx.msk [tilespmem:v51+s8+$0x0], $0xffff  }
0x5a8: {  	v3 =	vld [tilespmem:$0x1F780];
	_ =	sdelay $0x1  }
0x5a9: {  	v29 =	vor.u32 $0x15, v53  }
0x5aa: {  	[tilespmem:v6+s13+$0x0] =	vst.idx.msk $0xffff, v8  }
0x5ab: {  	v8 =	vld [tilespmem:$0x1FB40];
	[tilespmem:v44+s13+$0x0] =	vst.idx.msk $0xffff, v0  }
0x5ac: {  	v0 =	vld [tilespmem:$0x1F960];
	_ =	sdelay $0x1  }
0x5ad: {  	v15 =	vor.u32 $0x15, v9;
	v14 =	vld.idx.msk [tilespmem:v29+s8+$0x0], $0xffff  }
0x5ae: {  	v3 =	vld.idx.msk [tilespmem:v3+s8+$0x0], $0xffff;
	_ =	sdelay $0x3  }
0x5af: {  	[tilespmem:v15+s13+$0x0] =	vst.idx.msk $0xffff, v14  }
0x5b0: {  	v51 =	vor.u32 $0x15, v60;
	[tilespmem:v0+s13+$0x0] =	vst.idx.msk $0xffff, v3  }
0x5b1: {  	v6 =	vld [tilespmem:$0x1FF20];
	_ =	sdelay $0x2  }
0x5b2: {  	v8 =	vld.idx.msk [tilespmem:v8+s8+$0x0], $0xffff  }
0x5b3: {  	v44 =	vor.u32 $0x35, v4;
	v0 =	vld.idx.msk [tilespmem:v51+s8+$0x0], $0xffff  }
0x5b4: {  	v3 =	vld [tilespmem:$0x1F850];
	_ =	sdelay $0x1  }
0x5b5: {  	v29 =	vor.u32 $0x15, v62  }
0x5b6: {  	[tilespmem:v6+s13+$0x0] =	vst.idx.msk $0xffff, v8  }
0x5b7: {  	v8 =	vld [tilespmem:$0x1FCB0];
	[tilespmem:v44+s13+$0x0] =	vst.idx.msk $0xffff, v0  }
0x5b8: {  	v0 =	vld [tilespmem:$0x1F970];
	_ =	sdelay $0x1  }
0x5b9: {  	v15 =	vor.u32 $0x35, v9;
	v14 =	vld.idx.msk [tilespmem:v29+s8+$0x0], $0xffff  }
0x5ba: {  	v3 =	vld.idx.msk [tilespmem:v3+s8+$0x0], $0xffff;
	_ =	sdelay $0x3  }
0x5bb: {  	[tilespmem:v15+s13+$0x0] =	vst.idx.msk $0xffff, v14  }
0x5bc: {  	v51 =	vor.u32 $0x16, v50;
	[tilespmem:v0+s13+$0x0] =	vst.idx.msk $0xffff, v3  }
0x5bd: {  	v6 =	vld [tilespmem:$0x1FF40];
	_ =	sdelay $0x2  }
0x5be: {  	v8 =	vld.idx.msk [tilespmem:v8+s8+$0x0], $0xffff  }
0x5bf: {  	v44 =	vor.u32 $0x16, v4;
	v0 =	vld.idx.msk [tilespmem:v51+s8+$0x0], $0xffff  }
0x5c0: {  	v3 =	vld [tilespmem:$0x1F790];
	_ =	sdelay $0x1  }
0x5c1: {  	v29 =	vor.u32 $0x16, v53  }
0x5c2: {  	[tilespmem:v6+s13+$0x0] =	vst.idx.msk $0xffff, v8  }
0x5c3: {  	v8 =	vld [tilespmem:$0x1FB50];
	[tilespmem:v44+s13+$0x0] =	vst.idx.msk $0xffff, v0  }
0x5c4: {  	v0 =	vld [tilespmem:$0x1F980];
	_ =	sdelay $0x1  }
0x5c5: {  	v15 =	vor.u32 $0x16, v9;
	v14 =	vld.idx.msk [tilespmem:v29+s8+$0x0], $0xffff  }
0x5c6: {  	v3 =	vld.idx.msk [tilespmem:v3+s8+$0x0], $0xffff;
	_ =	sdelay $0x3  }
0x5c7: {  	[tilespmem:v15+s13+$0x0] =	vst.idx.msk $0xffff, v14  }
0x5c8: {  	v51 =	vor.u32 $0x16, v60;
	[tilespmem:v0+s13+$0x0] =	vst.idx.msk $0xffff, v3  }
0x5c9: {  	v6 =	vld [tilespmem:$0x1FF50];
	_ =	sdelay $0x2  }
0x5ca: {  	v8 =	vld.idx.msk [tilespmem:v8+s8+$0x0], $0xffff  }
0x5cb: {  	v44 =	vor.u32 $0x36, v4;
	v0 =	vld.idx.msk [tilespmem:v51+s8+$0x0], $0xffff  }
0x5cc: {  	v3 =	vld [tilespmem:$0x1F860];
	_ =	sdelay $0x1  }
0x5cd: {  	v29 =	vor.u32 $0x16, v62  }
0x5ce: {  	[tilespmem:v6+s13+$0x0] =	vst.idx.msk $0xffff, v8  }
0x5cf: {  	v8 =	vld [tilespmem:$0x1FCC0];
	[tilespmem:v44+s13+$0x0] =	vst.idx.msk $0xffff, v0  }
0x5d0: {  	v0 =	vld [tilespmem:$0x1F990];
	_ =	sdelay $0x1  }
0x5d1: {  	v15 =	vor.u32 $0x36, v9;
	v14 =	vld.idx.msk [tilespmem:v29+s8+$0x0], $0xffff  }
0x5d2: {  	v3 =	vld.idx.msk [tilespmem:v3+s8+$0x0], $0xffff;
	_ =	sdelay $0x3  }
0x5d3: {  	[tilespmem:v15+s13+$0x0] =	vst.idx.msk $0xffff, v14  }
0x5d4: {  	v51 =	vor.u32 $0x17, v50;
	[tilespmem:v0+s13+$0x0] =	vst.idx.msk $0xffff, v3  }
0x5d5: {  	v6 =	vld [tilespmem:$0x1FF60];
	_ =	sdelay $0x2  }
0x5d6: {  	v8 =	vld.idx.msk [tilespmem:v8+s8+$0x0], $0xffff  }
0x5d7: {  	v44 =	vor.u32 $0x17, v4;
	v0 =	vld.idx.msk [tilespmem:v51+s8+$0x0], $0xffff  }
0x5d8: {  	v3 =	vld [tilespmem:$0x1F7A0];
	_ =	sdelay $0x1  }
0x5d9: {  	v29 =	vor.u32 $0x17, v53  }
0x5da: {  	[tilespmem:v6+s13+$0x0] =	vst.idx.msk $0xffff, v8  }
0x5db: {  	v8 =	vld [tilespmem:$0x1FB60];
	[tilespmem:v44+s13+$0x0] =	vst.idx.msk $0xffff, v0  }
0x5dc: {  	v0 =	vld [tilespmem:$0x1F9B0];
	_ =	sdelay $0x1  }
0x5dd: {  	v15 =	vor.u32 $0x17, v9;
	v14 =	vld.idx.msk [tilespmem:v29+s8+$0x0], $0xffff  }
0x5de: {  	v3 =	vld.idx.msk [tilespmem:v3+s8+$0x0], $0xffff;
	_ =	sdelay $0x3  }
0x5df: {  	[tilespmem:v15+s13+$0x0] =	vst.idx.msk $0xffff, v14  }
0x5e0: {  	v51 =	vor.u32 $0x17, v60;
	[tilespmem:v0+s13+$0x0] =	vst.idx.msk $0xffff, v3  }
0x5e1: {  	v6 =	vld [tilespmem:$0x1FF80];
	_ =	sdelay $0x2  }
0x5e2: {  	v8 =	vld.idx.msk [tilespmem:v8+s8+$0x0], $0xffff  }
0x5e3: {  	v44 =	vor.u32 $0x37, v4;
	v0 =	vld.idx.msk [tilespmem:v51+s8+$0x0], $0xffff  }
0x5e4: {  	v3 =	vld [tilespmem:$0x1F870];
	_ =	sdelay $0x1  }
0x5e5: {  	v29 =	vor.u32 $0x17, v62  }
0x5e6: {  	[tilespmem:v6+s13+$0x0] =	vst.idx.msk $0xffff, v8  }
0x5e7: {  	v8 =	vld [tilespmem:$0x1FCD0];
	[tilespmem:v44+s13+$0x0] =	vst.idx.msk $0xffff, v0  }
0x5e8: {  	v0 =	vld [tilespmem:$0x1F9C0];
	_ =	sdelay $0x1  }
0x5e9: {  	v15 =	vor.u32 $0x37, v9;
	v14 =	vld.idx.msk [tilespmem:v29+s8+$0x0], $0xffff  }
0x5ea: {  	v3 =	vld.idx.msk [tilespmem:v3+s8+$0x0], $0xffff;
	_ =	sdelay $0x3  }
0x5eb: {  	[tilespmem:v15+s13+$0x0] =	vst.idx.msk $0xffff, v14  }
0x5ec: {  	v51 =	vor.u32 $0x18, v50;
	[tilespmem:v0+s13+$0x0] =	vst.idx.msk $0xffff, v3  }
0x5ed: {  	v6 =	vld [tilespmem:$0x1FF90];
	_ =	sdelay $0x2  }
0x5ee: {  	v8 =	vld.idx.msk [tilespmem:v8+s8+$0x0], $0xffff  }
0x5ef: {  	v44 =	vor.u32 $0x18, v4;
	v0 =	vld.idx.msk [tilespmem:v51+s8+$0x0], $0xffff  }
0x5f0: {  	v3 =	vld [tilespmem:$0x1F7B0];
	_ =	sdelay $0x1  }
0x5f1: {  	v29 =	vor.u32 $0x18, v53  }
0x5f2: {  	[tilespmem:v6+s13+$0x0] =	vst.idx.msk $0xffff, v8  }
0x5f3: {  	v8 =	vld [tilespmem:$0x1FB70];
	[tilespmem:v44+s13+$0x0] =	vst.idx.msk $0xffff, v0  }
0x5f4: {  	v0 =	vld [tilespmem:$0x1F9D0];
	_ =	sdelay $0x1  }
0x5f5: {  	v15 =	vor.u32 $0x18, v9;
	v14 =	vld.idx.msk [tilespmem:v29+s8+$0x0], $0xffff  }
0x5f6: {  	v3 =	vld.idx.msk [tilespmem:v3+s8+$0x0], $0xffff;
	_ =	sdelay $0x3  }
0x5f7: {  	[tilespmem:v15+s13+$0x0] =	vst.idx.msk $0xffff, v14  }
0x5f8: {  	v51 =	vor.u32 $0x18, v60;
	[tilespmem:v0+s13+$0x0] =	vst.idx.msk $0xffff, v3  }
0x5f9: {  	v6 =	vld [tilespmem:$0x1FFA0];
	_ =	sdelay $0x2  }
0x5fa: {  	v8 =	vld.idx.msk [tilespmem:v8+s8+$0x0], $0xffff  }
0x5fb: {  	v44 =	vor.u32 $0x38, v4;
	v0 =	vld.idx.msk [tilespmem:v51+s8+$0x0], $0xffff  }
0x5fc: {  	v3 =	vld [tilespmem:$0x1F880];
	_ =	sdelay $0x1  }
0x5fd: {  	v29 =	vor.u32 $0x18, v62  }
0x5fe: {  	[tilespmem:v6+s13+$0x0] =	vst.idx.msk $0xffff, v8  }
0x5ff: {  	v8 =	vld [tilespmem:$0x1FCE0];
	[tilespmem:v44+s13+$0x0] =	vst.idx.msk $0xffff, v0  }
0x600: {  	v0 =	vld [tilespmem:$0x1F9E0];
	_ =	sdelay $0x1  }
0x601: {  	v15 =	vor.u32 $0x38, v9;
	v14 =	vld.idx.msk [tilespmem:v29+s8+$0x0], $0xffff;
	v51 =	vor.u32 $0x19, v50  }
0x602: {  	v3 =	vld.idx.msk [tilespmem:v3+s8+$0x0], $0xffff;
	_ =	sdelay $0x3  }
0x603: {  	v44 =	vld.idx.msk [tilespmem:v51+s8+$0x0], $0xffff;
	v51 =	vor.u32 $0x19, v4;
	[tilespmem:v15+s13+$0x0] =	vst.idx.msk $0xffff, v14  }
0x604: {  	v8 =	vld.idx.msk [tilespmem:v8+s8+$0x0], $0xffff;
	[tilespmem:v0+s13+$0x0] =	vst.idx.msk $0xffff, v3  }
0x605: {  	v3 =	vld [tilespmem:$0x1F7C0];
	_ =	sdelay $0x1  }
0x606: {  	v29 =	vor.u32 $0x19, v53  }
0x607: {  	[tilespmem:v51+s13+$0x0] =	vst.idx.msk $0xffff, v44  }
0x608: {  	[tilespmem:v31+s13+$0x0] =	vst.idx.msk $0xffff, v8  }
0x609: {  	v0 =	vld [tilespmem:$0x1F9F0];
	_ =	sdelay $0x1  }
0x60a: {  	v15 =	vor.u32 $0x19, v9;
	v6 =	vld.idx.msk [tilespmem:v29+s8+$0x0], $0xffff  }
0x60b: {  	v14 =	vor.u32 $0x19, v60;
	v3 =	vld.idx.msk [tilespmem:v3+s8+$0x0], $0xffff;
	_ =	sdelay $0x3  }
0x60c: {  	v8 =	vld.idx.msk [tilespmem:v49+s8+$0x0], $0xffff;
	[tilespmem:v15+s13+$0x0] =	vst.idx.msk $0xffff, v6  }
0x60d: {  	v44 =	vor.u32 $0x39, v4;
	v31 =	vld.idx.msk [tilespmem:v14+s8+$0x0], $0xffff;
	[tilespmem:v0+s13+$0x0] =	vst.idx.msk $0xffff, v3  }
0x60e: {  	v3 =	vld [tilespmem:$0x1F890];
	_ =	sdelay $0x1  }
0x60f: {  	v29 =	vor.u32 $0x19, v62  }
0x610: {  	[tilespmem:v30+s13+$0x0] =	vst.idx.msk $0xffff, v8  }
0x611: {  	[tilespmem:v44+s13+$0x0] =	vst.idx.msk $0xffff, v31  }
0x612: {  	v0 =	vld [tilespmem:$0x1FA00];
	_ =	sdelay $0x1  }
0x613: {  	v51 =	vor.u32 $0x39, v9;
	v6 =	vld.idx.msk [tilespmem:v29+s8+$0x0], $0xffff  }
0x614: {  	v3 =	vld.idx.msk [tilespmem:v3+s8+$0x0], $0xffff  }
0x615: {  	v8 =	vld.idx.msk [tilespmem:v41+s8+$0x0], $0xffff;
	_ =	sdelay $0x2  }
0x616: {  	[tilespmem:v51+s13+$0x0] =	vst.idx.msk $0xffff, v6  }
0x617: {  	v49 =	vor.u32 $0x1A, v50;
	[tilespmem:v0+s13+$0x0] =	vst.idx.msk $0xffff, v3  }
0x618: {  	v3 =	vld [tilespmem:$0x1F7D0];
	[tilespmem:v20+s13+$0x0] =	vst.idx.msk $0xffff, v8  }
0x619: {  	[tilespmem:v27+s13+$0x0] =	vst.idx.msk $0xffff, v24  }
0x61a: {  	v11 =	vld [tilespmem:$0x1F5D0];
	_ =	sdelay $0x1  }
0x61b: {  	v29 =	vor.u32 $0x1A, v4;
	v15 =	vld.idx.msk [tilespmem:v49+s8+$0x0], $0xffff;
	_ =	sdelay $0x3  }
0x61c: {  	v14 =	vor.u32 $0x1A, v53  }
0x61d: {  	[tilespmem:v29+s13+$0x0] =	vst.idx.msk $0xffff, v15  }
0x61e: {  	[tilespmem:v11+s13+$0x0] =	vst.idx.msk $0xffff, v26  }
0x61f: {  	v11 =	vld [tilespmem:$0x1FA10];
	_ =	sdelay $0x1  }
0x620: {  	v31 =	vor.u32 $0x1A, v9;
	v6 =	vld.idx.msk [tilespmem:v14+s8+$0x0], $0xffff  }
0x621: {  	v3 =	vld.idx.msk [tilespmem:v3+s8+$0x0], $0xffff  }
0x622: {  	v8 =	vld.idx.msk [tilespmem:v13+s8+$0x0], $0xffff;
	_ =	sdelay $0x2  }
0x623: {  	[tilespmem:v31+s13+$0x0] =	vst.idx.msk $0xffff, v6  }
0x624: {  	[tilespmem:v11+s13+$0x0] =	vst.idx.msk $0xffff, v3  }
0x625: {  	v6 =	vld [tilespmem:$0x1F8A0];
	[tilespmem:v17+s13+$0x0] =	vst.idx.msk $0xffff, v8  }
0x626: {  	v30 =	vor.u32 $0x1A, v60;
	v11 =	vld [tilespmem:$0x1F6A0]  }
0x627: {  	v41 =	vor.u32 $0x1A, v62  }
0x628: {  	v49 =	vor.u32 $0x1B, v1;
	v44 =	vld.idx.msk [tilespmem:v23+s8+$0x0], $0xffff;
	_ =	sdelay $0x2  }
0x629: {  	v20 =	vor.u32 $0x3A, v4;
	v51 =	vld.idx.msk [tilespmem:v30+s8+$0x0], $0xffff  }
0x62a: {  	v26 =	vor.u32 $0x3A, v9;
	v24 =	vld.idx.msk [tilespmem:v41+s8+$0x0], $0xffff  }
0x62b: {  	[tilespmem:v49+s13+$0x0] =	vst.idx.msk $0xffff, v44;
	v6 =	vld.idx.msk [tilespmem:v6+s8+$0x0], $0xffff  }
0x62c: {  	v27 =	vld.idx.msk [tilespmem:v12+s8+$0x0], $0xffff;
	[tilespmem:v11+s13+$0x0] =	vst.idx.msk $0xffff, v25  }
0x62d: {  	v0 =	vld [tilespmem:$0x1F5E0]  }
0x62e: {  	[tilespmem:v20+s13+$0x0] =	vst.idx.msk $0xffff, v51  }
0x62f: {  	v2 =	vld [tilespmem:$0x1F600];
	[tilespmem:v26+s13+$0x0] =	vst.idx.msk $0xffff, v24  }
0x630: {  	[tilespmem:v32+s13+$0x0] =	vst.idx.msk $0xffff, v6  }
0x631: {  	v32 =	vld [tilespmem:$0x1F7E0];
	[tilespmem:v46+s13+$0x0] =	vst.idx.msk $0xffff, v27  }
0x632: {  	v46 =	vld [tilespmem:$0x1F5F0];
	_ =	sdelay $0x2  }
0x633: {  	v0 =	vld.idx.msk [tilespmem:v0+s8+$0x0], $0xffff;
	_ =	sdelay $0x2  }
0x634: {  	v23 =	vor.u32 $0x1B, v50;
	_ =	sdelay $0x1  }
0x635: {  	[tilespmem:v46+s13+$0x0] =	vst.idx.msk $0xffff, v0  }
0x636: {  	v51 =	vld [tilespmem:$0x1F6B0];
	_ =	sdelay $0x1  }
0x637: {  	v31 =	vor.u32 $0x1B, v4;
	v5 =	vld.idx.msk [tilespmem:v23+s8+$0x0], $0xffff  }
0x638: {  	v2 =	vld.idx.msk [tilespmem:v2+s8+$0x0], $0xffff;
	_ =	sdelay $0x2  }
0x639: {  	v29 =	vor.u32 $0x1B, v53  }
0x63a: {  	v0 =	vld [tilespmem:$0x1FBA0];
	[tilespmem:v31+s13+$0x0] =	vst.idx.msk $0xffff, v5  }
0x63b: {  	[tilespmem:v51+s13+$0x0] =	vst.idx.msk $0xffff, v2  }
0x63c: {  	v13 =	vld [tilespmem:$0x1FA20];
	_ =	sdelay $0x1  }
0x63d: {  	v44 =	vor.u32 $0x1B, v9;
	v10 =	vld.idx.msk [tilespmem:v29+s8+$0x0], $0xffff  }
0x63e: {  	v7 =	vld.idx.msk [tilespmem:v32+s8+$0x0], $0xffff;
	_ =	sdelay $0x2  }
0x63f: {  	v30 =	vor.u32 $0x1B, v47  }
0x640: {  	v5 =	vld [tilespmem:$0x1F650];
	[tilespmem:v44+s13+$0x0] =	vst.idx.msk $0xffff, v10  }
0x641: {  	[tilespmem:v13+s13+$0x0] =	vst.idx.msk $0xffff, v7  }
0x642: {  	v13 =	vld [tilespmem:$0x1FFC0];
	_ =	sdelay $0x1  }
0x643: {  	v17 =	vld.idx.msk [tilespmem:v30+s8+$0x0], $0xffff;
	v20 =	vor.u32 $0x3B, v1  }
0x644: {  	v0 =	vld.idx.msk [tilespmem:v0+s8+$0x0], $0xffff;
	_ =	sdelay $0x2  }
0x645: {  	v41 =	vor.u32 $0x1B, v60  }
0x646: {  	v10 =	vld [tilespmem:$0x1F8B0];
	[tilespmem:v20+s13+$0x0] =	vst.idx.msk $0xffff, v17  }
0x647: {  	[tilespmem:v13+s13+$0x0] =	vst.idx.msk $0xffff, v0  }
0x648: {  	v13 =	vld [tilespmem:$0x1F6C0];
	_ =	sdelay $0x1  }
0x649: {  	v25 =	vor.u32 $0x3B, v4;
	v24 =	vld.idx.msk [tilespmem:v41+s8+$0x0], $0xffff  }
0x64a: {  	v5 =	vld.idx.msk [tilespmem:v5+s8+$0x0], $0xffff;
	_ =	sdelay $0x1  }
0x64b: {  	v2 =	vld [tilespmem:$0x1FCF0]  }
0x64c: {  	v49 =	vor.u32 $0x1B, v62  }
0x64d: {  	[tilespmem:v25+s13+$0x0] =	vst.idx.msk $0xffff, v24  }
0x64e: {  	[tilespmem:v13+s13+$0x0] =	vst.idx.msk $0xffff, v5  }
0x64f: {  	v23 =	vor.u32 $0x1C, v39;
	v13 =	vld [tilespmem:$0x1FA30];
	_ =	sdelay $0x1  }
0x650: {  	v29 =	vor.u32 $0x3B, v9;
	v27 =	vld.idx.msk [tilespmem:v49+s8+$0x0], $0xffff  }
0x651: {  	v10 =	vld.idx.msk [tilespmem:v10+s8+$0x0], $0xffff  }
0x652: {  	v2 =	vld.idx.msk [tilespmem:v2+s8+$0x0], $0xffff  }
0x653: {  	v32 =	vor.u32 $0x1C, v1;
	v31 =	vld.idx.msk [tilespmem:v23+s8+$0x0], $0xffff  }
0x654: {  	v7 =	vld [tilespmem:$0x1F610]  }
0x655: {  	[tilespmem:v29+s13+$0x0] =	vst.idx.msk $0xffff, v27  }
0x656: {  	v26 =	vor.u32 $0x1C, v50;
	[tilespmem:v13+s13+$0x0] =	vst.idx.msk $0xffff, v10  }
0x657: {  	v0 =	vld [tilespmem:$0x1F7F0];
	[tilespmem:v48+s13+$0x0] =	vst.idx.msk $0xffff, v2  }
0x658: {  	[tilespmem:v32+s13+$0x0] =	vst.idx.msk $0xffff, v31  }
0x659: {  	v13 =	vld [tilespmem:$0x1F6D0];
	_ =	sdelay $0x1  }
0x65a: {  	v46 =	vor.u32 $0x1C, v4;
	v44 =	vld.idx.msk [tilespmem:v26+s8+$0x0], $0xffff  }
0x65b: {  	v7 =	vld.idx.msk [tilespmem:v7+s8+$0x0], $0xffff;
	_ =	sdelay $0x2  }
0x65c: {  	v30 =	vor.u32 $0x1C, v53  }
0x65d: {  	[tilespmem:v46+s13+$0x0] =	vst.idx.msk $0xffff, v44  }
0x65e: {  	[tilespmem:v13+s13+$0x0] =	vst.idx.msk $0xffff, v7  }
0x65f: {  	v41 =	vor.u32 $0x1C, v47;
	v13 =	vld [tilespmem:$0x1FA40];
	_ =	sdelay $0x1  }
0x660: {  	v17 =	vor.u32 $0x1C, v9;
	v51 =	vld.idx.msk [tilespmem:v30+s8+$0x0], $0xffff  }
0x661: {  	v0 =	vld.idx.msk [tilespmem:v0+s8+$0x0], $0xffff  }
0x662: {  	v23 =	vld.idx.msk [tilespmem:v58+s8+$0x0], $0xffff  }
0x663: {  	v25 =	vor.u32 $0x3C, v1;
	v24 =	vld.idx.msk [tilespmem:v41+s8+$0x0], $0xffff;
	_ =	sdelay $0x1  }
0x664: {  	v11 =	vld [tilespmem:$0x1F660];
	[tilespmem:v17+s13+$0x0] =	vst.idx.msk $0xffff, v51  }
0x665: {  	[tilespmem:v13+s13+$0x0] =	vst.idx.msk $0xffff, v0  }
0x666: {  	v49 =	vor.u32 $0x1C, v60;
	v3 =	vld [tilespmem:$0x1F8C0];
	[tilespmem:v28+s13+$0x0] =	vst.idx.msk $0xffff, v23  }
0x667: {  	[tilespmem:v25+s13+$0x0] =	vst.idx.msk $0xffff, v24  }
0x668: {  	v8 =	vld [tilespmem:$0x1FD10]  }
0x669: {  	v20 =	vor.u32 $0x1C, v62;
	v13 =	vld [tilespmem:$0x1F6E0];
	_ =	sdelay $0x1  }
0x66a: {  	v29 =	vor.u32 $0x3C, v4;
	v27 =	vld.idx.msk [tilespmem:v49+s8+$0x0], $0xffff  }
0x66b: {  	v26 =	vor.u32 $0x1D, v39;
	v11 =	vld.idx.msk [tilespmem:v11+s8+$0x0], $0xffff;
	_ =	sdelay $0x1  }
0x66c: {  	v31 =	vor.u32 $0x3C, v9;
	v5 =	vld.idx.msk [tilespmem:v20+s8+$0x0], $0xffff  }
0x66d: {  	v3 =	vld.idx.msk [tilespmem:v3+s8+$0x0], $0xffff  }
0x66e: {  	[tilespmem:v29+s13+$0x0] =	vst.idx.msk $0xffff, v27;
	v8 =	vld.idx.msk [tilespmem:v8+s8+$0x0], $0xffff  }
0x66f: {  	v41 =	vor.u32 $0x1D, v1;
	v10 =	vld.idx.msk [tilespmem:v26+s8+$0x0], $0xffff;
	[tilespmem:v13+s13+$0x0] =	vst.idx.msk $0xffff, v11  }
0x670: {  	v12 =	vld [tilespmem:$0x1F620]  }
0x671: {  	[tilespmem:v31+s13+$0x0] =	vst.idx.msk $0xffff, v5  }
0x672: {  	v30 =	vor.u32 $0x1D, v50;
	[tilespmem:v59+s13+$0x0] =	vst.idx.msk $0xffff, v3  }
0x673: {  	v6 =	vld [tilespmem:$0x1F800];
	[tilespmem:v22+s13+$0x0] =	vst.idx.msk $0xffff, v8  }
0x674: {  	[tilespmem:v41+s13+$0x0] =	vst.idx.msk $0xffff, v10  }
0x675: {  	v32 =	vor.u32 $0x1D, v53;
	v13 =	vld [tilespmem:$0x1F6F0];
	_ =	sdelay $0x1  }
0x676: {  	v46 =	vor.u32 $0x1D, v4;
	v2 =	vld.idx.msk [tilespmem:v30+s8+$0x0], $0xffff  }
0x677: {  	v44 =	vor.u32 $0x1D, v47;
	v12 =	vld.idx.msk [tilespmem:v12+s8+$0x0], $0xffff;
	_ =	sdelay $0x1  }
0x678: {  	v49 =	vor.u32 $0x1D, v9;
	v7 =	vld.idx.msk [tilespmem:v32+s8+$0x0], $0xffff  }
0x679: {  	v6 =	vld.idx.msk [tilespmem:v6+s8+$0x0], $0xffff  }
0x67a: {  	v58 =	vld.idx.msk [tilespmem:v35+s8+$0x0], $0xffff;
	[tilespmem:v46+s13+$0x0] =	vst.idx.msk $0xffff, v2  }
0x67b: {  	v59 =	vor.u32 $0x3D, v1;
	v0 =	vld.idx.msk [tilespmem:v44+s8+$0x0], $0xffff;
	[tilespmem:v13+s13+$0x0] =	vst.idx.msk $0xffff, v12  }
0x67c: {  	v3 =	vld [tilespmem:$0x1F670]  }
0x67d: {  	[tilespmem:v49+s13+$0x0] =	vst.idx.msk $0xffff, v7  }
0x67e: {  	v48 =	vor.u32 $0x1D, v60;
	[tilespmem:v56+s13+$0x0] =	vst.idx.msk $0xffff, v6  }
0x67f: {  	v8 =	vld [tilespmem:$0x1F8D0];
	[tilespmem:v21+s13+$0x0] =	vst.idx.msk $0xffff, v58  }
0x680: {  	[tilespmem:v59+s13+$0x0] =	vst.idx.msk $0xffff, v0  }
0x681: {  	v51 =	vor.u32 $0x1D, v62;
	v13 =	vld [tilespmem:$0x1F700];
	_ =	sdelay $0x1  }
0x682: {  	v20 =	vor.u32 $0x3D, v4;
	v5 =	vld.idx.msk [tilespmem:v48+s8+$0x0], $0xffff  }
0x683: {  	v17 =	vor.u32 $0x1E, v39;
	v3 =	vld.idx.msk [tilespmem:v3+s8+$0x0], $0xffff;
	_ =	sdelay $0x1  }
0x684: {  	v23 =	vor.u32 $0x3D, v9;
	v10 =	vld.idx.msk [tilespmem:v51+s8+$0x0], $0xffff  }
0x685: {  	v8 =	vld.idx.msk [tilespmem:v8+s8+$0x0], $0xffff  }
0x686: {  	v25 =	vld.idx.msk [tilespmem:v57+s8+$0x0], $0xffff;
	[tilespmem:v20+s13+$0x0] =	vst.idx.msk $0xffff, v5  }
0x687: {  	v26 =	vor.u32 $0x1E, v1;
	v2 =	vld.idx.msk [tilespmem:v17+s8+$0x0], $0xffff;
	[tilespmem:v13+s13+$0x0] =	vst.idx.msk $0xffff, v3  }
0x688: {  	v6 =	vld [tilespmem:$0x1F630]  }
0x689: {  	[tilespmem:v23+s13+$0x0] =	vst.idx.msk $0xffff, v10  }
0x68a: {  	v22 =	vor.u32 $0x1E, v50;
	[tilespmem:v55+s13+$0x0] =	vst.idx.msk $0xffff, v8  }
0x68b: {  	v11 =	vld [tilespmem:$0x1F810];
	[tilespmem:v19+s13+$0x0] =	vst.idx.msk $0xffff, v25  }
0x68c: {  	[tilespmem:v26+s13+$0x0] =	vst.idx.msk $0xffff, v2  }
0x68d: {  	v24 =	vor.u32 $0x1E, v53;
	v13 =	vld [tilespmem:$0x1F710];
	_ =	sdelay $0x1  }
0x68e: {  	v28 =	vor.u32 $0x1E, v4;
	v7 =	vld.idx.msk [tilespmem:v22+s8+$0x0], $0xffff  }
0x68f: {  	v27 =	vor.u32 $0x1E, v47;
	v6 =	vld.idx.msk [tilespmem:v6+s8+$0x0], $0xffff;
	_ =	sdelay $0x1  }
0x690: {  	v30 =	vor.u32 $0x1E, v9;
	v0 =	vld.idx.msk [tilespmem:v24+s8+$0x0], $0xffff  }
0x691: {  	v11 =	vld.idx.msk [tilespmem:v11+s8+$0x0], $0xffff  }
0x692: {  	v32 =	vld.idx.msk [tilespmem:v34+s8+$0x0], $0xffff;
	[tilespmem:v28+s13+$0x0] =	vst.idx.msk $0xffff, v7  }
0x693: {  	v5 =	vld.idx.msk [tilespmem:v27+s8+$0x0], $0xffff;
	v34 =	vor.u32 $0x3E, v1;
	[tilespmem:v13+s13+$0x0] =	vst.idx.msk $0xffff, v6  }
0x694: {  	v8 =	vld [tilespmem:$0x1F680]  }
0x695: {  	[tilespmem:v30+s13+$0x0] =	vst.idx.msk $0xffff, v0  }
0x696: {  	v29 =	vor.u32 $0x1E, v60;
	[tilespmem:v52+s13+$0x0] =	vst.idx.msk $0xffff, v11  }
0x697: {  	v12 =	vld [tilespmem:$0x1F8E0];
	[tilespmem:v18+s13+$0x0] =	vst.idx.msk $0xffff, v32  }
0x698: {  	[tilespmem:v34+s13+$0x0] =	vst.idx.msk $0xffff, v5  }
0x699: {  	v31 =	vor.u32 $0x1E, v62;
	v13 =	vld [tilespmem:$0x1F720];
	_ =	sdelay $0x1  }
0x69a: {  	v35 =	vor.u32 $0x1F, v39;
	v39 =	vor.u32 $0x3E, v4;
	v10 =	vld.idx.msk [tilespmem:v29+s8+$0x0], $0xffff  }
0x69b: {  	v8 =	vld.idx.msk [tilespmem:v8+s8+$0x0], $0xffff;
	_ =	sdelay $0x1  }
0x69c: {  	v44 =	vor.u32 $0x3E, v9;
	v2 =	vld.idx.msk [tilespmem:v31+s8+$0x0], $0xffff  }
0x69d: {  	v48 =	vld.idx.msk [tilespmem:v37+s8+$0x0], $0xffff  }
0x69e: {  	v49 =	vor.u32 $0x1F, v1;
	v7 =	vld.idx.msk [tilespmem:v35+s8+$0x0], $0xffff;
	[tilespmem:v39+s13+$0x0] =	vst.idx.msk $0xffff, v10  }
0x69f: {  	v12 =	vld.idx.msk [tilespmem:v12+s8+$0x0], $0xffff;
	[tilespmem:v13+s13+$0x0] =	vst.idx.msk $0xffff, v8  }
0x6a0: {  	v11 =	vld [tilespmem:$0x1F640]  }
0x6a1: {  	[tilespmem:v44+s13+$0x0] =	vst.idx.msk $0xffff, v2  }
0x6a2: {  	v41 =	vor.u32 $0x1F, v50;
	[tilespmem:v16+s13+$0x0] =	vst.idx.msk $0xffff, v48  }
0x6a3: {  	[tilespmem:v49+s13+$0x0] =	vst.idx.msk $0xffff, v7  }
0x6a4: {  	[tilespmem:v43+s13+$0x0] =	vst.idx.msk $0xffff, v12  }
0x6a5: {  	v13 =	vld [tilespmem:$0x1F730]  }
0x6a6: {  	v46 =	vor.u32 $0x1F, v53  }
0x6a7: {  	v51 =	vor.u32 $0x1F, v4;
	v0 =	vld.idx.msk [tilespmem:v41+s8+$0x0], $0xffff  }
0x6a8: {  	v50 =	vor.u32 $0x1F, v47;
	v11 =	vld.idx.msk [tilespmem:v11+s8+$0x0], $0xffff;
	_ =	sdelay $0x1  }
0x6a9: {  	v53 =	vld.idx.msk [tilespmem:v63+s8+$0x0], $0xffff  }
0x6aa: {  	v55 =	vor.u32 $0x1F, v9;
	v5 =	vld.idx.msk [tilespmem:v46+s8+$0x0], $0xffff  }
0x6ab: {  	v52 =	vor.u32 $0x1F, v60;
	v57 =	vld.idx.msk [tilespmem:v33+s8+$0x0], $0xffff;
	[tilespmem:v51+s13+$0x0] =	vst.idx.msk $0xffff, v0  }
0x6ac: {  	v58 =	vor.u32 $0x3F, v1;
	v10 =	vld.idx.msk [tilespmem:v50+s8+$0x0], $0xffff;
	[tilespmem:v13+s13+$0x0] =	vst.idx.msk $0xffff, v11  }
0x6ad: {  	v0 =	vld [tilespmem:$0x1F690]  }
0x6ae: {  	v56 =	vor.u32 $0x1F, v62;
	[tilespmem:v38+s13+$0x0] =	vst.idx.msk $0xffff, v53  }
0x6af: {  	[tilespmem:v55+s13+$0x0] =	vst.idx.msk $0xffff, v5  }
0x6b0: {  	v2 =	vld.idx.msk [tilespmem:v52+s8+$0x0], $0xffff;
	[tilespmem:v36+s13+$0x0] =	vst.idx.msk $0xffff, v57  }
0x6b1: {  	v59 =	vor.u32 $0x3F, v4;
	[tilespmem:v58+s13+$0x0] =	vst.idx.msk $0xffff, v10;
	v60 =	vld.idx.msk [tilespmem:v61+s8+$0x0], $0xffff  }
0x6b2: {  	v63 =	vld [tilespmem:$0x1F740]  }
0x6b3: {  	v5 =	vld.idx.msk [tilespmem:v56+s8+$0x0], $0xffff;
	v61 =	vor.u32 $0x3F, v9  }
0x6b4: {  	v62 =	vld.idx.msk [tilespmem:v42+s8+$0x0], $0xffff  }
0x6b5: {  	v0 =	vld.idx.msk [tilespmem:v0+s8+$0x0], $0xffff  }
0x6b6: {  	[tilespmem:v59+s13+$0x0] =	vst.idx.msk $0xffff, v2  }
0x6b7: {  	[tilespmem:v40+s13+$0x0] =	vst.idx.msk $0xffff, v60  }
0x6b8: {  	s15 =	sadd.s32 $0x1, s15;
	[tilespmem:v61+s13+$0x0] =	vst.idx.msk $0xffff, v5  }
0x6b9: {  	p0 =	sne.s32 s15, s7;
	[tilespmem:v54+s13+$0x0] =	vst.idx.msk $0xffff, v62  }
.Ltmp2:
0x6ba: {  	[tilespmem:v63+s13+$0x0] =	vst.idx.msk $0xffff, v0;
	(pc) =	sbr.rel @p0 .LBB2_1-.Ltmp2, $4  }
0x6bb: {  	[hbm4b:s6+s2] =	stream.linear.scatter [tilespmem:s13], [sflag:$0x2], $0x8000, $0x38;
	[tilespmem:$0x18600] =	vst v63  }
0x6bc: {  	_ =	swait.ge [sflag:s14], $0x8000  }
0x6bd: {  	[sflag:s14] =	ssyncset.done $0x0  }
0x6be: {  	[sflag:s14] =	ssyncadd.s32 $0xFFFF8000  }
0x6bf: {  	_ =	sfence.sel $0x180000  }
0x6c0: {  	[bflag:$0x0] =	sbarrier.arrive $0xFFFF  }
0x6c1: {  	p0 =	sne.s32 s0, $0x0;
	_ =	strace $0x90000047  }
0x6c2: {  	s0 =	sadd.s32 @!p0 $0x100000, s1;
	[bflag:$0x2] =	sbarrier.arrive $0xFFFF  }
0x6c3: {  	[sflag:s0] =	ssyncadd.tile.s32 @!p0 $0x1;
	_ =	shalt  }
.Lfunc_end2:
_tile_overlayer_lowered:
.L_overlay_start_2:
0x6c4: {  	(tag) =	ssettag $0x2  }
0x6c5: {  	s0 =	rddreg [dreg:$0x0];
	s2 =	stileid.u32  }
0x6c6: {  	s1 =	rddreg [dreg:$0x1];
	p0 =	sne.s32 s2, $0x0  }
0x6c7: {  	s3 =	rddreg [dreg:$0x2];
	[bflag:$0x3] =	sbarrier.arrive $0xFFFF;
	s2 =	simm.s32 @!p0 $0x1C02  }
0x6c8: {  	[timem:s3], [sflag:s2] =	dma.local @!p0 [hbm:s0], s1  }
0x6c9: {  	s0 =	simm.s32 @!p0 $0x2  }
0x6ca: {  	_ =	swait.ge @!p0 [sflag:s0], s1  }
0x6cb: {  	s1 =	ssub.s32 @!p0 $0x0, s1;
	[sflag:s0] =	ssyncset.done @!p0 $0x0  }
0x6cc: {  	[sflag:s0] =	ssyncadd.s32 @!p0 s1  }
0x6cd: {  	[bflag:$0x3] =	sbarrier.arrive $0xFFFF  }
0x6ce: {  	_ =	shalt  }

</sc_bundles>
